<compile_context>
chip_gen: v7x
topology: tpu7x:2x2x1
jax: 0.10.2.dev20260603
libtpu: 0.0.44.dev20260713+nightly
codegen_flags: <defaults>
</compile_context>

<pallas_src>
import functools

import jax
import jax.numpy as jnp
from jax import lax
from jax.experimental import pallas as pl
from jax.experimental.pallas import tpu as pltpu
from jax.experimental.pallas import tpu_sc as plsc

H, W = 384, 640
MAX_DET = 100
IOU_TH = 0.5
SCORE_TH = 0.5
N = 20000

NT = 16
CPT = 1280
NP = NT * CPT
NCHUNK = CPT // 16
WCHUNK = 7
OUTP = 112
MROW = 28 * 28
NEG = float(jnp.finfo(jnp.float32).min)
BIG_I = 2 ** 30


def _splat_i(x):
    return jnp.full((16,), x, jnp.int32)


def _splat_f(x):
    return jnp.full((16,), x, jnp.float32)


def _body(prop_hbm, logit_hbm, delta_hbm, mask_hbm,
          boxes_hbm, scores_hbm, classes_hbm, maskout_hbm,
          prop_vm, logit_vm, delta_vm,
          x1_vm, y1_vm, x2_vm, y2_vm, area_vm, work_vm,
          wx1_vm, wy1_vm, wx2_vm, wy2_vm, war_vm,
          cand_vm, row_vm, keep_vm, bvm, svm, cvm,
          rb0, rb1, rb2, rb3, rb4, rb5, rb6, mout_vm, shared, sem):
    c = lax.axis_index("c")
    s = lax.axis_index("s")

    @pl.when(c == 0)
    def _core0():
        t = s
        base = t * CPT
        iota_i = lax.iota(jnp.int32, 16)
        neg = jnp.float32(NEG)
        zero16 = _splat_f(0.0)
        lane0 = iota_i == 0

        pltpu.sync_copy(prop_hbm.at[pl.ds(base * 4, CPT * 4)], prop_vm)
        pltpu.sync_copy(logit_hbm.at[pl.ds(base * 2, CPT * 2)], logit_vm)
        pltpu.sync_copy(delta_hbm.at[pl.ds(base * 4, CPT * 4)], delta_vm)

        for wch in range(WCHUNK):
            sl = pl.ds(16 * wch, 16)
            wx1_vm[sl] = zero16
            wy1_vm[sl] = zero16
            wx2_vm[sl] = zero16
            wy2_vm[sl] = zero16
            war_vm[sl] = zero16

        def decode_chunk(j, carry):
            bval, bidx = carry
            rows = 16 * j + iota_i
            col4 = lambda ref, cc: plsc.load_gather(ref, [rows * 4 + cc])
            col2 = lambda ref, cc: plsc.load_gather(ref, [rows * 2 + cc])
            px1 = col4(prop_vm, 0)
            py1 = col4(prop_vm, 1)
            px2 = col4(prop_vm, 2)
            py2 = col4(prop_vm, 3)
            l0 = col2(logit_vm, 0)
            l1 = col2(logit_vm, 1)
            dx = col4(delta_vm, 0)
            dy = col4(delta_vm, 1)
            dw = col4(delta_vm, 2)
            dh = col4(delta_vm, 3)
            ww = px2 - px1
            hh = py2 - py1
            pcx = dx * ww + (px1 + 0.5 * ww)
            pcy = dy * hh + (py1 + 0.5 * hh)
            pw = jnp.exp(dw) * ww
            ph = jnp.exp(dh) * hh
            x1 = jnp.clip(pcx - 0.5 * pw, 0.0, W - 1.0)
            y1 = jnp.clip(pcy - 0.5 * ph, 0.0, H - 1.0)
            x2 = jnp.clip(pcx + 0.5 * pw, 0.0, W - 1.0)
            y2 = jnp.clip(pcy + 0.5 * ph, 0.0, H - 1.0)
            area = jnp.maximum(x2 - x1, 0.0) * jnp.maximum(y2 - y1, 0.0)
            m = jnp.maximum(l0, l1)
            e0 = jnp.exp(l0 - m)
            e1 = jnp.exp(l1 - m)
            sc = e1 / (e0 + e1)
            gid = _splat_i(base) + 16 * j + iota_i
            wk = jnp.where(sc >= SCORE_TH, sc, neg)
            wk = jnp.where(gid < N, wk, neg)
            sl = pl.ds(16 * j, 16)
            x1_vm[sl] = x1
            y1_vm[sl] = y1
            x2_vm[sl] = x2
            y2_vm[sl] = y2
            area_vm[sl] = area
            work_vm[sl] = wk
            upd = wk > bval
            return jnp.maximum(bval, wk), jnp.where(upd, gid, bidx)

        def best_from(bval, bidx):
            lv = jnp.max(bval)
            li = jnp.min(jnp.where(bval == lv, bidx, jnp.int32(BIG_I)))
            loff = li - base
            gat = lambda ref: plsc.load_gather(ref, [_splat_i(loff)])[0]
            return (lv, li, gat(x1_vm), gat(y1_vm), gat(x2_vm),
                    gat(y2_vm), gat(area_vm))

        def write_row(st, parity):
            lv, li, mx1, my1, mx2, my2, mar = st
            r = zero16
            r = jnp.where(iota_i == 0, lv, r)
            r = jnp.where(iota_i == 1, li.astype(jnp.float32), r)
            r = jnp.where(iota_i == 2, mx1, r)
            r = jnp.where(iota_i == 3, my1, r)
            r = jnp.where(iota_i == 4, mx2, r)
            r = jnp.where(iota_i == 5, my2, r)
            r = jnp.where(iota_i == 6, mar, r)
            row_vm[...] = r
            pltpu.sync_copy(row_vm, shared.at[parity, pl.ds(t * 16, 16)])

        bval0, bidx0 = lax.fori_loop(
            0, NCHUNK, decode_chunk, (_splat_f(neg), _splat_i(0)))
        st0 = best_from(bval0, bidx0)
        write_row(st0, 0)
        write_row(st0, 1)

        def rescan_cond(rst):
            return jnp.logical_not(rst[0])

        def make_rescan(i):
            def rescan(rst):
                def maxscan(j, carry):
                    bval, bidx = carry
                    wk = work_vm[pl.ds(16 * j, 16)]
                    gid = _splat_i(base + 16 * j) + iota_i
                    upd = wk > bval
                    return (jnp.maximum(bval, wk),
                            jnp.where(upd, gid, bidx))

                bval, bidx = lax.fori_loop(
                    0, NCHUNK, maxscan, (_splat_f(neg), _splat_i(0)))
                lv, li, mx1, my1, mx2, my2, mar = best_from(bval, bidx)

                def valchunk(wch, acc):
                    sl = pl.ds(16 * wch, 16)
                    qx1 = jnp.maximum(wx1_vm[sl], mx1)
                    qy1 = jnp.maximum(wy1_vm[sl], my1)
                    qx2 = jnp.minimum(wx2_vm[sl], mx2)
                    qy2 = jnp.minimum(wy2_vm[sl], my2)
                    inter = (jnp.maximum(qx2 - qx1, 0.0)
                             * jnp.maximum(qy2 - qy1, 0.0))
                    iou = inter / (war_vm[sl] + mar - inter + 1e-8)
                    wid = 16 * wch + iota_i
                    hit = (iou > IOU_TH) & (wid <= i)
                    return acc | jnp.any(hit)

                supp = lax.fori_loop(0, WCHUNK, valchunk, False)
                plsc.store_scatter(work_vm, [_splat_i(li - base)],
                                   _splat_f(neg), mask=lane0 & supp)
                return (jnp.logical_not(supp), lv, li, mx1, my1, mx2,
                        my2, mar)

            return rescan

        def nms_round(i, carry):
            lv, li, mx1, my1, mx2, my2, mar, chg_prev = carry
            plsc.subcore_barrier()
            p = lax.rem(i, 2)
            pltpu.sync_copy(shared.at[p], cand_vm)
            vals = plsc.load_gather(cand_vm, [iota_i * 16])
            idxf = plsc.load_gather(cand_vm, [iota_i * 16 + 1])
            gv = jnp.max(vals)
            gidx = jnp.min(jnp.where(vals == gv,
                                     idxf.astype(jnp.int32),
                                     jnp.int32(BIG_I)))
            ok = gv >= SCORE_TH
            wbase = (gidx // CPT) * 16
            wrow = cand_vm[pl.ds(wbase, 16)]
            wx1 = wrow[2]
            wy1 = wrow[3]
            wx2 = wrow[4]
            wy2 = wrow[5]
            war = wrow[6]
            okm = lane0 & ok
            plsc.store_scatter(wx1_vm, [_splat_i(i)], _splat_f(wx1),
                               mask=okm)
            plsc.store_scatter(wy1_vm, [_splat_i(i)], _splat_f(wy1),
                               mask=okm)
            plsc.store_scatter(wx2_vm, [_splat_i(i)], _splat_f(wx2),
                               mask=okm)
            plsc.store_scatter(wy2_vm, [_splat_i(i)], _splat_f(wy2),
                               mask=okm)
            plsc.store_scatter(war_vm, [_splat_i(i)], _splat_f(war),
                               mask=okm)
            plsc.store_scatter(
                keep_vm, [_splat_i(i)],
                _splat_i(jnp.where(ok, gidx, jnp.int32(-1))), mask=lane0)

            @pl.when(t == 0)
            def _rec():
                boxrow = plsc.load_gather(
                    cand_vm, [_splat_i(wbase + 2) + iota_i])
                boxrow = jnp.where(ok, boxrow, 0.0)
                plsc.store_scatter(bvm, [_splat_i(i), iota_i], boxrow,
                                   mask=iota_i < 4)
                plsc.store_scatter(
                    svm, [_splat_i(i)],
                    _splat_f(jnp.where(ok, gv, jnp.float32(0.0))),
                    mask=lane0)
                plsc.store_scatter(
                    cvm, [_splat_i(i)],
                    _splat_i(jnp.where(ok, 1, 0).astype(jnp.int32)),
                    mask=lane0)

            sel = ok & (li == gidx)
            qx1 = jnp.maximum(_splat_f(wx1), _splat_f(mx1))
            qy1 = jnp.maximum(_splat_f(wy1), _splat_f(my1))
            qx2 = jnp.minimum(_splat_f(wx2), _splat_f(mx2))
            qy2 = jnp.minimum(_splat_f(wy2), _splat_f(my2))
            inter = (jnp.maximum(qx2 - qx1, 0.0)
                     * jnp.maximum(qy2 - qy1, 0.0))
            iou_mine = inter / (_splat_f(mar) + _splat_f(war)
                                - inter + 1e-8)
            dead = ok & (sel | (iou_mine[0] > IOU_TH))
            plsc.store_scatter(work_vm, [_splat_i(li - base)],
                               _splat_f(neg), mask=lane0 & dead)
            rst = lax.while_loop(
                rescan_cond, make_rescan(i),
                (jnp.logical_not(dead), lv, li, mx1, my1, mx2, my2, mar))
            st = rst[1:]

            @pl.when(dead | chg_prev)
            def _pub():
                write_row(st, lax.rem(i + 1, 2))

            return st + (dead,)

        lax.fori_loop(0, MAX_DET, nms_round,
                      st0 + (jnp.bool_(False),))

        ridx = t + 16 * iota_i
        rmask = ridx < MAX_DET
        kvals = plsc.load_gather(
            keep_vm, [jnp.minimum(ridx, MAX_DET - 1)])
        validv = jnp.where(rmask & (kvals >= 0),
                           jnp.float32(1.0), jnp.float32(0.0))
        safev = jnp.where(rmask, jnp.clip(kvals, 0, N - 1), 0)
        rbufs = [rb0, rb1, rb2, rb3, rb4, rb5, rb6]
        descs = []
        for k in range(7):
            descs.append(pltpu.async_copy(
                mask_hbm.at[safev[k]], rbufs[k], sem))
        for d in descs:
            d.wait()

        for k in range(7):
            r = t + 16 * k
            vmul = validv[k]

            def ext(jj, _, k=k, vmul=vmul):
                v = rbufs[k][pl.ds(16 * jj, 16)]
                mout_vm[pl.ds(16 * jj, 16)] = v * vmul
                return 0

            lax.fori_loop(0, 49, ext, 0)

            @pl.when(r < MAX_DET)
            def _wr(r=r):
                pltpu.sync_copy(mout_vm, maskout_hbm.at[r])

        @pl.when(t == 0)
        def _fin():
            pltpu.sync_copy(bvm, boxes_hbm)
            pltpu.sync_copy(svm, scores_hbm)
            pltpu.sync_copy(cvm, classes_hbm)


_mesh = plsc.VectorSubcoreMesh(
    core_axis_name="c", subcore_axis_name="s", num_cores=2, num_subcores=16)

_sc_call = functools.partial(
    pl.kernel,
    out_type=(
        jax.ShapeDtypeStruct((OUTP, 4), jnp.float32),
        jax.ShapeDtypeStruct((OUTP,), jnp.float32),
        jax.ShapeDtypeStruct((OUTP,), jnp.int32),
        jax.ShapeDtypeStruct((MAX_DET, 28 * 28), jnp.float32),
    ),
    mesh=_mesh,
    compiler_params=pltpu.CompilerParams(needs_layout_passes=False),
    scratch_types=[
        pltpu.VMEM((CPT * 4,), jnp.float32),
        pltpu.VMEM((CPT * 2,), jnp.float32),
        pltpu.VMEM((CPT * 4,), jnp.float32),
        pltpu.VMEM((CPT,), jnp.float32),
        pltpu.VMEM((CPT,), jnp.float32),
        pltpu.VMEM((CPT,), jnp.float32),
        pltpu.VMEM((CPT,), jnp.float32),
        pltpu.VMEM((CPT,), jnp.float32),
        pltpu.VMEM((CPT,), jnp.float32),
        pltpu.VMEM((OUTP,), jnp.float32),
        pltpu.VMEM((OUTP,), jnp.float32),
        pltpu.VMEM((OUTP,), jnp.float32),
        pltpu.VMEM((OUTP,), jnp.float32),
        pltpu.VMEM((OUTP,), jnp.float32),
        pltpu.VMEM((NT * 16,), jnp.float32),
        pltpu.VMEM((16,), jnp.float32),
        pltpu.VMEM((OUTP,), jnp.int32),
        pltpu.VMEM((OUTP, 4), jnp.float32),
        pltpu.VMEM((OUTP,), jnp.float32),
        pltpu.VMEM((OUTP,), jnp.int32),
        pltpu.VMEM((MROW,), jnp.float32),
        pltpu.VMEM((MROW,), jnp.float32),
        pltpu.VMEM((MROW,), jnp.float32),
        pltpu.VMEM((MROW,), jnp.float32),
        pltpu.VMEM((MROW,), jnp.float32),
        pltpu.VMEM((MROW,), jnp.float32),
        pltpu.VMEM((MROW,), jnp.float32),
        pltpu.VMEM((28 * 28,), jnp.float32),
        pltpu.VMEM_SHARED((2, NT * 16), jnp.float32),
        pltpu.SemaphoreType.DMA,
    ],
)(_body)


def kernel(proposals, cls_logits, bbox_preds, mask_preds):
    pad = NP - N
    prop = jnp.pad(proposals.reshape(-1), (0, pad * 4))
    logit = jnp.pad(cls_logits.reshape(-1), (0, pad * 2))
    delta = jnp.pad(bbox_preds[:, 4:8].reshape(-1), (0, pad * 4))
    masks = mask_preds.reshape(N, MROW, 2)[:, :, 1]
    boxes, scores, classes, masksout = _sc_call(prop, logit, delta, masks)
    return (boxes[:MAX_DET], scores[:MAX_DET], classes[:MAX_DET],
            masksout.reshape(MAX_DET, 28, 28))

# --- scband reference (transcript-rebuilt; emitter-appended) ---
"""Pipeline reference for scband-faster-rcnn-55405078119173 (READ-ONLY COPY).

The authoritative reference and input builder live on the scoring server;
editing this copy changes nothing except your own understanding.
"""

import jax, jax.numpy as jnp
import numpy as np

H, W = 384, 640
MAX_DET = 100
IOU_TH = 0.5
SCORE_TH = 0.5
N = 20000


def setup_inputs(seed: int = 0) -> dict:
    key = jax.random.key(seed)
    k1, k2, k3, k4, k5, k6, k7 = jax.random.split(key, 7)
    # proposals: uniform-random valid boxes inside the 384x640 image (fill='rand')
    cx = jax.random.uniform(k1, (N,), minval=0.0, maxval=float(W))
    cy = jax.random.uniform(k2, (N,), minval=0.0, maxval=float(H))
    bw = jax.random.uniform(k3, (N,), minval=8.0, maxval=160.0)
    bh = jax.random.uniform(k4, (N,), minval=8.0, maxval=160.0)
    proposals = jnp.stack([cx - bw / 2, cy - bh / 2, cx + bw / 2, cy + bh / 2], axis=1)
    cls_logits = jax.random.normal(k5, (N, 2), dtype=jnp.float32)
    bbox_preds = jax.random.normal(k6, (N, 8), dtype=jnp.float32) * 0.1
    mask_preds = jax.random.normal(k7, (N, 28, 28, 2), dtype=jnp.float32)
    return {
        "proposals": proposals,
        "cls_logits": cls_logits,
        "bbox_preds": bbox_preds,
        "mask_preds": mask_preds,
    }


def _decode_boxes(proposals, deltas):
    widths = proposals[:, 2] - proposals[:, 0]
    heights = proposals[:, 3] - proposals[:, 1]
    ctr_x = proposals[:, 0] + 0.5 * widths
    ctr_y = proposals[:, 1] + 0.5 * heights
    dx, dy, dw, dh = deltas[:, 0], deltas[:, 1], deltas[:, 2], deltas[:, 3]
    pred_cx = dx * widths + ctr_x
    pred_cy = dy * heights + ctr_y
    pred_w = jnp.exp(dw) * widths
    pred_h = jnp.exp(dh) * heights
    x1 = pred_cx - 0.5 * pred_w
    y1 = pred_cy - 0.5 * pred_h
    x2 = pred_cx + 0.5 * pred_w
    y2 = pred_cy + 0.5 * pred_h
    return jnp.stack([x1, y1, x2, y2], axis=1)


def _nms(boxes, scores):
    # Greedy NMS matching tf.image.non_max_suppression semantics, fixed-size output.
    neg_inf = jnp.finfo(scores.dtype).min
    work = jnp.where(scores >= SCORE_TH, scores, neg_inf)
    areas = jnp.maximum(boxes[:, 2] - boxes[:, 0], 0.0) * jnp.maximum(boxes[:, 3] - boxes[:, 1], 0.0)
    n = boxes.shape[0]
    idx_range = jnp.arange(n)

    def body(i, state):
        work, keep, valid = state
        idx = jnp.argmax(work)
        s = work[idx]
        ok = s >= SCORE_TH
        keep = keep.at[i].set(jnp.where(ok, idx.astype(jnp.int32), -1))
        valid = valid.at[i].set(ok)
        box = boxes[idx]
        xx1 = jnp.maximum(box[0], boxes[:, 0])
        yy1 = jnp.maximum(box[1], boxes[:, 1])
        xx2 = jnp.minimum(box[2], boxes[:, 2])
        yy2 = jnp.minimum(box[3], boxes[:, 3])
        inter = jnp.maximum(xx2 - xx1, 0.0) * jnp.maximum(yy2 - yy1, 0.0)
        iou = inter / (areas + areas[idx] - inter + 1e-8)
        suppress = (iou > IOU_TH) | (idx_range == idx)
        work = jnp.where(suppress & ok, neg_inf, work)
        return (work, keep, valid)

    keep = jnp.full((MAX_DET,), -1, dtype=jnp.int32)
    valid = jnp.zeros((MAX_DET,), dtype=bool)
    work, keep, valid = jax.lax.fori_loop(0, MAX_DET, body, (work, keep, valid))
    return keep, valid


def reference(proposals, cls_logits, bbox_preds, mask_preds):
    # Faithful jax translation of FasterRCNN._postprocess (inference path).
    probs = jax.nn.softmax(cls_logits, axis=-1)
    scores = probs[:, 1]
    deltas = bbox_preds[:, 4:8]
    boxes = _decode_boxes(proposals, deltas)
    x1 = jnp.clip(boxes[:, 0], 0.0, W - 1.0)
    y1 = jnp.clip(boxes[:, 1], 0.0, H - 1.0)
    x2 = jnp.clip(boxes[:, 2], 0.0, W - 1.0)
    y2 = jnp.clip(boxes[:, 3], 0.0, H - 1.0)
    boxes = jnp.stack([x1, y1, x2, y2], axis=1)
    keep, valid = _nms(boxes, scores)
    safe = jnp.where(keep >= 0, keep, 0)
    boxes_out = jnp.where(valid[:, None], boxes[safe], 0.0)
    scores_out = jnp.where(valid, scores[safe], 0.0)
    classes = jnp.where(valid, 1, 0).astype(jnp.int32)
    masks_out = jnp.where(valid[:, None, None], mask_preds[safe, :, :, 1], 0.0)
    return (boxes_out, scores_out, classes, masks_out)

if __name__ == "__main__":
    import jax
    _d = setup_inputs()
    print(jax.jit(kernel)(*tuple(_d.values())))

</pallas_src>

<mosaic_0001>
#map = affine_map<(d0, d1) -> (0)>
#map1 = affine_map<(d0, d1) -> (0, 0)>
module attributes {stable_mosaic.version = 14 : i64} {
  func.func @_body(%arg0: i32, %arg1: i32, %arg2: memref<81920xf32, #tpu.memory_space<hbm>>, %arg3: memref<40960xf32, #tpu.memory_space<hbm>>, %arg4: memref<81920xf32, #tpu.memory_space<hbm>>, %arg5: memref<20000x784xf32, #tpu.memory_space<hbm>>, %arg6: memref<112x4xf32, #tpu.memory_space<hbm>>, %arg7: memref<112xf32, #tpu.memory_space<hbm>>, %arg8: memref<112xi32, #tpu.memory_space<hbm>>, %arg9: memref<100x784xf32, #tpu.memory_space<hbm>>, %arg10: memref<5120xf32, #tpu.memory_space<vmem>>, %arg11: memref<2560xf32, #tpu.memory_space<vmem>>, %arg12: memref<5120xf32, #tpu.memory_space<vmem>>, %arg13: memref<1280xf32, #tpu.memory_space<vmem>>, %arg14: memref<1280xf32, #tpu.memory_space<vmem>>, %arg15: memref<1280xf32, #tpu.memory_space<vmem>>, %arg16: memref<1280xf32, #tpu.memory_space<vmem>>, %arg17: memref<1280xf32, #tpu.memory_space<vmem>>, %arg18: memref<1280xf32, #tpu.memory_space<vmem>>, %arg19: memref<112xf32, #tpu.memory_space<vmem>>, %arg20: memref<112xf32, #tpu.memory_space<vmem>>, %arg21: memref<112xf32, #tpu.memory_space<vmem>>, %arg22: memref<112xf32, #tpu.memory_space<vmem>>, %arg23: memref<112xf32, #tpu.memory_space<vmem>>, %arg24: memref<256xf32, #tpu.memory_space<vmem>>, %arg25: memref<16xf32, #tpu.memory_space<vmem>>, %arg26: memref<112xi32, #tpu.memory_space<vmem>>, %arg27: memref<112x4xf32, #tpu.memory_space<vmem>>, %arg28: memref<112xf32, #tpu.memory_space<vmem>>, %arg29: memref<112xi32, #tpu.memory_space<vmem>>, %arg30: memref<784xf32, #tpu.memory_space<vmem>>, %arg31: memref<784xf32, #tpu.memory_space<vmem>>, %arg32: memref<784xf32, #tpu.memory_space<vmem>>, %arg33: memref<784xf32, #tpu.memory_space<vmem>>, %arg34: memref<784xf32, #tpu.memory_space<vmem>>, %arg35: memref<784xf32, #tpu.memory_space<vmem>>, %arg36: memref<784xf32, #tpu.memory_space<vmem>>, %arg37: memref<784xf32, #tpu.memory_space<vmem>>, %arg38: memref<2x256xf32, #tpu.memory_space<vmem_shared>>, %arg39: memref<!tpu.dma_semaphore, #tpu.memory_space<semaphore_mem>>) attributes {dimension_semantics = [#tpu.dimension_semantics<core_parallel>, #tpu.dimension_semantics<subcore_parallel>], iteration_bounds = array<i64: 2, 16>, scalar_prefetch = 0 : i64, scratch_operands = 30 : i64, tpu.core_type = #tpu.core_type<sc_vector_subcore>, window_params = [{transform_indices = #map}, {transform_indices = #map}, {transform_indices = #map}, {transform_indices = #map1}, {transform_indices = #map1}, {transform_indices = #map}, {transform_indices = #map}, {transform_indices = #map1}]} {
    %eq3A = arith.constant 0 : i32
    %eq3A_0 = arith.cmpi eq, %arg0, %eq3A : i32
    %convert_element_type3A = arith.extui %eq3A_0 : i1 to i32
    %cond3A = arith.constant 0 : i32
    %cond3A_1 = arith.cmpi ne, %convert_element_type3A, %cond3A : i32
    scf.if %cond3A_1 {
      %mul3A = arith.constant 1280 : i32
      %mul3A_2 = arith.muli %arg1, %mul3A : i32
      %iota3A = tpu.iota {dimensions = array<i32: 0>} : vector<16xi32>
      %broadcast_in_dim3A = arith.constant 0.000000e+00 : f32
      %broadcast_in_dim3A_3 = vector.broadcast %broadcast_in_dim3A : f32 to vector<16xf32>
      %eq3A_4 = arith.constant 0 : i32
      %eq3A_5 = vector.broadcast %eq3A_4 : i32 to vector<16xi32>
      %eq3A_6 = arith.cmpi eq, %iota3A, %eq3A_5 : vector<16xi32>
      %mul3A_7 = arith.constant 4 : i32
      %mul3A_8 = arith.muli %mul3A_2, %mul3A_7 : i32
      "tpu.region"() ({
        %run_scoped3A_448 = tpu.sem_alloc : memref<!tpu.dma_semaphore, #tpu.memory_space<semaphore_mem>>
        %dma_start3A_449 = tpu.memref_slice %arg2[%mul3A_8] : memref<81920xf32, #tpu.memory_space<hbm>> -> memref<5120xf32, #tpu.memory_space<hbm>>
        %dma_start3A_450 = tpu.memref_slice %arg2[%mul3A_8] : memref<81920xf32, #tpu.memory_space<hbm>> -> memref<5120xf32, #tpu.memory_space<hbm>>
        tpu.enqueue_dma source(%dma_start3A_450 : memref<5120xf32, #tpu.memory_space<hbm>>) target(%arg10 : memref<5120xf32, #tpu.memory_space<vmem>>) target_semaphore(%run_scoped3A_448 : memref<!tpu.dma_semaphore, #tpu.memory_space<semaphore_mem>>)
        %dma_wait3A_451 = tpu.memref_slice %arg2[%mul3A_8] : memref<81920xf32, #tpu.memory_space<hbm>> -> memref<5120xf32, #tpu.memory_space<hbm>>
        %dma_wait3A_452 = tpu.memref_slice %arg2[%mul3A_8] : memref<81920xf32, #tpu.memory_space<hbm>> -> memref<5120xf32, #tpu.memory_space<hbm>>
        tpu.wait_dma2 semaphore(%run_scoped3A_448 : memref<!tpu.dma_semaphore, #tpu.memory_space<semaphore_mem>>) src(%dma_wait3A_452 : memref<5120xf32, #tpu.memory_space<hbm>>) dst(%arg10 : memref<5120xf32, #tpu.memory_space<vmem>>)
        tpu.yield
      }) : () -> ()
      %mul3A_9 = arith.constant 2 : i32
      %mul3A_10 = arith.muli %mul3A_2, %mul3A_9 : i32
      "tpu.region"() ({
        %run_scoped3A_448 = tpu.sem_alloc : memref<!tpu.dma_semaphore, #tpu.memory_space<semaphore_mem>>
        %dma_start3A_449 = tpu.memref_slice %arg3[%mul3A_10] : memref<40960xf32, #tpu.memory_space<hbm>> -> memref<2560xf32, #tpu.memory_space<hbm>>
        %dma_start3A_450 = tpu.memref_slice %arg3[%mul3A_10] : memref<40960xf32, #tpu.memory_space<hbm>> -> memref<2560xf32, #tpu.memory_space<hbm>>
        tpu.enqueue_dma source(%dma_start3A_450 : memref<2560xf32, #tpu.memory_space<hbm>>) target(%arg11 : memref<2560xf32, #tpu.memory_space<vmem>>) target_semaphore(%run_scoped3A_448 : memref<!tpu.dma_semaphore, #tpu.memory_space<semaphore_mem>>)
        %dma_wait3A_451 = tpu.memref_slice %arg3[%mul3A_10] : memref<40960xf32, #tpu.memory_space<hbm>> -> memref<2560xf32, #tpu.memory_space<hbm>>
        %dma_wait3A_452 = tpu.memref_slice %arg3[%mul3A_10] : memref<40960xf32, #tpu.memory_space<hbm>> -> memref<2560xf32, #tpu.memory_space<hbm>>
        tpu.wait_dma2 semaphore(%run_scoped3A_448 : memref<!tpu.dma_semaphore, #tpu.memory_space<semaphore_mem>>) src(%dma_wait3A_452 : memref<2560xf32, #tpu.memory_space<hbm>>) dst(%arg11 : memref<2560xf32, #tpu.memory_space<vmem>>)
        tpu.yield
      }) : () -> ()
      %mul3A_11 = arith.constant 4 : i32
      %mul3A_12 = arith.muli %mul3A_2, %mul3A_11 : i32
      "tpu.region"() ({
        %run_scoped3A_448 = tpu.sem_alloc : memref<!tpu.dma_semaphore, #tpu.memory_space<semaphore_mem>>
        %dma_start3A_449 = tpu.memref_slice %arg4[%mul3A_12] : memref<81920xf32, #tpu.memory_space<hbm>> -> memref<5120xf32, #tpu.memory_space<hbm>>
        %dma_start3A_450 = tpu.memref_slice %arg4[%mul3A_12] : memref<81920xf32, #tpu.memory_space<hbm>> -> memref<5120xf32, #tpu.memory_space<hbm>>
        tpu.enqueue_dma source(%dma_start3A_450 : memref<5120xf32, #tpu.memory_space<hbm>>) target(%arg12 : memref<5120xf32, #tpu.memory_space<vmem>>) target_semaphore(%run_scoped3A_448 : memref<!tpu.dma_semaphore, #tpu.memory_space<semaphore_mem>>)
        %dma_wait3A_451 = tpu.memref_slice %arg4[%mul3A_12] : memref<81920xf32, #tpu.memory_space<hbm>> -> memref<5120xf32, #tpu.memory_space<hbm>>
        %dma_wait3A_452 = tpu.memref_slice %arg4[%mul3A_12] : memref<81920xf32, #tpu.memory_space<hbm>> -> memref<5120xf32, #tpu.memory_space<hbm>>
        tpu.wait_dma2 semaphore(%run_scoped3A_448 : memref<!tpu.dma_semaphore, #tpu.memory_space<semaphore_mem>>) src(%dma_wait3A_452 : memref<5120xf32, #tpu.memory_space<hbm>>) dst(%arg12 : memref<5120xf32, #tpu.memory_space<vmem>>)
        tpu.yield
      }) : () -> ()
      %swap3A = arith.constant 0 : index
      %swap3A_13 = tpu.vector_load %arg19[%swap3A] {strides = array<i32>} : memref<112xf32, #tpu.memory_space<vmem>>, vector<16xf32>,
      tpu.vector_store %arg19[%swap3A], %broadcast_in_dim3A_3 {strides = array<i32>} : memref<112xf32, #tpu.memory_space<vmem>>, vector<16xf32>,
      %swap3A_14 = arith.constant 0 : index
      %swap3A_15 = tpu.vector_load %arg20[%swap3A_14] {strides = array<i32>} : memref<112xf32, #tpu.memory_space<vmem>>, vector<16xf32>,
      tpu.vector_store %arg20[%swap3A_14], %broadcast_in_dim3A_3 {strides = array<i32>} : memref<112xf32, #tpu.memory_space<vmem>>, vector<16xf32>,
      %swap3A_16 = arith.constant 0 : index
      %swap3A_17 = tpu.vector_load %arg21[%swap3A_16] {strides = array<i32>} : memref<112xf32, #tpu.memory_space<vmem>>, vector<16xf32>,
      tpu.vector_store %arg21[%swap3A_16], %broadcast_in_dim3A_3 {strides = array<i32>} : memref<112xf32, #tpu.memory_space<vmem>>, vector<16xf32>,
      %swap3A_18 = arith.constant 0 : index
      %swap3A_19 = tpu.vector_load %arg22[%swap3A_18] {strides = array<i32>} : memref<112xf32, #tpu.memory_space<vmem>>, vector<16xf32>,
      tpu.vector_store %arg22[%swap3A_18], %broadcast_in_dim3A_3 {strides = array<i32>} : memref<112xf32, #tpu.memory_space<vmem>>, vector<16xf32>,
      %swap3A_20 = arith.constant 0 : index
      %swap3A_21 = tpu.vector_load %arg23[%swap3A_20] {strides = array<i32>} : memref<112xf32, #tpu.memory_space<vmem>>, vector<16xf32>,
      tpu.vector_store %arg23[%swap3A_20], %broadcast_in_dim3A_3 {strides = array<i32>} : memref<112xf32, #tpu.memory_space<vmem>>, vector<16xf32>,
      %swap3A_22 = arith.constant 16 : index
      %swap3A_23 = tpu.vector_load %arg19[%swap3A_22] {strides = array<i32>} : memref<112xf32, #tpu.memory_space<vmem>>, vector<16xf32>,
      tpu.vector_store %arg19[%swap3A_22], %broadcast_in_dim3A_3 {strides = array<i32>} : memref<112xf32, #tpu.memory_space<vmem>>, vector<16xf32>,
      %swap3A_24 = arith.constant 16 : index
      %swap3A_25 = tpu.vector_load %arg20[%swap3A_24] {strides = array<i32>} : memref<112xf32, #tpu.memory_space<vmem>>, vector<16xf32>,
      tpu.vector_store %arg20[%swap3A_24], %broadcast_in_dim3A_3 {strides = array<i32>} : memref<112xf32, #tpu.memory_space<vmem>>, vector<16xf32>,
      %swap3A_26 = arith.constant 16 : index
      %swap3A_27 = tpu.vector_load %arg21[%swap3A_26] {strides = array<i32>} : memref<112xf32, #tpu.memory_space<vmem>>, vector<16xf32>,
      tpu.vector_store %arg21[%swap3A_26], %broadcast_in_dim3A_3 {strides = array<i32>} : memref<112xf32, #tpu.memory_space<vmem>>, vector<16xf32>,
      %swap3A_28 = arith.constant 16 : index
      %swap3A_29 = tpu.vector_load %arg22[%swap3A_28] {strides = array<i32>} : memref<112xf32, #tpu.memory_space<vmem>>, vector<16xf32>,
      tpu.vector_store %arg22[%swap3A_28], %broadcast_in_dim3A_3 {strides = array<i32>} : memref<112xf32, #tpu.memory_space<vmem>>, vector<16xf32>,
      %swap3A_30 = arith.constant 16 : index
      %swap3A_31 = tpu.vector_load %arg23[%swap3A_30] {strides = array<i32>} : memref<112xf32, #tpu.memory_space<vmem>>, vector<16xf32>,
      tpu.vector_store %arg23[%swap3A_30], %broadcast_in_dim3A_3 {strides = array<i32>} : memref<112xf32, #tpu.memory_space<vmem>>, vector<16xf32>,
      %swap3A_32 = arith.constant 32 : index
      %swap3A_33 = tpu.vector_load %arg19[%swap3A_32] {strides = array<i32>} : memref<112xf32, #tpu.memory_space<vmem>>, vector<16xf32>,
      tpu.vector_store %arg19[%swap3A_32], %broadcast_in_dim3A_3 {strides = array<i32>} : memref<112xf32, #tpu.memory_space<vmem>>, vector<16xf32>,
      %swap3A_34 = arith.constant 32 : index
      %swap3A_35 = tpu.vector_load %arg20[%swap3A_34] {strides = array<i32>} : memref<112xf32, #tpu.memory_space<vmem>>, vector<16xf32>,
      tpu.vector_store %arg20[%swap3A_34], %broadcast_in_dim3A_3 {strides = array<i32>} : memref<112xf32, #tpu.memory_space<vmem>>, vector<16xf32>,
      %swap3A_36 = arith.constant 32 : index
      %swap3A_37 = tpu.vector_load %arg21[%swap3A_36] {strides = array<i32>} : memref<112xf32, #tpu.memory_space<vmem>>, vector<16xf32>,
      tpu.vector_store %arg21[%swap3A_36], %broadcast_in_dim3A_3 {strides = array<i32>} : memref<112xf32, #tpu.memory_space<vmem>>, vector<16xf32>,
      %swap3A_38 = arith.constant 32 : index
      %swap3A_39 = tpu.vector_load %arg22[%swap3A_38] {strides = array<i32>} : memref<112xf32, #tpu.memory_space<vmem>>, vector<16xf32>,
      tpu.vector_store %arg22[%swap3A_38], %broadcast_in_dim3A_3 {strides = array<i32>} : memref<112xf32, #tpu.memory_space<vmem>>, vector<16xf32>,
      %swap3A_40 = arith.constant 32 : index
      %swap3A_41 = tpu.vector_load %arg23[%swap3A_40] {strides = array<i32>} : memref<112xf32, #tpu.memory_space<vmem>>, vector<16xf32>,
      tpu.vector_store %arg23[%swap3A_40], %broadcast_in_dim3A_3 {strides = array<i32>} : memref<112xf32, #tpu.memory_space<vmem>>, vector<16xf32>,
      %swap3A_42 = arith.constant 48 : index
      %swap3A_43 = tpu.vector_load %arg19[%swap3A_42] {strides = array<i32>} : memref<112xf32, #tpu.memory_space<vmem>>, vector<16xf32>,
      tpu.vector_store %arg19[%swap3A_42], %broadcast_in_dim3A_3 {strides = array<i32>} : memref<112xf32, #tpu.memory_space<vmem>>, vector<16xf32>,
      %swap3A_44 = arith.constant 48 : index
      %swap3A_45 = tpu.vector_load %arg20[%swap3A_44] {strides = array<i32>} : memref<112xf32, #tpu.memory_space<vmem>>, vector<16xf32>,
      tpu.vector_store %arg20[%swap3A_44], %broadcast_in_dim3A_3 {strides = array<i32>} : memref<112xf32, #tpu.memory_space<vmem>>, vector<16xf32>,
      %swap3A_46 = arith.constant 48 : index
      %swap3A_47 = tpu.vector_load %arg21[%swap3A_46] {strides = array<i32>} : memref<112xf32, #tpu.memory_space<vmem>>, vector<16xf32>,
      tpu.vector_store %arg21[%swap3A_46], %broadcast_in_dim3A_3 {strides = array<i32>} : memref<112xf32, #tpu.memory_space<vmem>>, vector<16xf32>,
      %swap3A_48 = arith.constant 48 : index
      %swap3A_49 = tpu.vector_load %arg22[%swap3A_48] {strides = array<i32>} : memref<112xf32, #tpu.memory_space<vmem>>, vector<16xf32>,
      tpu.vector_store %arg22[%swap3A_48], %broadcast_in_dim3A_3 {strides = array<i32>} : memref<112xf32, #tpu.memory_space<vmem>>, vector<16xf32>,
      %swap3A_50 = arith.constant 48 : index
      %swap3A_51 = tpu.vector_load %arg23[%swap3A_50] {strides = array<i32>} : memref<112xf32, #tpu.memory_space<vmem>>, vector<16xf32>,
      tpu.vector_store %arg23[%swap3A_50], %broadcast_in_dim3A_3 {strides = array<i32>} : memref<112xf32, #tpu.memory_space<vmem>>, vector<16xf32>,
      %swap3A_52 = arith.constant 64 : index
      %swap3A_53 = tpu.vector_load %arg19[%swap3A_52] {strides = array<i32>} : memref<112xf32, #tpu.memory_space<vmem>>, vector<16xf32>,
      tpu.vector_store %arg19[%swap3A_52], %broadcast_in_dim3A_3 {strides = array<i32>} : memref<112xf32, #tpu.memory_space<vmem>>, vector<16xf32>,
      %swap3A_54 = arith.constant 64 : index
      %swap3A_55 = tpu.vector_load %arg20[%swap3A_54] {strides = array<i32>} : memref<112xf32, #tpu.memory_space<vmem>>, vector<16xf32>,
      tpu.vector_store %arg20[%swap3A_54], %broadcast_in_dim3A_3 {strides = array<i32>} : memref<112xf32, #tpu.memory_space<vmem>>, vector<16xf32>,
      %swap3A_56 = arith.constant 64 : index
      %swap3A_57 = tpu.vector_load %arg21[%swap3A_56] {strides = array<i32>} : memref<112xf32, #tpu.memory_space<vmem>>, vector<16xf32>,
      tpu.vector_store %arg21[%swap3A_56], %broadcast_in_dim3A_3 {strides = array<i32>} : memref<112xf32, #tpu.memory_space<vmem>>, vector<16xf32>,
      %swap3A_58 = arith.constant 64 : index
      %swap3A_59 = tpu.vector_load %arg22[%swap3A_58] {strides = array<i32>} : memref<112xf32, #tpu.memory_space<vmem>>, vector<16xf32>,
      tpu.vector_store %arg22[%swap3A_58], %broadcast_in_dim3A_3 {strides = array<i32>} : memref<112xf32, #tpu.memory_space<vmem>>, vector<16xf32>,
      %swap3A_60 = arith.constant 64 : index
      %swap3A_61 = tpu.vector_load %arg23[%swap3A_60] {strides = array<i32>} : memref<112xf32, #tpu.memory_space<vmem>>, vector<16xf32>,
      tpu.vector_store %arg23[%swap3A_60], %broadcast_in_dim3A_3 {strides = array<i32>} : memref<112xf32, #tpu.memory_space<vmem>>, vector<16xf32>,
      %swap3A_62 = arith.constant 80 : index
      %swap3A_63 = tpu.vector_load %arg19[%swap3A_62] {strides = array<i32>} : memref<112xf32, #tpu.memory_space<vmem>>, vector<16xf32>,
      tpu.vector_store %arg19[%swap3A_62], %broadcast_in_dim3A_3 {strides = array<i32>} : memref<112xf32, #tpu.memory_space<vmem>>, vector<16xf32>,
      %swap3A_64 = arith.constant 80 : index
      %swap3A_65 = tpu.vector_load %arg20[%swap3A_64] {strides = array<i32>} : memref<112xf32, #tpu.memory_space<vmem>>, vector<16xf32>,
      tpu.vector_store %arg20[%swap3A_64], %broadcast_in_dim3A_3 {strides = array<i32>} : memref<112xf32, #tpu.memory_space<vmem>>, vector<16xf32>,
      %swap3A_66 = arith.constant 80 : index
      %swap3A_67 = tpu.vector_load %arg21[%swap3A_66] {strides = array<i32>} : memref<112xf32, #tpu.memory_space<vmem>>, vector<16xf32>,
      tpu.vector_store %arg21[%swap3A_66], %broadcast_in_dim3A_3 {strides = array<i32>} : memref<112xf32, #tpu.memory_space<vmem>>, vector<16xf32>,
      %swap3A_68 = arith.constant 80 : index
      %swap3A_69 = tpu.vector_load %arg22[%swap3A_68] {strides = array<i32>} : memref<112xf32, #tpu.memory_space<vmem>>, vector<16xf32>,
      tpu.vector_store %arg22[%swap3A_68], %broadcast_in_dim3A_3 {strides = array<i32>} : memref<112xf32, #tpu.memory_space<vmem>>, vector<16xf32>,
      %swap3A_70 = arith.constant 80 : index
      %swap3A_71 = tpu.vector_load %arg23[%swap3A_70] {strides = array<i32>} : memref<112xf32, #tpu.memory_space<vmem>>, vector<16xf32>,
      tpu.vector_store %arg23[%swap3A_70], %broadcast_in_dim3A_3 {strides = array<i32>} : memref<112xf32, #tpu.memory_space<vmem>>, vector<16xf32>,
      %swap3A_72 = arith.constant 96 : index
      %swap3A_73 = tpu.vector_load %arg19[%swap3A_72] {strides = array<i32>} : memref<112xf32, #tpu.memory_space<vmem>>, vector<16xf32>,
      tpu.vector_store %arg19[%swap3A_72], %broadcast_in_dim3A_3 {strides = array<i32>} : memref<112xf32, #tpu.memory_space<vmem>>, vector<16xf32>,
      %swap3A_74 = arith.constant 96 : index
      %swap3A_75 = tpu.vector_load %arg20[%swap3A_74] {strides = array<i32>} : memref<112xf32, #tpu.memory_space<vmem>>, vector<16xf32>,
      tpu.vector_store %arg20[%swap3A_74], %broadcast_in_dim3A_3 {strides = array<i32>} : memref<112xf32, #tpu.memory_space<vmem>>, vector<16xf32>,
      %swap3A_76 = arith.constant 96 : index
      %swap3A_77 = tpu.vector_load %arg21[%swap3A_76] {strides = array<i32>} : memref<112xf32, #tpu.memory_space<vmem>>, vector<16xf32>,
      tpu.vector_store %arg21[%swap3A_76], %broadcast_in_dim3A_3 {strides = array<i32>} : memref<112xf32, #tpu.memory_space<vmem>>, vector<16xf32>,
      %swap3A_78 = arith.constant 96 : index
      %swap3A_79 = tpu.vector_load %arg22[%swap3A_78] {strides = array<i32>} : memref<112xf32, #tpu.memory_space<vmem>>, vector<16xf32>,
      tpu.vector_store %arg22[%swap3A_78], %broadcast_in_dim3A_3 {strides = array<i32>} : memref<112xf32, #tpu.memory_space<vmem>>, vector<16xf32>,
      %swap3A_80 = arith.constant 96 : index
      %swap3A_81 = tpu.vector_load %arg23[%swap3A_80] {strides = array<i32>} : memref<112xf32, #tpu.memory_space<vmem>>, vector<16xf32>,
      tpu.vector_store %arg23[%swap3A_80], %broadcast_in_dim3A_3 {strides = array<i32>} : memref<112xf32, #tpu.memory_space<vmem>>, vector<16xf32>,
      %broadcast_in_dim3A_82 = arith.constant -3.40282347E+38 : f32
      %broadcast_in_dim3A_83 = vector.broadcast %broadcast_in_dim3A_82 : f32 to vector<16xf32>
      %broadcast_in_dim3A_84 = arith.constant 0 : i32
      %broadcast_in_dim3A_85 = vector.broadcast %broadcast_in_dim3A_84 : i32 to vector<16xi32>
      %scan3A = arith.constant -3.40282347E+38 : f32
      %scan3A_86 = arith.constant 0 : i32
      %scan3A_87 = arith.constant 80 : i32
      %scan3A_88 = arith.addi %scan3A_86, %scan3A_87 : i32
      %scan3A_89 = arith.constant 1 : i32
      %scan3A_90:2 = scf.for %scan3A_448 = %scan3A_86 to %scan3A_88 step %scan3A_89 iter_args(%scan3A_449 = %broadcast_in_dim3A_83, %scan3A_450 = %broadcast_in_dim3A_85) -> (vector<16xf32>, vector<16xi32>)  : i32 {
        %mul3A_451 = arith.constant 16 : i32
        %mul3A_452 = arith.muli %mul3A_451, %scan3A_448 : i32
        %add3A_453 = vector.broadcast %mul3A_452 : i32 to vector<16xi32>
        %add3A_454 = arith.addi %add3A_453, %iota3A : vector<16xi32>
        %mul3A_455 = arith.constant 4 : i32
        %mul3A_456 = vector.broadcast %mul3A_455 : i32 to vector<16xi32>
        %mul3A_457 = arith.muli %add3A_454, %mul3A_456 : vector<16xi32>
        %add3A_458 = arith.constant 0 : i32
        %add3A_459 = vector.broadcast %add3A_458 : i32 to vector<16xi32>
        %add3A_460 = arith.addi %mul3A_457, %add3A_459 : vector<16xi32>
        %gather3A_461 = tpu.vector_load_idx %arg10[%add3A_460] : memref<5120xf32, #tpu.memory_space<vmem>>[vector<16xi32>], vector<16xf32>,
        %mul3A_462 = arith.constant 4 : i32
        %mul3A_463 = vector.broadcast %mul3A_462 : i32 to vector<16xi32>
        %mul3A_464 = arith.muli %add3A_454, %mul3A_463 : vector<16xi32>
        %add3A_465 = arith.constant 1 : i32
        %add3A_466 = vector.broadcast %add3A_465 : i32 to vector<16xi32>
        %add3A_467 = arith.addi %mul3A_464, %add3A_466 : vector<16xi32>
        %gather3A_468 = tpu.vector_load_idx %arg10[%add3A_467] : memref<5120xf32, #tpu.memory_space<vmem>>[vector<16xi32>], vector<16xf32>,
        %mul3A_469 = arith.constant 4 : i32
        %mul3A_470 = vector.broadcast %mul3A_469 : i32 to vector<16xi32>
        %mul3A_471 = arith.muli %add3A_454, %mul3A_470 : vector<16xi32>
        %add3A_472 = arith.constant 2 : i32
        %add3A_473 = vector.broadcast %add3A_472 : i32 to vector<16xi32>
        %add3A_474 = arith.addi %mul3A_471, %add3A_473 : vector<16xi32>
        %gather3A_475 = tpu.vector_load_idx %arg10[%add3A_474] : memref<5120xf32, #tpu.memory_space<vmem>>[vector<16xi32>], vector<16xf32>,
        %mul3A_476 = arith.constant 4 : i32
        %mul3A_477 = vector.broadcast %mul3A_476 : i32 to vector<16xi32>
        %mul3A_478 = arith.muli %add3A_454, %mul3A_477 : vector<16xi32>
        %add3A_479 = arith.constant 3 : i32
        %add3A_480 = vector.broadcast %add3A_479 : i32 to vector<16xi32>
        %add3A_481 = arith.addi %mul3A_478, %add3A_480 : vector<16xi32>
        %gather3A_482 = tpu.vector_load_idx %arg10[%add3A_481] : memref<5120xf32, #tpu.memory_space<vmem>>[vector<16xi32>], vector<16xf32>,
        %mul3A_483 = arith.constant 2 : i32
        %mul3A_484 = vector.broadcast %mul3A_483 : i32 to vector<16xi32>
        %mul3A_485 = arith.muli %add3A_454, %mul3A_484 : vector<16xi32>
        %add3A_486 = arith.constant 0 : i32
        %add3A_487 = vector.broadcast %add3A_486 : i32 to vector<16xi32>
        %add3A_488 = arith.addi %mul3A_485, %add3A_487 : vector<16xi32>
        %gather3A_489 = tpu.vector_load_idx %arg11[%add3A_488] : memref<2560xf32, #tpu.memory_space<vmem>>[vector<16xi32>], vector<16xf32>,
        %mul3A_490 = arith.constant 2 : i32
        %mul3A_491 = vector.broadcast %mul3A_490 : i32 to vector<16xi32>
        %mul3A_492 = arith.muli %add3A_454, %mul3A_491 : vector<16xi32>
        %add3A_493 = arith.constant 1 : i32
        %add3A_494 = vector.broadcast %add3A_493 : i32 to vector<16xi32>
        %add3A_495 = arith.addi %mul3A_492, %add3A_494 : vector<16xi32>
        %gather3A_496 = tpu.vector_load_idx %arg11[%add3A_495] : memref<2560xf32, #tpu.memory_space<vmem>>[vector<16xi32>], vector<16xf32>,
        %mul3A_497 = arith.constant 4 : i32
        %mul3A_498 = vector.broadcast %mul3A_497 : i32 to vector<16xi32>
        %mul3A_499 = arith.muli %add3A_454, %mul3A_498 : vector<16xi32>
        %add3A_500 = arith.constant 0 : i32
        %add3A_501 = vector.broadcast %add3A_500 : i32 to vector<16xi32>
        %add3A_502 = arith.addi %mul3A_499, %add3A_501 : vector<16xi32>
        %gather3A_503 = tpu.vector_load_idx %arg12[%add3A_502] : memref<5120xf32, #tpu.memory_space<vmem>>[vector<16xi32>], vector<16xf32>,
        %mul3A_504 = arith.constant 4 : i32
        %mul3A_505 = vector.broadcast %mul3A_504 : i32 to vector<16xi32>
        %mul3A_506 = arith.muli %add3A_454, %mul3A_505 : vector<16xi32>
        %add3A_507 = arith.constant 1 : i32
        %add3A_508 = vector.broadcast %add3A_507 : i32 to vector<16xi32>
        %add3A_509 = arith.addi %mul3A_506, %add3A_508 : vector<16xi32>
        %gather3A_510 = tpu.vector_load_idx %arg12[%add3A_509] : memref<5120xf32, #tpu.memory_space<vmem>>[vector<16xi32>], vector<16xf32>,
        %mul3A_511 = arith.constant 4 : i32
        %mul3A_512 = vector.broadcast %mul3A_511 : i32 to vector<16xi32>
        %mul3A_513 = arith.muli %add3A_454, %mul3A_512 : vector<16xi32>
        %add3A_514 = arith.constant 2 : i32
        %add3A_515 = vector.broadcast %add3A_514 : i32 to vector<16xi32>
        %add3A_516 = arith.addi %mul3A_513, %add3A_515 : vector<16xi32>
        %gather3A_517 = tpu.vector_load_idx %arg12[%add3A_516] : memref<5120xf32, #tpu.memory_space<vmem>>[vector<16xi32>], vector<16xf32>,
        %mul3A_518 = arith.constant 4 : i32
        %mul3A_519 = vector.broadcast %mul3A_518 : i32 to vector<16xi32>
        %mul3A_520 = arith.muli %add3A_454, %mul3A_519 : vector<16xi32>
        %add3A_521 = arith.constant 3 : i32
        %add3A_522 = vector.broadcast %add3A_521 : i32 to vector<16xi32>
        %add3A_523 = arith.addi %mul3A_520, %add3A_522 : vector<16xi32>
        %gather3A_524 = tpu.vector_load_idx %arg12[%add3A_523] : memref<5120xf32, #tpu.memory_space<vmem>>[vector<16xi32>], vector<16xf32>,
        %sub3A_525 = arith.subf %gather3A_475, %gather3A_461 : vector<16xf32>
        %sub3A_526 = arith.subf %gather3A_482, %gather3A_468 : vector<16xf32>
        %mul3A_527 = arith.mulf %gather3A_503, %sub3A_525 : vector<16xf32>
        %mul3A_528 = arith.constant 5.000000e-01 : f32
        %mul3A_529 = vector.broadcast %mul3A_528 : f32 to vector<16xf32>
        %mul3A_530 = arith.mulf %mul3A_529, %sub3A_525 : vector<16xf32>
        %add3A_531 = arith.addf %gather3A_461, %mul3A_530 : vector<16xf32>
        %add3A_532 = arith.addf %mul3A_527, %add3A_531 : vector<16xf32>
        %mul3A_533 = arith.mulf %gather3A_510, %sub3A_526 : vector<16xf32>
        %mul3A_534 = arith.constant 5.000000e-01 : f32
        %mul3A_535 = vector.broadcast %mul3A_534 : f32 to vector<16xf32>
        %mul3A_536 = arith.mulf %mul3A_535, %sub3A_526 : vector<16xf32>
        %add3A_537 = arith.addf %gather3A_468, %mul3A_536 : vector<16xf32>
        %add3A_538 = arith.addf %mul3A_533, %add3A_537 : vector<16xf32>
        %exp3A = math.exp %gather3A_517 : vector<16xf32>
        %mul3A_539 = arith.mulf %exp3A, %sub3A_525 : vector<16xf32>
        %exp3A_540 = math.exp %gather3A_524 : vector<16xf32>
        %mul3A_541 = arith.mulf %exp3A_540, %sub3A_526 : vector<16xf32>
        %mul3A_542 = arith.constant 5.000000e-01 : f32
        %mul3A_543 = vector.broadcast %mul3A_542 : f32 to vector<16xf32>
        %mul3A_544 = arith.mulf %mul3A_543, %mul3A_539 : vector<16xf32>
        %sub3A_545 = arith.subf %add3A_532, %mul3A_544 : vector<16xf32>
        %jit3A_546 = arith.constant 0.000000e+00 : f32
        %jit3A_547 = arith.constant 6.390000e+02 : f32
        %max3A_548 = vector.broadcast %jit3A_546 : f32 to vector<16xf32>
        %max3A_549 = arith.maximumf %max3A_548, %sub3A_545 : vector<16xf32>
        %min3A_550 = vector.broadcast %jit3A_547 : f32 to vector<16xf32>
        %min3A_551 = arith.minimumf %min3A_550, %max3A_549 : vector<16xf32>
        %mul3A_552 = arith.constant 5.000000e-01 : f32
        %mul3A_553 = vector.broadcast %mul3A_552 : f32 to vector<16xf32>
        %mul3A_554 = arith.mulf %mul3A_553, %mul3A_541 : vector<16xf32>
        %sub3A_555 = arith.subf %add3A_538, %mul3A_554 : vector<16xf32>
        %jit3A_556 = arith.constant 0.000000e+00 : f32
        %jit3A_557 = arith.constant 3.830000e+02 : f32
        %max3A_558 = vector.broadcast %jit3A_556 : f32 to vector<16xf32>
        %max3A_559 = arith.maximumf %max3A_558, %sub3A_555 : vector<16xf32>
        %min3A_560 = vector.broadcast %jit3A_557 : f32 to vector<16xf32>
        %min3A_561 = arith.minimumf %min3A_560, %max3A_559 : vector<16xf32>
        %mul3A_562 = arith.constant 5.000000e-01 : f32
        %mul3A_563 = vector.broadcast %mul3A_562 : f32 to vector<16xf32>
        %mul3A_564 = arith.mulf %mul3A_563, %mul3A_539 : vector<16xf32>
        %add3A_565 = arith.addf %add3A_532, %mul3A_564 : vector<16xf32>
        %jit3A_566 = arith.constant 0.000000e+00 : f32
        %jit3A_567 = arith.constant 6.390000e+02 : f32
        %max3A_568 = vector.broadcast %jit3A_566 : f32 to vector<16xf32>
        %max3A_569 = arith.maximumf %max3A_568, %add3A_565 : vector<16xf32>
        %min3A_570 = vector.broadcast %jit3A_567 : f32 to vector<16xf32>
        %min3A_571 = arith.minimumf %min3A_570, %max3A_569 : vector<16xf32>
        %mul3A_572 = arith.constant 5.000000e-01 : f32
        %mul3A_573 = vector.broadcast %mul3A_572 : f32 to vector<16xf32>
        %mul3A_574 = arith.mulf %mul3A_573, %mul3A_541 : vector<16xf32>
        %add3A_575 = arith.addf %add3A_538, %mul3A_574 : vector<16xf32>
        %jit3A_576 = arith.constant 0.000000e+00 : f32
        %jit3A_577 = arith.constant 3.830000e+02 : f32
        %max3A_578 = vector.broadcast %jit3A_576 : f32 to vector<16xf32>
        %max3A_579 = arith.maximumf %max3A_578, %add3A_575 : vector<16xf32>
        %min3A_580 = vector.broadcast %jit3A_577 : f32 to vector<16xf32>
        %min3A_581 = arith.minimumf %min3A_580, %max3A_579 : vector<16xf32>
        %sub3A_582 = arith.subf %min3A_571, %min3A_551 : vector<16xf32>
        %max3A_583 = arith.constant 0.000000e+00 : f32
        %max3A_584 = vector.broadcast %max3A_583 : f32 to vector<16xf32>
        %max3A_585 = arith.maximumf %sub3A_582, %max3A_584 : vector<16xf32>
        %sub3A_586 = arith.subf %min3A_581, %min3A_561 : vector<16xf32>
        %max3A_587 = arith.constant 0.000000e+00 : f32
        %max3A_588 = vector.broadcast %max3A_587 : f32 to vector<16xf32>
        %max3A_589 = arith.maximumf %sub3A_586, %max3A_588 : vector<16xf32>
        %mul3A_590 = arith.mulf %max3A_585, %max3A_589 : vector<16xf32>
        %max3A_591 = arith.maximumf %gather3A_489, %gather3A_496 : vector<16xf32>
        %sub3A_592 = arith.subf %gather3A_489, %max3A_591 : vector<16xf32>
        %exp3A_593 = math.exp %sub3A_592 : vector<16xf32>
        %sub3A_594 = arith.subf %gather3A_496, %max3A_591 : vector<16xf32>
        %exp3A_595 = math.exp %sub3A_594 : vector<16xf32>
        %add3A_596 = arith.addf %exp3A_593, %exp3A_595 : vector<16xf32>
        %div3A = arith.divf %exp3A_595, %add3A_596 : vector<16xf32>
        %broadcast_in_dim3A_597 = vector.broadcast %mul3A_2 : i32 to vector<16xi32>
        %mul3A_598 = arith.constant 16 : i32
        %mul3A_599 = arith.muli %mul3A_598, %scan3A_448 : i32
        %add3A_600 = vector.broadcast %mul3A_599 : i32 to vector<16xi32>
        %add3A_601 = arith.addi %broadcast_in_dim3A_597, %add3A_600 : vector<16xi32>
        %add3A_602 = arith.addi %add3A_601, %iota3A : vector<16xi32>
        %ge3A_603 = arith.constant 5.000000e-01 : f32
        %ge3A_604 = vector.broadcast %ge3A_603 : f32 to vector<16xf32>
        %ge3A_605 = arith.cmpf oge, %div3A, %ge3A_604 : vector<16xf32>
        %broadcast_in_dim3A_606 = vector.broadcast %scan3A : f32 to vector<16xf32>
        %select_n3A_607 = arith.select %ge3A_605, %div3A, %broadcast_in_dim3A_606 : vector<16xi1>, vector<16xf32>
        %lt3A_608 = arith.constant 20000 : i32
        %lt3A_609 = vector.broadcast %lt3A_608 : i32 to vector<16xi32>
        %lt3A_610 = arith.cmpi slt, %add3A_602, %lt3A_609 : vector<16xi32>
        %broadcast_in_dim3A_611 = vector.broadcast %scan3A : f32 to vector<16xf32>
        %select_n3A_612 = arith.select %lt3A_610, %select_n3A_607, %broadcast_in_dim3A_611 : vector<16xi1>, vector<16xf32>
        %mul3A_613 = arith.constant 16 : i32
        %mul3A_614 = arith.muli %mul3A_613, %scan3A_448 : i32
        %swap3A_615 = arith.index_cast %mul3A_614 : i32 to index
        %swap3A_616 = tpu.vector_load %arg13[%swap3A_615] {strides = array<i32>} : memref<1280xf32, #tpu.memory_space<vmem>>, vector<16xf32>,
        tpu.vector_store %arg13[%swap3A_615], %min3A_551 {strides = array<i32>} : memref<1280xf32, #tpu.memory_space<vmem>>, vector<16xf32>,
        %swap3A_617 = arith.index_cast %mul3A_614 : i32 to index
        %swap3A_618 = tpu.vector_load %arg14[%swap3A_617] {strides = array<i32>} : memref<1280xf32, #tpu.memory_space<vmem>>, vector<16xf32>,
        tpu.vector_store %arg14[%swap3A_617], %min3A_561 {strides = array<i32>} : memref<1280xf32, #tpu.memory_space<vmem>>, vector<16xf32>,
        %swap3A_619 = arith.index_cast %mul3A_614 : i32 to index
        %swap3A_620 = tpu.vector_load %arg15[%swap3A_619] {strides = array<i32>} : memref<1280xf32, #tpu.memory_space<vmem>>, vector<16xf32>,
        tpu.vector_store %arg15[%swap3A_619], %min3A_571 {strides = array<i32>} : memref<1280xf32, #tpu.memory_space<vmem>>, vector<16xf32>,
        %swap3A_621 = arith.index_cast %mul3A_614 : i32 to index
        %swap3A_622 = tpu.vector_load %arg16[%swap3A_621] {strides = array<i32>} : memref<1280xf32, #tpu.memory_space<vmem>>, vector<16xf32>,
        tpu.vector_store %arg16[%swap3A_621], %min3A_581 {strides = array<i32>} : memref<1280xf32, #tpu.memory_space<vmem>>, vector<16xf32>,
        %swap3A_623 = arith.index_cast %mul3A_614 : i32 to index
        %swap3A_624 = tpu.vector_load %arg17[%swap3A_623] {strides = array<i32>} : memref<1280xf32, #tpu.memory_space<vmem>>, vector<16xf32>,
        tpu.vector_store %arg17[%swap3A_623], %mul3A_590 {strides = array<i32>} : memref<1280xf32, #tpu.memory_space<vmem>>, vector<16xf32>,
        %swap3A_625 = arith.index_cast %mul3A_614 : i32 to index
        %swap3A_626 = tpu.vector_load %arg18[%swap3A_625] {strides = array<i32>} : memref<1280xf32, #tpu.memory_space<vmem>>, vector<16xf32>,
        tpu.vector_store %arg18[%swap3A_625], %select_n3A_612 {strides = array<i32>} : memref<1280xf32, #tpu.memory_space<vmem>>, vector<16xf32>,
        %gt3A = arith.cmpf ogt, %select_n3A_612, %scan3A_449 : vector<16xf32>
        %max3A_627 = arith.maximumf %scan3A_449, %select_n3A_612 : vector<16xf32>
        %select_n3A_628 = arith.select %gt3A, %add3A_602, %scan3A_450 : vector<16xi1>, vector<16xi32>
        scf.yield %max3A_627, %select_n3A_628 : vector<16xf32>, vector<16xi32>
      }
      %scan3A_91 = arith.constant 80 : i32
      %reduce_max3A = arith.constant true
      %reduce_max3A_92 = vector.broadcast %reduce_max3A : i1 to vector<16xi1>
      %reduce_max3A_93 = tpu.scan <max>, %scan3A_90#0 masked %reduce_max3A_92 : vector<16xf32>, vector<16xi1> -> vector<16xf32>
      %reduce_max3A_94 = vector.extract %reduce_max3A_93[15] : f32 from vector<16xf32>
      %eq3A_95 = vector.broadcast %reduce_max3A_94 : f32 to vector<16xf32>
      %eq3A_96 = arith.cmpf oeq, %scan3A_90#0, %eq3A_95 : vector<16xf32>
      %jit3A = arith.constant 1073741824 : i32
      %broadcast_in_dim3A_97 = vector.broadcast %jit3A : i32 to vector<16xi32>
      %select_n3A = arith.select %eq3A_96, %scan3A_90#1, %broadcast_in_dim3A_97 : vector<16xi1>, vector<16xi32>
      %reduce_min3A = arith.constant true
      %reduce_min3A_98 = vector.broadcast %reduce_min3A : i1 to vector<16xi1>
      %reduce_min3A_99 = arith.constant -2147483648 : i32
      %reduce_min3A_100 = vector.broadcast %reduce_min3A_99 : i32 to vector<16xi32>
      %reduce_min3A_101 = arith.xori %select_n3A, %reduce_min3A_100 : vector<16xi32>
      %reduce_min3A_102 = tpu.scan <min>, %reduce_min3A_101 masked %reduce_min3A_98 : vector<16xi32>, vector<16xi1> -> vector<16xi32>
      %reduce_min3A_103 = arith.xori %reduce_min3A_102, %reduce_min3A_100 : vector<16xi32>
      %reduce_min3A_104 = vector.extract %reduce_min3A_103[15] : i32 from vector<16xi32>
      %sub3A = arith.subi %reduce_min3A_104, %mul3A_2 : i32
      %broadcast_in_dim3A_105 = vector.broadcast %sub3A : i32 to vector<16xi32>
      %gather3A = tpu.vector_load_idx %arg13[%broadcast_in_dim3A_105] : memref<1280xf32, #tpu.memory_space<vmem>>[vector<16xi32>], vector<16xf32>,
      %slice3A = vector.extract_strided_slice %gather3A {offsets = [0], sizes = [1], strides = [1]} : vector<16xf32> to vector<1xf32>
      %squeeze3A = vector.extract %slice3A[0] : f32 from vector<1xf32>
      %broadcast_in_dim3A_106 = vector.broadcast %sub3A : i32 to vector<16xi32>
      %gather3A_107 = tpu.vector_load_idx %arg14[%broadcast_in_dim3A_106] : memref<1280xf32, #tpu.memory_space<vmem>>[vector<16xi32>], vector<16xf32>,
      %slice3A_108 = vector.extract_strided_slice %gather3A_107 {offsets = [0], sizes = [1], strides = [1]} : vector<16xf32> to vector<1xf32>
      %squeeze3A_109 = vector.extract %slice3A_108[0] : f32 from vector<1xf32>
      %broadcast_in_dim3A_110 = vector.broadcast %sub3A : i32 to vector<16xi32>
      %gather3A_111 = tpu.vector_load_idx %arg15[%broadcast_in_dim3A_110] : memref<1280xf32, #tpu.memory_space<vmem>>[vector<16xi32>], vector<16xf32>,
      %slice3A_112 = vector.extract_strided_slice %gather3A_111 {offsets = [0], sizes = [1], strides = [1]} : vector<16xf32> to vector<1xf32>
      %squeeze3A_113 = vector.extract %slice3A_112[0] : f32 from vector<1xf32>
      %broadcast_in_dim3A_114 = vector.broadcast %sub3A : i32 to vector<16xi32>
      %gather3A_115 = tpu.vector_load_idx %arg16[%broadcast_in_dim3A_114] : memref<1280xf32, #tpu.memory_space<vmem>>[vector<16xi32>], vector<16xf32>,
      %slice3A_116 = vector.extract_strided_slice %gather3A_115 {offsets = [0], sizes = [1], strides = [1]} : vector<16xf32> to vector<1xf32>
      %squeeze3A_117 = vector.extract %slice3A_116[0] : f32 from vector<1xf32>
      %broadcast_in_dim3A_118 = vector.broadcast %sub3A : i32 to vector<16xi32>
      %gather3A_119 = tpu.vector_load_idx %arg17[%broadcast_in_dim3A_118] : memref<1280xf32, #tpu.memory_space<vmem>>[vector<16xi32>], vector<16xf32>,
      %slice3A_120 = vector.extract_strided_slice %gather3A_119 {offsets = [0], sizes = [1], strides = [1]} : vector<16xf32> to vector<1xf32>
      %squeeze3A_121 = vector.extract %slice3A_120[0] : f32 from vector<1xf32>
      %eq3A_122 = arith.constant 0 : i32
      %eq3A_123 = vector.broadcast %eq3A_122 : i32 to vector<16xi32>
      %eq3A_124 = arith.cmpi eq, %iota3A, %eq3A_123 : vector<16xi32>
      %broadcast_in_dim3A_125 = vector.broadcast %reduce_max3A_94 : f32 to vector<16xf32>
      %select_n3A_126 = arith.select %eq3A_124, %broadcast_in_dim3A_125, %broadcast_in_dim3A_3 : vector<16xi1>, vector<16xf32>
      %eq3A_127 = arith.constant 1 : i32
      %eq3A_128 = vector.broadcast %eq3A_127 : i32 to vector<16xi32>
      %eq3A_129 = arith.cmpi eq, %iota3A, %eq3A_128 : vector<16xi32>
      %convert_element_type3A_130 = arith.sitofp %reduce_min3A_104 : i32 to f32
      %broadcast_in_dim3A_131 = vector.broadcast %convert_element_type3A_130 : f32 to vector<16xf32>
      %select_n3A_132 = arith.select %eq3A_129, %broadcast_in_dim3A_131, %select_n3A_126 : vector<16xi1>, vector<16xf32>
      %eq3A_133 = arith.constant 2 : i32
      %eq3A_134 = vector.broadcast %eq3A_133 : i32 to vector<16xi32>
      %eq3A_135 = arith.cmpi eq, %iota3A, %eq3A_134 : vector<16xi32>
      %broadcast_in_dim3A_136 = vector.broadcast %squeeze3A : f32 to vector<16xf32>
      %select_n3A_137 = arith.select %eq3A_135, %broadcast_in_dim3A_136, %select_n3A_132 : vector<16xi1>, vector<16xf32>
      %eq3A_138 = arith.constant 3 : i32
      %eq3A_139 = vector.broadcast %eq3A_138 : i32 to vector<16xi32>
      %eq3A_140 = arith.cmpi eq, %iota3A, %eq3A_139 : vector<16xi32>
      %broadcast_in_dim3A_141 = vector.broadcast %squeeze3A_109 : f32 to vector<16xf32>
      %select_n3A_142 = arith.select %eq3A_140, %broadcast_in_dim3A_141, %select_n3A_137 : vector<16xi1>, vector<16xf32>
      %eq3A_143 = arith.constant 4 : i32
      %eq3A_144 = vector.broadcast %eq3A_143 : i32 to vector<16xi32>
      %eq3A_145 = arith.cmpi eq, %iota3A, %eq3A_144 : vector<16xi32>
      %broadcast_in_dim3A_146 = vector.broadcast %squeeze3A_113 : f32 to vector<16xf32>
      %select_n3A_147 = arith.select %eq3A_145, %broadcast_in_dim3A_146, %select_n3A_142 : vector<16xi1>, vector<16xf32>
      %eq3A_148 = arith.constant 5 : i32
      %eq3A_149 = vector.broadcast %eq3A_148 : i32 to vector<16xi32>
      %eq3A_150 = arith.cmpi eq, %iota3A, %eq3A_149 : vector<16xi32>
      %broadcast_in_dim3A_151 = vector.broadcast %squeeze3A_117 : f32 to vector<16xf32>
      %select_n3A_152 = arith.select %eq3A_150, %broadcast_in_dim3A_151, %select_n3A_147 : vector<16xi1>, vector<16xf32>
      %eq3A_153 = arith.constant 6 : i32
      %eq3A_154 = vector.broadcast %eq3A_153 : i32 to vector<16xi32>
      %eq3A_155 = arith.cmpi eq, %iota3A, %eq3A_154 : vector<16xi32>
      %broadcast_in_dim3A_156 = vector.broadcast %squeeze3A_121 : f32 to vector<16xf32>
      %select_n3A_157 = arith.select %eq3A_155, %broadcast_in_dim3A_156, %select_n3A_152 : vector<16xi1>, vector<16xf32>
      %swap3A_158 = arith.constant 0 : index
      %swap3A_159 = tpu.vector_load %arg25[%swap3A_158] {strides = array<i32>} : memref<16xf32, #tpu.memory_space<vmem>>, vector<16xf32>,
      tpu.vector_store %arg25[%swap3A_158], %select_n3A_157 {strides = array<i32>} : memref<16xf32, #tpu.memory_space<vmem>>, vector<16xf32>,
      %mul3A_160 = arith.constant 16 : i32
      %mul3A_161 = arith.muli %arg1, %mul3A_160 : i32
      %run_scoped3A = arith.constant 0 : i32
      "tpu.region"() ({
        %run_scoped3A_448 = tpu.sem_alloc : memref<!tpu.dma_semaphore, #tpu.memory_space<semaphore_mem>>
        %dma_start3A_449 = tpu.memref_slice %arg38[%run_scoped3A, %mul3A_161] : memref<2x256xf32, #tpu.memory_space<vmem_shared>> -> memref<1x16xf32, #tpu.memory_space<vmem_shared>>
        %dma_start3A_450 = tpu.memref_squeeze %dma_start3A_449 : memref<1x16xf32, #tpu.memory_space<vmem_shared>> -> memref<16xf32, #tpu.memory_space<vmem_shared>>
        %dma_start3A_451 = tpu.memref_slice %arg38[%run_scoped3A, %mul3A_161] : memref<2x256xf32, #tpu.memory_space<vmem_shared>> -> memref<1x16xf32, #tpu.memory_space<vmem_shared>>
        %dma_start3A_452 = tpu.memref_squeeze %dma_start3A_451 : memref<1x16xf32, #tpu.memory_space<vmem_shared>> -> memref<16xf32, #tpu.memory_space<vmem_shared>>
        tpu.enqueue_dma source(%arg25 : memref<16xf32, #tpu.memory_space<vmem>>) target(%dma_start3A_452 : memref<16xf32, #tpu.memory_space<vmem_shared>>) target_semaphore(%run_scoped3A_448 : memref<!tpu.dma_semaphore, #tpu.memory_space<semaphore_mem>>)
        %dma_wait3A_453 = tpu.memref_slice %arg38[%run_scoped3A, %mul3A_161] : memref<2x256xf32, #tpu.memory_space<vmem_shared>> -> memref<1x16xf32, #tpu.memory_space<vmem_shared>>
        %dma_wait3A_454 = tpu.memref_squeeze %dma_wait3A_453 : memref<1x16xf32, #tpu.memory_space<vmem_shared>> -> memref<16xf32, #tpu.memory_space<vmem_shared>>
        %dma_wait3A_455 = tpu.memref_slice %arg38[%run_scoped3A, %mul3A_161] : memref<2x256xf32, #tpu.memory_space<vmem_shared>> -> memref<1x16xf32, #tpu.memory_space<vmem_shared>>
        %dma_wait3A_456 = tpu.memref_squeeze %dma_wait3A_455 : memref<1x16xf32, #tpu.memory_space<vmem_shared>> -> memref<16xf32, #tpu.memory_space<vmem_shared>>
        tpu.wait_dma2 semaphore(%run_scoped3A_448 : memref<!tpu.dma_semaphore, #tpu.memory_space<semaphore_mem>>) src(%arg25 : memref<16xf32, #tpu.memory_space<vmem>>) dst(%dma_wait3A_456 : memref<16xf32, #tpu.memory_space<vmem_shared>>)
        tpu.yield
      }) : () -> ()
      %eq3A_162 = arith.constant 0 : i32
      %eq3A_163 = vector.broadcast %eq3A_162 : i32 to vector<16xi32>
      %eq3A_164 = arith.cmpi eq, %iota3A, %eq3A_163 : vector<16xi32>
      %broadcast_in_dim3A_165 = vector.broadcast %reduce_max3A_94 : f32 to vector<16xf32>
      %select_n3A_166 = arith.select %eq3A_164, %broadcast_in_dim3A_165, %broadcast_in_dim3A_3 : vector<16xi1>, vector<16xf32>
      %eq3A_167 = arith.constant 1 : i32
      %eq3A_168 = vector.broadcast %eq3A_167 : i32 to vector<16xi32>
      %eq3A_169 = arith.cmpi eq, %iota3A, %eq3A_168 : vector<16xi32>
      %convert_element_type3A_170 = arith.sitofp %reduce_min3A_104 : i32 to f32
      %broadcast_in_dim3A_171 = vector.broadcast %convert_element_type3A_170 : f32 to vector<16xf32>
      %select_n3A_172 = arith.select %eq3A_169, %broadcast_in_dim3A_171, %select_n3A_166 : vector<16xi1>, vector<16xf32>
      %eq3A_173 = arith.constant 2 : i32
      %eq3A_174 = vector.broadcast %eq3A_173 : i32 to vector<16xi32>
      %eq3A_175 = arith.cmpi eq, %iota3A, %eq3A_174 : vector<16xi32>
      %broadcast_in_dim3A_176 = vector.broadcast %squeeze3A : f32 to vector<16xf32>
      %select_n3A_177 = arith.select %eq3A_175, %broadcast_in_dim3A_176, %select_n3A_172 : vector<16xi1>, vector<16xf32>
      %eq3A_178 = arith.constant 3 : i32
      %eq3A_179 = vector.broadcast %eq3A_178 : i32 to vector<16xi32>
      %eq3A_180 = arith.cmpi eq, %iota3A, %eq3A_179 : vector<16xi32>
      %broadcast_in_dim3A_181 = vector.broadcast %squeeze3A_109 : f32 to vector<16xf32>
      %select_n3A_182 = arith.select %eq3A_180, %broadcast_in_dim3A_181, %select_n3A_177 : vector<16xi1>, vector<16xf32>
      %eq3A_183 = arith.constant 4 : i32
      %eq3A_184 = vector.broadcast %eq3A_183 : i32 to vector<16xi32>
      %eq3A_185 = arith.cmpi eq, %iota3A, %eq3A_184 : vector<16xi32>
      %broadcast_in_dim3A_186 = vector.broadcast %squeeze3A_113 : f32 to vector<16xf32>
      %select_n3A_187 = arith.select %eq3A_185, %broadcast_in_dim3A_186, %select_n3A_182 : vector<16xi1>, vector<16xf32>
      %eq3A_188 = arith.constant 5 : i32
      %eq3A_189 = vector.broadcast %eq3A_188 : i32 to vector<16xi32>
      %eq3A_190 = arith.cmpi eq, %iota3A, %eq3A_189 : vector<16xi32>
      %broadcast_in_dim3A_191 = vector.broadcast %squeeze3A_117 : f32 to vector<16xf32>
      %select_n3A_192 = arith.select %eq3A_190, %broadcast_in_dim3A_191, %select_n3A_187 : vector<16xi1>, vector<16xf32>
      %eq3A_193 = arith.constant 6 : i32
      %eq3A_194 = vector.broadcast %eq3A_193 : i32 to vector<16xi32>
      %eq3A_195 = arith.cmpi eq, %iota3A, %eq3A_194 : vector<16xi32>
      %broadcast_in_dim3A_196 = vector.broadcast %squeeze3A_121 : f32 to vector<16xf32>
      %select_n3A_197 = arith.select %eq3A_195, %broadcast_in_dim3A_196, %select_n3A_192 : vector<16xi1>, vector<16xf32>
      %swap3A_198 = arith.constant 0 : index
      %swap3A_199 = tpu.vector_load %arg25[%swap3A_198] {strides = array<i32>} : memref<16xf32, #tpu.memory_space<vmem>>, vector<16xf32>,
      tpu.vector_store %arg25[%swap3A_198], %select_n3A_197 {strides = array<i32>} : memref<16xf32, #tpu.memory_space<vmem>>, vector<16xf32>,
      %mul3A_200 = arith.constant 16 : i32
      %mul3A_201 = arith.muli %arg1, %mul3A_200 : i32
      %run_scoped3A_202 = arith.constant 1 : i32
      "tpu.region"() ({
        %run_scoped3A_448 = tpu.sem_alloc : memref<!tpu.dma_semaphore, #tpu.memory_space<semaphore_mem>>
        %dma_start3A_449 = tpu.memref_slice %arg38[%run_scoped3A_202, %mul3A_201] : memref<2x256xf32, #tpu.memory_space<vmem_shared>> -> memref<1x16xf32, #tpu.memory_space<vmem_shared>>
        %dma_start3A_450 = tpu.memref_squeeze %dma_start3A_449 : memref<1x16xf32, #tpu.memory_space<vmem_shared>> -> memref<16xf32, #tpu.memory_space<vmem_shared>>
        %dma_start3A_451 = tpu.memref_slice %arg38[%run_scoped3A_202, %mul3A_201] : memref<2x256xf32, #tpu.memory_space<vmem_shared>> -> memref<1x16xf32, #tpu.memory_space<vmem_shared>>
        %dma_start3A_452 = tpu.memref_squeeze %dma_start3A_451 : memref<1x16xf32, #tpu.memory_space<vmem_shared>> -> memref<16xf32, #tpu.memory_space<vmem_shared>>
        tpu.enqueue_dma source(%arg25 : memref<16xf32, #tpu.memory_space<vmem>>) target(%dma_start3A_452 : memref<16xf32, #tpu.memory_space<vmem_shared>>) target_semaphore(%run_scoped3A_448 : memref<!tpu.dma_semaphore, #tpu.memory_space<semaphore_mem>>)
        %dma_wait3A_453 = tpu.memref_slice %arg38[%run_scoped3A_202, %mul3A_201] : memref<2x256xf32, #tpu.memory_space<vmem_shared>> -> memref<1x16xf32, #tpu.memory_space<vmem_shared>>
        %dma_wait3A_454 = tpu.memref_squeeze %dma_wait3A_453 : memref<1x16xf32, #tpu.memory_space<vmem_shared>> -> memref<16xf32, #tpu.memory_space<vmem_shared>>
        %dma_wait3A_455 = tpu.memref_slice %arg38[%run_scoped3A_202, %mul3A_201] : memref<2x256xf32, #tpu.memory_space<vmem_shared>> -> memref<1x16xf32, #tpu.memory_space<vmem_shared>>
        %dma_wait3A_456 = tpu.memref_squeeze %dma_wait3A_455 : memref<1x16xf32, #tpu.memory_space<vmem_shared>> -> memref<16xf32, #tpu.memory_space<vmem_shared>>
        tpu.wait_dma2 semaphore(%run_scoped3A_448 : memref<!tpu.dma_semaphore, #tpu.memory_space<semaphore_mem>>) src(%arg25 : memref<16xf32, #tpu.memory_space<vmem>>) dst(%dma_wait3A_456 : memref<16xf32, #tpu.memory_space<vmem_shared>>)
        tpu.yield
      }) : () -> ()
      %scan3A_203 = arith.constant -3.40282347E+38 : f32
      %scan3A_204 = arith.constant false
      %scan3A_205 = arith.constant 0 : i32
      %scan3A_206 = arith.constant 100 : i32
      %scan3A_207 = arith.addi %scan3A_205, %scan3A_206 : i32
      %scan3A_208 = arith.constant 1 : i32
      %scan3A_209:8 = scf.for %scan3A_448 = %scan3A_205 to %scan3A_207 step %scan3A_208 iter_args(%scan3A_449 = %reduce_max3A_94, %scan3A_450 = %reduce_min3A_104, %scan3A_451 = %squeeze3A, %scan3A_452 = %squeeze3A_109, %scan3A_453 = %squeeze3A_113, %scan3A_454 = %squeeze3A_117, %scan3A_455 = %squeeze3A_121, %scan3A_456 = %scan3A_204) -> (f32, i32, f32, f32, f32, f32, f32, i1)  : i32 {
        %barrier3A = arith.constant 0 : index
        tpu.barrier barrier_id(%barrier3A)
        %rem3A = arith.constant 2 : i32
        %rem3A_457 = arith.remsi %scan3A_448, %rem3A : i32
        "tpu.region"() ({
          %run_scoped3A_589 = tpu.sem_alloc : memref<!tpu.dma_semaphore, #tpu.memory_space<semaphore_mem>>
          %dma_start3A_590 = arith.constant 0 : i32
          %dma_start3A_591 = tpu.memref_slice %arg38[%rem3A_457, %dma_start3A_590] : memref<2x256xf32, #tpu.memory_space<vmem_shared>> -> memref<1x256xf32, #tpu.memory_space<vmem_shared>>
          %dma_start3A_592 = tpu.memref_squeeze %dma_start3A_591 : memref<1x256xf32, #tpu.memory_space<vmem_shared>> -> memref<256xf32, #tpu.memory_space<vmem_shared>>
          %dma_start3A_593 = arith.constant 0 : i32
          %dma_start3A_594 = tpu.memref_slice %arg38[%rem3A_457, %dma_start3A_593] : memref<2x256xf32, #tpu.memory_space<vmem_shared>> -> memref<1x256xf32, #tpu.memory_space<vmem_shared>>
          %dma_start3A_595 = tpu.memref_squeeze %dma_start3A_594 : memref<1x256xf32, #tpu.memory_space<vmem_shared>> -> memref<256xf32, #tpu.memory_space<vmem_shared>>
          tpu.enqueue_dma source(%dma_start3A_595 : memref<256xf32, #tpu.memory_space<vmem_shared>>) target(%arg24 : memref<256xf32, #tpu.memory_space<vmem>>) target_semaphore(%run_scoped3A_589 : memref<!tpu.dma_semaphore, #tpu.memory_space<semaphore_mem>>)
          %dma_wait3A_596 = arith.constant 0 : i32
          %dma_wait3A_597 = tpu.memref_slice %arg38[%rem3A_457, %dma_wait3A_596] : memref<2x256xf32, #tpu.memory_space<vmem_shared>> -> memref<1x256xf32, #tpu.memory_space<vmem_shared>>
          %dma_wait3A_598 = tpu.memref_squeeze %dma_wait3A_597 : memref<1x256xf32, #tpu.memory_space<vmem_shared>> -> memref<256xf32, #tpu.memory_space<vmem_shared>>
          %dma_wait3A_599 = arith.constant 0 : i32
          %dma_wait3A_600 = tpu.memref_slice %arg38[%rem3A_457, %dma_wait3A_599] : memref<2x256xf32, #tpu.memory_space<vmem_shared>> -> memref<1x256xf32, #tpu.memory_space<vmem_shared>>
          %dma_wait3A_601 = tpu.memref_squeeze %dma_wait3A_600 : memref<1x256xf32, #tpu.memory_space<vmem_shared>> -> memref<256xf32, #tpu.memory_space<vmem_shared>>
          tpu.wait_dma2 semaphore(%run_scoped3A_589 : memref<!tpu.dma_semaphore, #tpu.memory_space<semaphore_mem>>) src(%dma_wait3A_601 : memref<256xf32, #tpu.memory_space<vmem_shared>>) dst(%arg24 : memref<256xf32, #tpu.memory_space<vmem>>)
          tpu.yield
        }) : () -> ()
        %mul3A_458 = arith.constant 16 : i32
        %mul3A_459 = vector.broadcast %mul3A_458 : i32 to vector<16xi32>
        %mul3A_460 = arith.muli %iota3A, %mul3A_459 : vector<16xi32>
        %gather3A_461 = tpu.vector_load_idx %arg24[%mul3A_460] : memref<256xf32, #tpu.memory_space<vmem>>[vector<16xi32>], vector<16xf32>,
        %mul3A_462 = arith.constant 16 : i32
        %mul3A_463 = vector.broadcast %mul3A_462 : i32 to vector<16xi32>
        %mul3A_464 = arith.muli %iota3A, %mul3A_463 : vector<16xi32>
        %add3A_465 = arith.constant 1 : i32
        %add3A_466 = vector.broadcast %add3A_465 : i32 to vector<16xi32>
        %add3A_467 = arith.addi %mul3A_464, %add3A_466 : vector<16xi32>
        %gather3A_468 = tpu.vector_load_idx %arg24[%add3A_467] : memref<256xf32, #tpu.memory_space<vmem>>[vector<16xi32>], vector<16xf32>,
        %reduce_max3A_469 = arith.constant true
        %reduce_max3A_470 = vector.broadcast %reduce_max3A_469 : i1 to vector<16xi1>
        %reduce_max3A_471 = tpu.scan <max>, %gather3A_461 masked %reduce_max3A_470 : vector<16xf32>, vector<16xi1> -> vector<16xf32>
        %reduce_max3A_472 = vector.extract %reduce_max3A_471[15] : f32 from vector<16xf32>
        %eq3A_473 = vector.broadcast %reduce_max3A_472 : f32 to vector<16xf32>
        %eq3A_474 = arith.cmpf oeq, %gather3A_461, %eq3A_473 : vector<16xf32>
        %convert_element_type3A_475 = arith.fptosi %gather3A_468 : vector<16xf32> to vector<16xi32>
        %jit3A_476 = arith.constant 1073741824 : i32
        %broadcast_in_dim3A_477 = vector.broadcast %jit3A_476 : i32 to vector<16xi32>
        %select_n3A_478 = arith.select %eq3A_474, %convert_element_type3A_475, %broadcast_in_dim3A_477 : vector<16xi1>, vector<16xi32>
        %reduce_min3A_479 = arith.constant true
        %reduce_min3A_480 = vector.broadcast %reduce_min3A_479 : i1 to vector<16xi1>
        %reduce_min3A_481 = arith.constant -2147483648 : i32
        %reduce_min3A_482 = vector.broadcast %reduce_min3A_481 : i32 to vector<16xi32>
        %reduce_min3A_483 = arith.xori %select_n3A_478, %reduce_min3A_482 : vector<16xi32>
        %reduce_min3A_484 = tpu.scan <min>, %reduce_min3A_483 masked %reduce_min3A_480 : vector<16xi32>, vector<16xi1> -> vector<16xi32>
        %reduce_min3A_485 = arith.xori %reduce_min3A_484, %reduce_min3A_482 : vector<16xi32>
        %reduce_min3A_486 = vector.extract %reduce_min3A_485[15] : i32 from vector<16xi32>
        %ge3A_487 = arith.constant 5.000000e-01 : f32
        %ge3A_488 = arith.cmpf oge, %reduce_max3A_472, %ge3A_487 : f32
        %jit3A_489 = arith.constant 1280 : i32
        %div3A = arith.divsi %reduce_min3A_486, %jit3A_489 : i32
        %sign3A = arith.constant 0 : i32
        %sign3A_490 = arith.cmpi sgt, %reduce_min3A_486, %sign3A : i32
        %sign3A_491 = arith.extui %sign3A_490 : i1 to i32
        %sign3A_492 = arith.constant 0 : i32
        %sign3A_493 = arith.cmpi slt, %reduce_min3A_486, %sign3A_492 : i32
        %sign3A_494 = arith.extui %sign3A_493 : i1 to i32
        %sign3A_495 = arith.subi %sign3A_491, %sign3A_494 : i32
        %sign3A_496 = arith.constant 0 : i32
        %sign3A_497 = arith.cmpi sgt, %jit3A_489, %sign3A_496 : i32
        %sign3A_498 = arith.extui %sign3A_497 : i1 to i32
        %sign3A_499 = arith.constant 0 : i32
        %sign3A_500 = arith.cmpi slt, %jit3A_489, %sign3A_499 : i32
        %sign3A_501 = arith.extui %sign3A_500 : i1 to i32
        %sign3A_502 = arith.subi %sign3A_498, %sign3A_501 : i32
        %ne3A = arith.cmpi ne, %sign3A_495, %sign3A_502 : i32
        %rem3A_503 = arith.remsi %reduce_min3A_486, %jit3A_489 : i32
        %ne3A_504 = arith.constant 0 : i32
        %ne3A_505 = arith.cmpi ne, %rem3A_503, %ne3A_504 : i32
        %and3A_506 = arith.andi %ne3A, %ne3A_505 : i1
        %sub3A_507 = arith.constant 1 : i32
        %sub3A_508 = arith.subi %div3A, %sub3A_507 : i32
        %select_n3A_509 = arith.select %and3A_506, %sub3A_508, %div3A : i32
        %mul3A_510 = arith.constant 16 : i32
        %mul3A_511 = arith.muli %select_n3A_509, %mul3A_510 : i32
        %get3A = arith.index_cast %mul3A_511 : i32 to index
        %get3A_512 = tpu.vector_load %arg24[%get3A] {strides = array<i32>} : memref<256xf32, #tpu.memory_space<vmem>>, vector<16xf32>,
        %slice3A_513 = vector.extract_strided_slice %get3A_512 {offsets = [2], sizes = [1], strides = [1]} : vector<16xf32> to vector<1xf32>
        %squeeze3A_514 = vector.extract %slice3A_513[0] : f32 from vector<1xf32>
        %slice3A_515 = vector.extract_strided_slice %get3A_512 {offsets = [3], sizes = [1], strides = [1]} : vector<16xf32> to vector<1xf32>
        %squeeze3A_516 = vector.extract %slice3A_515[0] : f32 from vector<1xf32>
        %slice3A_517 = vector.extract_strided_slice %get3A_512 {offsets = [4], sizes = [1], strides = [1]} : vector<16xf32> to vector<1xf32>
        %squeeze3A_518 = vector.extract %slice3A_517[0] : f32 from vector<1xf32>
        %slice3A_519 = vector.extract_strided_slice %get3A_512 {offsets = [5], sizes = [1], strides = [1]} : vector<16xf32> to vector<1xf32>
        %squeeze3A_520 = vector.extract %slice3A_519[0] : f32 from vector<1xf32>
        %slice3A_521 = vector.extract_strided_slice %get3A_512 {offsets = [6], sizes = [1], strides = [1]} : vector<16xf32> to vector<1xf32>
        %squeeze3A_522 = vector.extract %slice3A_521[0] : f32 from vector<1xf32>
        %and3A_523 = vector.broadcast %ge3A_488 : i1 to vector<16xi1>
        %and3A_524 = arith.andi %eq3A_6, %and3A_523 : vector<16xi1>
        %broadcast_in_dim3A_525 = vector.broadcast %scan3A_448 : i32 to vector<16xi32>
        %broadcast_in_dim3A_526 = vector.broadcast %squeeze3A_514 : f32 to vector<16xf32>
        tpu.vector_store_idx %arg19[%broadcast_in_dim3A_525], %broadcast_in_dim3A_526 masked %and3A_524 : memref<112xf32, #tpu.memory_space<vmem>>[vector<16xi32>], vector<16xf32>, vector<16xi1>
        %broadcast_in_dim3A_527 = vector.broadcast %scan3A_448 : i32 to vector<16xi32>
        %broadcast_in_dim3A_528 = vector.broadcast %squeeze3A_516 : f32 to vector<16xf32>
        tpu.vector_store_idx %arg20[%broadcast_in_dim3A_527], %broadcast_in_dim3A_528 masked %and3A_524 : memref<112xf32, #tpu.memory_space<vmem>>[vector<16xi32>], vector<16xf32>, vector<16xi1>
        %broadcast_in_dim3A_529 = vector.broadcast %scan3A_448 : i32 to vector<16xi32>
        %broadcast_in_dim3A_530 = vector.broadcast %squeeze3A_518 : f32 to vector<16xf32>
        tpu.vector_store_idx %arg21[%broadcast_in_dim3A_529], %broadcast_in_dim3A_530 masked %and3A_524 : memref<112xf32, #tpu.memory_space<vmem>>[vector<16xi32>], vector<16xf32>, vector<16xi1>
        %broadcast_in_dim3A_531 = vector.broadcast %scan3A_448 : i32 to vector<16xi32>
        %broadcast_in_dim3A_532 = vector.broadcast %squeeze3A_520 : f32 to vector<16xf32>
        tpu.vector_store_idx %arg22[%broadcast_in_dim3A_531], %broadcast_in_dim3A_532 masked %and3A_524 : memref<112xf32, #tpu.memory_space<vmem>>[vector<16xi32>], vector<16xf32>, vector<16xi1>
        %broadcast_in_dim3A_533 = vector.broadcast %scan3A_448 : i32 to vector<16xi32>
        %broadcast_in_dim3A_534 = vector.broadcast %squeeze3A_522 : f32 to vector<16xf32>
        tpu.vector_store_idx %arg23[%broadcast_in_dim3A_533], %broadcast_in_dim3A_534 masked %and3A_524 : memref<112xf32, #tpu.memory_space<vmem>>[vector<16xi32>], vector<16xf32>, vector<16xi1>
        %broadcast_in_dim3A_535 = vector.broadcast %scan3A_448 : i32 to vector<16xi32>
        %jit3A_536 = arith.constant -1 : i32
        %select_n3A_537 = arith.select %ge3A_488, %reduce_min3A_486, %jit3A_536 : i32
        %broadcast_in_dim3A_538 = vector.broadcast %select_n3A_537 : i32 to vector<16xi32>
        tpu.vector_store_idx %arg26[%broadcast_in_dim3A_535], %broadcast_in_dim3A_538 masked %eq3A_6 : memref<112xi32, #tpu.memory_space<vmem>>[vector<16xi32>], vector<16xi32>, vector<16xi1>
        %eq3A_539 = arith.constant 0 : i32
        %eq3A_540 = arith.cmpi eq, %arg1, %eq3A_539 : i32
        %convert_element_type3A_541 = arith.extui %eq3A_540 : i1 to i32
        %cond3A_542 = arith.constant 0 : i32
        %cond3A_543 = arith.cmpi ne, %convert_element_type3A_541, %cond3A_542 : i32
        scf.if %cond3A_543 {
          %add3A_589 = arith.constant 2 : i32
          %add3A_590 = arith.addi %mul3A_511, %add3A_589 : i32
          %broadcast_in_dim3A_591 = vector.broadcast %add3A_590 : i32 to vector<16xi32>
          %add3A_592 = arith.addi %broadcast_in_dim3A_591, %iota3A : vector<16xi32>
          %gather3A_593 = tpu.vector_load_idx %arg24[%add3A_592] : memref<256xf32, #tpu.memory_space<vmem>>[vector<16xi32>], vector<16xf32>,
          %jit3A_594 = arith.constant 0.000000e+00 : f32
          %broadcast_in_dim3A_595 = vector.broadcast %jit3A_594 : f32 to vector<16xf32>
          %select_n3A_596 = arith.select %ge3A_488, %gather3A_593, %broadcast_in_dim3A_595 : vector<16xf32>
          %broadcast_in_dim3A_597 = vector.broadcast %scan3A_448 : i32 to vector<16xi32>
          %lt3A_598 = arith.constant 4 : i32
          %lt3A_599 = vector.broadcast %lt3A_598 : i32 to vector<16xi32>
          %lt3A_600 = arith.cmpi slt, %iota3A, %lt3A_599 : vector<16xi32>
          tpu.vector_store_idx %arg27[%broadcast_in_dim3A_597, %iota3A], %select_n3A_596 masked %lt3A_600 : memref<112x4xf32, #tpu.memory_space<vmem>>[vector<16xi32>, vector<16xi32>], vector<16xf32>, vector<16xi1>
          %broadcast_in_dim3A_601 = vector.broadcast %scan3A_448 : i32 to vector<16xi32>
          %jit3A_602 = arith.constant 0.000000e+00 : f32
          %select_n3A_603 = arith.select %ge3A_488, %reduce_max3A_472, %jit3A_602 : f32
          %broadcast_in_dim3A_604 = vector.broadcast %select_n3A_603 : f32 to vector<16xf32>
          tpu.vector_store_idx %arg28[%broadcast_in_dim3A_601], %broadcast_in_dim3A_604 masked %eq3A_6 : memref<112xf32, #tpu.memory_space<vmem>>[vector<16xi32>], vector<16xf32>, vector<16xi1>
          %broadcast_in_dim3A_605 = vector.broadcast %scan3A_448 : i32 to vector<16xi32>
          %jit3A_606 = arith.constant 1 : i32
          %jit3A_607 = arith.constant 0 : i32
          %select_n3A_608 = arith.select %ge3A_488, %jit3A_606, %jit3A_607 : i32
          %broadcast_in_dim3A_609 = vector.broadcast %select_n3A_608 : i32 to vector<16xi32>
          tpu.vector_store_idx %arg29[%broadcast_in_dim3A_605], %broadcast_in_dim3A_609 masked %eq3A_6 : memref<112xi32, #tpu.memory_space<vmem>>[vector<16xi32>], vector<16xi32>, vector<16xi1>
        } else {
        }
        %eq3A_544 = arith.cmpi eq, %scan3A_450, %reduce_min3A_486 : i32
        %and3A_545 = arith.andi %ge3A_488, %eq3A_544 : i1
        %broadcast_in_dim3A_546 = vector.broadcast %squeeze3A_514 : f32 to vector<16xf32>
        %broadcast_in_dim3A_547 = vector.broadcast %scan3A_451 : f32 to vector<16xf32>
        %max3A_548 = arith.maximumf %broadcast_in_dim3A_546, %broadcast_in_dim3A_547 : vector<16xf32>
        %broadcast_in_dim3A_549 = vector.broadcast %squeeze3A_516 : f32 to vector<16xf32>
        %broadcast_in_dim3A_550 = vector.broadcast %scan3A_452 : f32 to vector<16xf32>
        %max3A_551 = arith.maximumf %broadcast_in_dim3A_549, %broadcast_in_dim3A_550 : vector<16xf32>
        %broadcast_in_dim3A_552 = vector.broadcast %squeeze3A_518 : f32 to vector<16xf32>
        %broadcast_in_dim3A_553 = vector.broadcast %scan3A_453 : f32 to vector<16xf32>
        %min3A_554 = arith.minimumf %broadcast_in_dim3A_552, %broadcast_in_dim3A_553 : vector<16xf32>
        %broadcast_in_dim3A_555 = vector.broadcast %squeeze3A_520 : f32 to vector<16xf32>
        %broadcast_in_dim3A_556 = vector.broadcast %scan3A_454 : f32 to vector<16xf32>
        %min3A_557 = arith.minimumf %broadcast_in_dim3A_555, %broadcast_in_dim3A_556 : vector<16xf32>
        %sub3A_558 = arith.subf %min3A_554, %max3A_548 : vector<16xf32>
        %max3A_559 = arith.constant 0.000000e+00 : f32
        %max3A_560 = vector.broadcast %max3A_559 : f32 to vector<16xf32>
        %max3A_561 = arith.maximumf %sub3A_558, %max3A_560 : vector<16xf32>
        %sub3A_562 = arith.subf %min3A_557, %max3A_551 : vector<16xf32>
        %max3A_563 = arith.constant 0.000000e+00 : f32
        %max3A_564 = vector.broadcast %max3A_563 : f32 to vector<16xf32>
        %max3A_565 = arith.maximumf %sub3A_562, %max3A_564 : vector<16xf32>
        %mul3A_566 = arith.mulf %max3A_561, %max3A_565 : vector<16xf32>
        %broadcast_in_dim3A_567 = vector.broadcast %scan3A_455 : f32 to vector<16xf32>
        %broadcast_in_dim3A_568 = vector.broadcast %squeeze3A_522 : f32 to vector<16xf32>
        %add3A_569 = arith.addf %broadcast_in_dim3A_567, %broadcast_in_dim3A_568 : vector<16xf32>
        %sub3A_570 = arith.subf %add3A_569, %mul3A_566 : vector<16xf32>
        %add3A_571 = arith.constant 9.99999993E-9 : f32
        %add3A_572 = vector.broadcast %add3A_571 : f32 to vector<16xf32>
        %add3A_573 = arith.addf %sub3A_570, %add3A_572 : vector<16xf32>
        %div3A_574 = arith.divf %mul3A_566, %add3A_573 : vector<16xf32>
        %slice3A_575 = vector.extract_strided_slice %div3A_574 {offsets = [0], sizes = [1], strides = [1]} : vector<16xf32> to vector<1xf32>
        %squeeze3A_576 = vector.extract %slice3A_575[0] : f32 from vector<1xf32>
        %gt3A = arith.constant 5.000000e-01 : f32
        %gt3A_577 = arith.cmpf ogt, %squeeze3A_576, %gt3A : f32
        %or3A = arith.ori %and3A_545, %gt3A_577 : i1
        %and3A_578 = arith.andi %ge3A_488, %or3A : i1
        %sub3A_579 = arith.subi %scan3A_450, %mul3A_2 : i32
        %broadcast_in_dim3A_580 = vector.broadcast %sub3A_579 : i32 to vector<16xi32>
        %broadcast_in_dim3A_581 = vector.broadcast %scan3A_203 : f32 to vector<16xf32>
        %and3A_582 = vector.broadcast %and3A_578 : i1 to vector<16xi1>
        %and3A_583 = arith.andi %eq3A_6, %and3A_582 : vector<16xi1>
        tpu.vector_store_idx %arg18[%broadcast_in_dim3A_580], %broadcast_in_dim3A_581 masked %and3A_583 : memref<1280xf32, #tpu.memory_space<vmem>>[vector<16xi32>], vector<16xf32>, vector<16xi1>
        %not3A = arith.constant true
        %not3A_584 = arith.xori %and3A_578, %not3A : i1
        %while3A:8 = scf.while (%while3A_589 = %not3A_584, %while3A_590 = %scan3A_449, %while3A_591 = %scan3A_450, %while3A_592 = %scan3A_451, %while3A_593 = %scan3A_452, %while3A_594 = %scan3A_453, %while3A_595 = %scan3A_454, %while3A_596 = %scan3A_455) : (i1, f32, i32, f32, f32, f32, f32, f32) -> (i1, f32, i32, f32, f32, f32, f32, f32) {
          %not3A_597 = arith.constant true
          %not3A_598 = arith.xori %while3A_589, %not3A_597 : i1
          scf.condition(%not3A_598) %while3A_589, %while3A_590, %while3A_591, %while3A_592, %while3A_593, %while3A_594, %while3A_595, %while3A_596 : i1, f32, i32, f32, f32, f32, f32, f32
        } do {
        ^bb0(%while3A_589: i1, %while3A_590: f32, %while3A_591: i32, %while3A_592: f32, %while3A_593: f32, %while3A_594: f32, %while3A_595: f32, %while3A_596: f32):
          %broadcast_in_dim3A_597 = vector.broadcast %scan3A_203 : f32 to vector<16xf32>
          %broadcast_in_dim3A_598 = arith.constant 0 : i32
          %broadcast_in_dim3A_599 = vector.broadcast %broadcast_in_dim3A_598 : i32 to vector<16xi32>
          %scan3A_600 = arith.constant 0 : i32
          %scan3A_601 = arith.constant 80 : i32
          %scan3A_602 = arith.addi %scan3A_600, %scan3A_601 : i32
          %scan3A_603 = arith.constant 1 : i32
          %scan3A_604:2 = scf.for %scan3A_658 = %scan3A_600 to %scan3A_602 step %scan3A_603 iter_args(%scan3A_659 = %broadcast_in_dim3A_597, %scan3A_660 = %broadcast_in_dim3A_599) -> (vector<16xf32>, vector<16xi32>)  : i32 {
            %mul3A_661 = arith.constant 16 : i32
            %mul3A_662 = arith.muli %mul3A_661, %scan3A_658 : i32
            %get3A_663 = arith.index_cast %mul3A_662 : i32 to index
            %get3A_664 = tpu.vector_load %arg18[%get3A_663] {strides = array<i32>} : memref<1280xf32, #tpu.memory_space<vmem>>, vector<16xf32>,
            %mul3A_665 = arith.constant 16 : i32
            %mul3A_666 = arith.muli %mul3A_665, %scan3A_658 : i32
            %add3A_667 = arith.addi %mul3A_2, %mul3A_666 : i32
            %broadcast_in_dim3A_668 = vector.broadcast %add3A_667 : i32 to vector<16xi32>
            %add3A_669 = arith.addi %broadcast_in_dim3A_668, %iota3A : vector<16xi32>
            %gt3A_670 = arith.cmpf ogt, %get3A_664, %scan3A_659 : vector<16xf32>
            %max3A_671 = arith.maximumf %scan3A_659, %get3A_664 : vector<16xf32>
            %select_n3A_672 = arith.select %gt3A_670, %add3A_669, %scan3A_660 : vector<16xi1>, vector<16xi32>
            scf.yield %max3A_671, %select_n3A_672 : vector<16xf32>, vector<16xi32>
          }
          %scan3A_605 = arith.constant 80 : i32
          %reduce_max3A_606 = arith.constant true
          %reduce_max3A_607 = vector.broadcast %reduce_max3A_606 : i1 to vector<16xi1>
          %reduce_max3A_608 = tpu.scan <max>, %scan3A_604#0 masked %reduce_max3A_607 : vector<16xf32>, vector<16xi1> -> vector<16xf32>
          %reduce_max3A_609 = vector.extract %reduce_max3A_608[15] : f32 from vector<16xf32>
          %eq3A_610 = vector.broadcast %reduce_max3A_609 : f32 to vector<16xf32>
          %eq3A_611 = arith.cmpf oeq, %scan3A_604#0, %eq3A_610 : vector<16xf32>
          %jit3A_612 = arith.constant 1073741824 : i32
          %broadcast_in_dim3A_613 = vector.broadcast %jit3A_612 : i32 to vector<16xi32>
          %select_n3A_614 = arith.select %eq3A_611, %scan3A_604#1, %broadcast_in_dim3A_613 : vector<16xi1>, vector<16xi32>
          %reduce_min3A_615 = arith.constant true
          %reduce_min3A_616 = vector.broadcast %reduce_min3A_615 : i1 to vector<16xi1>
          %reduce_min3A_617 = arith.constant -2147483648 : i32
          %reduce_min3A_618 = vector.broadcast %reduce_min3A_617 : i32 to vector<16xi32>
          %reduce_min3A_619 = arith.xori %select_n3A_614, %reduce_min3A_618 : vector<16xi32>
          %reduce_min3A_620 = tpu.scan <min>, %reduce_min3A_619 masked %reduce_min3A_616 : vector<16xi32>, vector<16xi1> -> vector<16xi32>
          %reduce_min3A_621 = arith.xori %reduce_min3A_620, %reduce_min3A_618 : vector<16xi32>
          %reduce_min3A_622 = vector.extract %reduce_min3A_621[15] : i32 from vector<16xi32>
          %sub3A_623 = arith.subi %reduce_min3A_622, %mul3A_2 : i32
          %broadcast_in_dim3A_624 = vector.broadcast %sub3A_623 : i32 to vector<16xi32>
          %gather3A_625 = tpu.vector_load_idx %arg13[%broadcast_in_dim3A_624] : memref<1280xf32, #tpu.memory_space<vmem>>[vector<16xi32>], vector<16xf32>,
          %slice3A_626 = vector.extract_strided_slice %gather3A_625 {offsets = [0], sizes = [1], strides = [1]} : vector<16xf32> to vector<1xf32>
          %squeeze3A_627 = vector.extract %slice3A_626[0] : f32 from vector<1xf32>
          %broadcast_in_dim3A_628 = vector.broadcast %sub3A_623 : i32 to vector<16xi32>
          %gather3A_629 = tpu.vector_load_idx %arg14[%broadcast_in_dim3A_628] : memref<1280xf32, #tpu.memory_space<vmem>>[vector<16xi32>], vector<16xf32>,
          %slice3A_630 = vector.extract_strided_slice %gather3A_629 {offsets = [0], sizes = [1], strides = [1]} : vector<16xf32> to vector<1xf32>
          %squeeze3A_631 = vector.extract %slice3A_630[0] : f32 from vector<1xf32>
          %broadcast_in_dim3A_632 = vector.broadcast %sub3A_623 : i32 to vector<16xi32>
          %gather3A_633 = tpu.vector_load_idx %arg15[%broadcast_in_dim3A_632] : memref<1280xf32, #tpu.memory_space<vmem>>[vector<16xi32>], vector<16xf32>,
          %slice3A_634 = vector.extract_strided_slice %gather3A_633 {offsets = [0], sizes = [1], strides = [1]} : vector<16xf32> to vector<1xf32>
          %squeeze3A_635 = vector.extract %slice3A_634[0] : f32 from vector<1xf32>
          %broadcast_in_dim3A_636 = vector.broadcast %sub3A_623 : i32 to vector<16xi32>
          %gather3A_637 = tpu.vector_load_idx %arg16[%broadcast_in_dim3A_636] : memref<1280xf32, #tpu.memory_space<vmem>>[vector<16xi32>], vector<16xf32>,
          %slice3A_638 = vector.extract_strided_slice %gather3A_637 {offsets = [0], sizes = [1], strides = [1]} : vector<16xf32> to vector<1xf32>
          %squeeze3A_639 = vector.extract %slice3A_638[0] : f32 from vector<1xf32>
          %broadcast_in_dim3A_640 = vector.broadcast %sub3A_623 : i32 to vector<16xi32>
          %gather3A_641 = tpu.vector_load_idx %arg17[%broadcast_in_dim3A_640] : memref<1280xf32, #tpu.memory_space<vmem>>[vector<16xi32>], vector<16xf32>,
          %slice3A_642 = vector.extract_strided_slice %gather3A_641 {offsets = [0], sizes = [1], strides = [1]} : vector<16xf32> to vector<1xf32>
          %squeeze3A_643 = vector.extract %slice3A_642[0] : f32 from vector<1xf32>
          %scan3A_644 = arith.constant false
          %scan3A_645 = arith.constant 0 : i32
          %scan3A_646 = arith.constant 7 : i32
          %scan3A_647 = arith.addi %scan3A_645, %scan3A_646 : i32
          %scan3A_648 = arith.constant 1 : i32
          %scan3A_649 = scf.for %scan3A_658 = %scan3A_645 to %scan3A_647 step %scan3A_648 iter_args(%scan3A_659 = %scan3A_644) -> (i1)  : i32 {
            %mul3A_660 = arith.constant 16 : i32
            %mul3A_661 = arith.muli %mul3A_660, %scan3A_658 : i32
            %get3A_662 = arith.index_cast %mul3A_661 : i32 to index
            %get3A_663 = tpu.vector_load %arg19[%get3A_662] {strides = array<i32>} : memref<112xf32, #tpu.memory_space<vmem>>, vector<16xf32>,
            %max3A_664 = vector.broadcast %squeeze3A_627 : f32 to vector<16xf32>
            %max3A_665 = arith.maximumf %get3A_663, %max3A_664 : vector<16xf32>
            %get3A_666 = arith.index_cast %mul3A_661 : i32 to index
            %get3A_667 = tpu.vector_load %arg20[%get3A_666] {strides = array<i32>} : memref<112xf32, #tpu.memory_space<vmem>>, vector<16xf32>,
            %max3A_668 = vector.broadcast %squeeze3A_631 : f32 to vector<16xf32>
            %max3A_669 = arith.maximumf %get3A_667, %max3A_668 : vector<16xf32>
            %get3A_670 = arith.index_cast %mul3A_661 : i32 to index
            %get3A_671 = tpu.vector_load %arg21[%get3A_670] {strides = array<i32>} : memref<112xf32, #tpu.memory_space<vmem>>, vector<16xf32>,
            %min3A_672 = vector.broadcast %squeeze3A_635 : f32 to vector<16xf32>
            %min3A_673 = arith.minimumf %get3A_671, %min3A_672 : vector<16xf32>
            %get3A_674 = arith.index_cast %mul3A_661 : i32 to index
            %get3A_675 = tpu.vector_load %arg22[%get3A_674] {strides = array<i32>} : memref<112xf32, #tpu.memory_space<vmem>>, vector<16xf32>,
            %min3A_676 = vector.broadcast %squeeze3A_639 : f32 to vector<16xf32>
            %min3A_677 = arith.minimumf %get3A_675, %min3A_676 : vector<16xf32>
            %sub3A_678 = arith.subf %min3A_673, %max3A_665 : vector<16xf32>
            %max3A_679 = arith.constant 0.000000e+00 : f32
            %max3A_680 = vector.broadcast %max3A_679 : f32 to vector<16xf32>
            %max3A_681 = arith.maximumf %sub3A_678, %max3A_680 : vector<16xf32>
            %sub3A_682 = arith.subf %min3A_677, %max3A_669 : vector<16xf32>
            %max3A_683 = arith.constant 0.000000e+00 : f32
            %max3A_684 = vector.broadcast %max3A_683 : f32 to vector<16xf32>
            %max3A_685 = arith.maximumf %sub3A_682, %max3A_684 : vector<16xf32>
            %mul3A_686 = arith.mulf %max3A_681, %max3A_685 : vector<16xf32>
            %get3A_687 = arith.index_cast %mul3A_661 : i32 to index
            %get3A_688 = tpu.vector_load %arg23[%get3A_687] {strides = array<i32>} : memref<112xf32, #tpu.memory_space<vmem>>, vector<16xf32>,
            %add3A_689 = vector.broadcast %squeeze3A_643 : f32 to vector<16xf32>
            %add3A_690 = arith.addf %get3A_688, %add3A_689 : vector<16xf32>
            %sub3A_691 = arith.subf %add3A_690, %mul3A_686 : vector<16xf32>
            %add3A_692 = arith.constant 9.99999993E-9 : f32
            %add3A_693 = vector.broadcast %add3A_692 : f32 to vector<16xf32>
            %add3A_694 = arith.addf %sub3A_691, %add3A_693 : vector<16xf32>
            %div3A_695 = arith.divf %mul3A_686, %add3A_694 : vector<16xf32>
            %mul3A_696 = arith.constant 16 : i32
            %mul3A_697 = arith.muli %mul3A_696, %scan3A_658 : i32
            %add3A_698 = vector.broadcast %mul3A_697 : i32 to vector<16xi32>
            %add3A_699 = arith.addi %add3A_698, %iota3A : vector<16xi32>
            %gt3A_700 = arith.constant 5.000000e-01 : f32
            %gt3A_701 = vector.broadcast %gt3A_700 : f32 to vector<16xf32>
            %gt3A_702 = arith.cmpf ogt, %div3A_695, %gt3A_701 : vector<16xf32>
            %le3A = vector.broadcast %scan3A_448 : i32 to vector<16xi32>
            %le3A_703 = arith.cmpi sle, %add3A_699, %le3A : vector<16xi32>
            %and3A_704 = arith.andi %gt3A_702, %le3A_703 : vector<16xi1>
            %reduce_or3A = arith.constant 1.000000e+00 : f32
            %reduce_or3A_705 = arith.constant 0.000000e+00 : f32
            %reduce_or3A_706 = vector.broadcast %reduce_or3A : f32 to vector<16xf32>
            %reduce_or3A_707 = vector.broadcast %reduce_or3A_705 : f32 to vector<16xf32>
            %reduce_or3A_708 = arith.select %and3A_704, %reduce_or3A_706, %reduce_or3A_707 : vector<16xi1>, vector<16xf32>
            %reduce_or3A_709 = arith.constant true
            %reduce_or3A_710 = vector.broadcast %reduce_or3A_709 : i1 to vector<16xi1>
            %reduce_or3A_711 = tpu.scan <max>, %reduce_or3A_708 masked %reduce_or3A_710 : vector<16xf32>, vector<16xi1> -> vector<16xf32>
            %reduce_or3A_712 = vector.extract %reduce_or3A_711[15] : f32 from vector<16xf32>
            %reduce_or3A_713 = arith.constant 0.000000e+00 : f32
            %reduce_or3A_714 = arith.cmpf ogt, %reduce_or3A_712, %reduce_or3A_713 : f32
            %or3A_715 = arith.ori %scan3A_659, %reduce_or3A_714 : i1
            scf.yield %or3A_715 : i1
          }
          %scan3A_650 = arith.constant 7 : i32
          %sub3A_651 = arith.subi %reduce_min3A_622, %mul3A_2 : i32
          %broadcast_in_dim3A_652 = vector.broadcast %sub3A_651 : i32 to vector<16xi32>
          %broadcast_in_dim3A_653 = vector.broadcast %scan3A_203 : f32 to vector<16xf32>
          %and3A_654 = vector.broadcast %scan3A_649 : i1 to vector<16xi1>
          %and3A_655 = arith.andi %eq3A_6, %and3A_654 : vector<16xi1>
          tpu.vector_store_idx %arg18[%broadcast_in_dim3A_652], %broadcast_in_dim3A_653 masked %and3A_655 : memref<1280xf32, #tpu.memory_space<vmem>>[vector<16xi32>], vector<16xf32>, vector<16xi1>
          %not3A_656 = arith.constant true
          %not3A_657 = arith.xori %scan3A_649, %not3A_656 : i1
          scf.yield %not3A_657, %reduce_max3A_609, %reduce_min3A_622, %squeeze3A_627, %squeeze3A_631, %squeeze3A_635, %squeeze3A_639, %squeeze3A_643 : i1, f32, i32, f32, f32, f32, f32, f32
        }
        %or3A_585 = arith.ori %and3A_578, %scan3A_456 : i1
        %convert_element_type3A_586 = arith.extui %or3A_585 : i1 to i32
        %cond3A_587 = arith.constant 0 : i32
        %cond3A_588 = arith.cmpi ne, %convert_element_type3A_586, %cond3A_587 : i32
        scf.if %cond3A_588 {
          %add3A_589 = arith.constant 1 : i32
          %add3A_590 = arith.addi %scan3A_448, %add3A_589 : i32
          %rem3A_591 = arith.constant 2 : i32
          %rem3A_592 = arith.remsi %add3A_590, %rem3A_591 : i32
          %eq3A_593 = arith.constant 0 : i32
          %eq3A_594 = vector.broadcast %eq3A_593 : i32 to vector<16xi32>
          %eq3A_595 = arith.cmpi eq, %iota3A, %eq3A_594 : vector<16xi32>
          %broadcast_in_dim3A_596 = vector.broadcast %while3A#1 : f32 to vector<16xf32>
          %select_n3A_597 = arith.select %eq3A_595, %broadcast_in_dim3A_596, %broadcast_in_dim3A_3 : vector<16xi1>, vector<16xf32>
          %eq3A_598 = arith.constant 1 : i32
          %eq3A_599 = vector.broadcast %eq3A_598 : i32 to vector<16xi32>
          %eq3A_600 = arith.cmpi eq, %iota3A, %eq3A_599 : vector<16xi32>
          %convert_element_type3A_601 = arith.sitofp %while3A#2 : i32 to f32
          %broadcast_in_dim3A_602 = vector.broadcast %convert_element_type3A_601 : f32 to vector<16xf32>
          %select_n3A_603 = arith.select %eq3A_600, %broadcast_in_dim3A_602, %select_n3A_597 : vector<16xi1>, vector<16xf32>
          %eq3A_604 = arith.constant 2 : i32
          %eq3A_605 = vector.broadcast %eq3A_604 : i32 to vector<16xi32>
          %eq3A_606 = arith.cmpi eq, %iota3A, %eq3A_605 : vector<16xi32>
          %broadcast_in_dim3A_607 = vector.broadcast %while3A#3 : f32 to vector<16xf32>
          %select_n3A_608 = arith.select %eq3A_606, %broadcast_in_dim3A_607, %select_n3A_603 : vector<16xi1>, vector<16xf32>
          %eq3A_609 = arith.constant 3 : i32
          %eq3A_610 = vector.broadcast %eq3A_609 : i32 to vector<16xi32>
          %eq3A_611 = arith.cmpi eq, %iota3A, %eq3A_610 : vector<16xi32>
          %broadcast_in_dim3A_612 = vector.broadcast %while3A#4 : f32 to vector<16xf32>
          %select_n3A_613 = arith.select %eq3A_611, %broadcast_in_dim3A_612, %select_n3A_608 : vector<16xi1>, vector<16xf32>
          %eq3A_614 = arith.constant 4 : i32
          %eq3A_615 = vector.broadcast %eq3A_614 : i32 to vector<16xi32>
          %eq3A_616 = arith.cmpi eq, %iota3A, %eq3A_615 : vector<16xi32>
          %broadcast_in_dim3A_617 = vector.broadcast %while3A#5 : f32 to vector<16xf32>
          %select_n3A_618 = arith.select %eq3A_616, %broadcast_in_dim3A_617, %select_n3A_613 : vector<16xi1>, vector<16xf32>
          %eq3A_619 = arith.constant 5 : i32
          %eq3A_620 = vector.broadcast %eq3A_619 : i32 to vector<16xi32>
          %eq3A_621 = arith.cmpi eq, %iota3A, %eq3A_620 : vector<16xi32>
          %broadcast_in_dim3A_622 = vector.broadcast %while3A#6 : f32 to vector<16xf32>
          %select_n3A_623 = arith.select %eq3A_621, %broadcast_in_dim3A_622, %select_n3A_618 : vector<16xi1>, vector<16xf32>
          %eq3A_624 = arith.constant 6 : i32
          %eq3A_625 = vector.broadcast %eq3A_624 : i32 to vector<16xi32>
          %eq3A_626 = arith.cmpi eq, %iota3A, %eq3A_625 : vector<16xi32>
          %broadcast_in_dim3A_627 = vector.broadcast %while3A#7 : f32 to vector<16xf32>
          %select_n3A_628 = arith.select %eq3A_626, %broadcast_in_dim3A_627, %select_n3A_623 : vector<16xi1>, vector<16xf32>
          %swap3A_629 = arith.constant 0 : index
          %swap3A_630 = tpu.vector_load %arg25[%swap3A_629] {strides = array<i32>} : memref<16xf32, #tpu.memory_space<vmem>>, vector<16xf32>,
          tpu.vector_store %arg25[%swap3A_629], %select_n3A_628 {strides = array<i32>} : memref<16xf32, #tpu.memory_space<vmem>>, vector<16xf32>,
          %mul3A_631 = arith.constant 16 : i32
          %mul3A_632 = arith.muli %arg1, %mul3A_631 : i32
          "tpu.region"() ({
            %run_scoped3A_633 = tpu.sem_alloc : memref<!tpu.dma_semaphore, #tpu.memory_space<semaphore_mem>>
            %dma_start3A_634 = tpu.memref_slice %arg38[%rem3A_592, %mul3A_632] : memref<2x256xf32, #tpu.memory_space<vmem_shared>> -> memref<1x16xf32, #tpu.memory_space<vmem_shared>>
            %dma_start3A_635 = tpu.memref_squeeze %dma_start3A_634 : memref<1x16xf32, #tpu.memory_space<vmem_shared>> -> memref<16xf32, #tpu.memory_space<vmem_shared>>
            %dma_start3A_636 = tpu.memref_slice %arg38[%rem3A_592, %mul3A_632] : memref<2x256xf32, #tpu.memory_space<vmem_shared>> -> memref<1x16xf32, #tpu.memory_space<vmem_shared>>
            %dma_start3A_637 = tpu.memref_squeeze %dma_start3A_636 : memref<1x16xf32, #tpu.memory_space<vmem_shared>> -> memref<16xf32, #tpu.memory_space<vmem_shared>>
            tpu.enqueue_dma source(%arg25 : memref<16xf32, #tpu.memory_space<vmem>>) target(%dma_start3A_637 : memref<16xf32, #tpu.memory_space<vmem_shared>>) target_semaphore(%run_scoped3A_633 : memref<!tpu.dma_semaphore, #tpu.memory_space<semaphore_mem>>)
            %dma_wait3A_638 = tpu.memref_slice %arg38[%rem3A_592, %mul3A_632] : memref<2x256xf32, #tpu.memory_space<vmem_shared>> -> memref<1x16xf32, #tpu.memory_space<vmem_shared>>
            %dma_wait3A_639 = tpu.memref_squeeze %dma_wait3A_638 : memref<1x16xf32, #tpu.memory_space<vmem_shared>> -> memref<16xf32, #tpu.memory_space<vmem_shared>>
            %dma_wait3A_640 = tpu.memref_slice %arg38[%rem3A_592, %mul3A_632] : memref<2x256xf32, #tpu.memory_space<vmem_shared>> -> memref<1x16xf32, #tpu.memory_space<vmem_shared>>
            %dma_wait3A_641 = tpu.memref_squeeze %dma_wait3A_640 : memref<1x16xf32, #tpu.memory_space<vmem_shared>> -> memref<16xf32, #tpu.memory_space<vmem_shared>>
            tpu.wait_dma2 semaphore(%run_scoped3A_633 : memref<!tpu.dma_semaphore, #tpu.memory_space<semaphore_mem>>) src(%arg25 : memref<16xf32, #tpu.memory_space<vmem>>) dst(%dma_wait3A_641 : memref<16xf32, #tpu.memory_space<vmem_shared>>)
            tpu.yield
          }) : () -> ()
        } else {
        }
        scf.yield %while3A#1, %while3A#2, %while3A#3, %while3A#4, %while3A#5, %while3A#6, %while3A#7, %and3A_578 : f32, i32, f32, f32, f32, f32, f32, i1
      }
      %scan3A_210 = arith.constant 100 : i32
      %mul3A_211 = arith.constant 16 : i32
      %mul3A_212 = vector.broadcast %mul3A_211 : i32 to vector<16xi32>
      %mul3A_213 = arith.muli %mul3A_212, %iota3A : vector<16xi32>
      %add3A = vector.broadcast %arg1 : i32 to vector<16xi32>
      %add3A_214 = arith.addi %add3A, %mul3A_213 : vector<16xi32>
      %lt3A = arith.constant 100 : i32
      %lt3A_215 = vector.broadcast %lt3A : i32 to vector<16xi32>
      %lt3A_216 = arith.cmpi slt, %add3A_214, %lt3A_215 : vector<16xi32>
      %min3A = arith.constant 99 : i32
      %min3A_217 = vector.broadcast %min3A : i32 to vector<16xi32>
      %min3A_218 = arith.minsi %add3A_214, %min3A_217 : vector<16xi32>
      %gather3A_219 = tpu.vector_load_idx %arg26[%min3A_218] : memref<112xi32, #tpu.memory_space<vmem>>[vector<16xi32>], vector<16xi32>,
      %ge3A = arith.constant 0 : i32
      %ge3A_220 = vector.broadcast %ge3A : i32 to vector<16xi32>
      %ge3A_221 = arith.cmpi sge, %gather3A_219, %ge3A_220 : vector<16xi32>
      %and3A = arith.andi %lt3A_216, %ge3A_221 : vector<16xi1>
      %jit3A_222 = arith.constant 1.000000e+00 : f32
      %jit3A_223 = arith.constant 0.000000e+00 : f32
      %broadcast_in_dim3A_224 = vector.broadcast %jit3A_222 : f32 to vector<16xf32>
      %broadcast_in_dim3A_225 = vector.broadcast %jit3A_223 : f32 to vector<16xf32>
      %select_n3A_226 = arith.select %and3A, %broadcast_in_dim3A_224, %broadcast_in_dim3A_225 : vector<16xi1>, vector<16xf32>
      %jit3A_227 = arith.constant 0 : i32
      %jit3A_228 = arith.constant 19999 : i32
      %max3A = vector.broadcast %jit3A_227 : i32 to vector<16xi32>
      %max3A_229 = arith.maxsi %max3A, %gather3A_219 : vector<16xi32>
      %min3A_230 = vector.broadcast %jit3A_228 : i32 to vector<16xi32>
      %min3A_231 = arith.minsi %min3A_230, %max3A_229 : vector<16xi32>
      %jit3A_232 = arith.constant 0 : i32
      %broadcast_in_dim3A_233 = vector.broadcast %jit3A_232 : i32 to vector<16xi32>
      %select_n3A_234 = arith.select %lt3A_216, %min3A_231, %broadcast_in_dim3A_233 : vector<16xi1>, vector<16xi32>
      %slice3A_235 = vector.extract_strided_slice %select_n3A_234 {offsets = [0], sizes = [1], strides = [1]} : vector<16xi32> to vector<1xi32>
      %squeeze3A_236 = vector.extract %slice3A_235[0] : i32 from vector<1xi32>
      %dma_start3A = arith.constant 0 : i32
      %dma_start3A_237 = tpu.memref_slice %arg5[%squeeze3A_236, %dma_start3A] : memref<20000x784xf32, #tpu.memory_space<hbm>> -> memref<1x784xf32, #tpu.memory_space<hbm>>
      %dma_start3A_238 = tpu.memref_squeeze %dma_start3A_237 : memref<1x784xf32, #tpu.memory_space<hbm>> -> memref<784xf32, #tpu.memory_space<hbm>>
      %dma_start3A_239 = arith.constant 0 : i32
      %dma_start3A_240 = tpu.memref_slice %arg5[%squeeze3A_236, %dma_start3A_239] : memref<20000x784xf32, #tpu.memory_space<hbm>> -> memref<1x784xf32, #tpu.memory_space<hbm>>
      %dma_start3A_241 = tpu.memref_squeeze %dma_start3A_240 : memref<1x784xf32, #tpu.memory_space<hbm>> -> memref<784xf32, #tpu.memory_space<hbm>>
      tpu.enqueue_dma source(%dma_start3A_241 : memref<784xf32, #tpu.memory_space<hbm>>) target(%arg30 : memref<784xf32, #tpu.memory_space<vmem>>) target_semaphore(%arg39 : memref<!tpu.dma_semaphore, #tpu.memory_space<semaphore_mem>>)
      %slice3A_242 = vector.extract_strided_slice %select_n3A_234 {offsets = [1], sizes = [1], strides = [1]} : vector<16xi32> to vector<1xi32>
      %squeeze3A_243 = vector.extract %slice3A_242[0] : i32 from vector<1xi32>
      %dma_start3A_244 = arith.constant 0 : i32
      %dma_start3A_245 = tpu.memref_slice %arg5[%squeeze3A_243, %dma_start3A_244] : memref<20000x784xf32, #tpu.memory_space<hbm>> -> memref<1x784xf32, #tpu.memory_space<hbm>>
      %dma_start3A_246 = tpu.memref_squeeze %dma_start3A_245 : memref<1x784xf32, #tpu.memory_space<hbm>> -> memref<784xf32, #tpu.memory_space<hbm>>
      %dma_start3A_247 = arith.constant 0 : i32
      %dma_start3A_248 = tpu.memref_slice %arg5[%squeeze3A_243, %dma_start3A_247] : memref<20000x784xf32, #tpu.memory_space<hbm>> -> memref<1x784xf32, #tpu.memory_space<hbm>>
      %dma_start3A_249 = tpu.memref_squeeze %dma_start3A_248 : memref<1x784xf32, #tpu.memory_space<hbm>> -> memref<784xf32, #tpu.memory_space<hbm>>
      tpu.enqueue_dma source(%dma_start3A_249 : memref<784xf32, #tpu.memory_space<hbm>>) target(%arg31 : memref<784xf32, #tpu.memory_space<vmem>>) target_semaphore(%arg39 : memref<!tpu.dma_semaphore, #tpu.memory_space<semaphore_mem>>)
      %slice3A_250 = vector.extract_strided_slice %select_n3A_234 {offsets = [2], sizes = [1], strides = [1]} : vector<16xi32> to vector<1xi32>
      %squeeze3A_251 = vector.extract %slice3A_250[0] : i32 from vector<1xi32>
      %dma_start3A_252 = arith.constant 0 : i32
      %dma_start3A_253 = tpu.memref_slice %arg5[%squeeze3A_251, %dma_start3A_252] : memref<20000x784xf32, #tpu.memory_space<hbm>> -> memref<1x784xf32, #tpu.memory_space<hbm>>
      %dma_start3A_254 = tpu.memref_squeeze %dma_start3A_253 : memref<1x784xf32, #tpu.memory_space<hbm>> -> memref<784xf32, #tpu.memory_space<hbm>>
      %dma_start3A_255 = arith.constant 0 : i32
      %dma_start3A_256 = tpu.memref_slice %arg5[%squeeze3A_251, %dma_start3A_255] : memref<20000x784xf32, #tpu.memory_space<hbm>> -> memref<1x784xf32, #tpu.memory_space<hbm>>
      %dma_start3A_257 = tpu.memref_squeeze %dma_start3A_256 : memref<1x784xf32, #tpu.memory_space<hbm>> -> memref<784xf32, #tpu.memory_space<hbm>>
      tpu.enqueue_dma source(%dma_start3A_257 : memref<784xf32, #tpu.memory_space<hbm>>) target(%arg32 : memref<784xf32, #tpu.memory_space<vmem>>) target_semaphore(%arg39 : memref<!tpu.dma_semaphore, #tpu.memory_space<semaphore_mem>>)
      %slice3A_258 = vector.extract_strided_slice %select_n3A_234 {offsets = [3], sizes = [1], strides = [1]} : vector<16xi32> to vector<1xi32>
      %squeeze3A_259 = vector.extract %slice3A_258[0] : i32 from vector<1xi32>
      %dma_start3A_260 = arith.constant 0 : i32
      %dma_start3A_261 = tpu.memref_slice %arg5[%squeeze3A_259, %dma_start3A_260] : memref<20000x784xf32, #tpu.memory_space<hbm>> -> memref<1x784xf32, #tpu.memory_space<hbm>>
      %dma_start3A_262 = tpu.memref_squeeze %dma_start3A_261 : memref<1x784xf32, #tpu.memory_space<hbm>> -> memref<784xf32, #tpu.memory_space<hbm>>
      %dma_start3A_263 = arith.constant 0 : i32
      %dma_start3A_264 = tpu.memref_slice %arg5[%squeeze3A_259, %dma_start3A_263] : memref<20000x784xf32, #tpu.memory_space<hbm>> -> memref<1x784xf32, #tpu.memory_space<hbm>>
      %dma_start3A_265 = tpu.memref_squeeze %dma_start3A_264 : memref<1x784xf32, #tpu.memory_space<hbm>> -> memref<784xf32, #tpu.memory_space<hbm>>
      tpu.enqueue_dma source(%dma_start3A_265 : memref<784xf32, #tpu.memory_space<hbm>>) target(%arg33 : memref<784xf32, #tpu.memory_space<vmem>>) target_semaphore(%arg39 : memref<!tpu.dma_semaphore, #tpu.memory_space<semaphore_mem>>)
      %slice3A_266 = vector.extract_strided_slice %select_n3A_234 {offsets = [4], sizes = [1], strides = [1]} : vector<16xi32> to vector<1xi32>
      %squeeze3A_267 = vector.extract %slice3A_266[0] : i32 from vector<1xi32>
      %dma_start3A_268 = arith.constant 0 : i32
      %dma_start3A_269 = tpu.memref_slice %arg5[%squeeze3A_267, %dma_start3A_268] : memref<20000x784xf32, #tpu.memory_space<hbm>> -> memref<1x784xf32, #tpu.memory_space<hbm>>
      %dma_start3A_270 = tpu.memref_squeeze %dma_start3A_269 : memref<1x784xf32, #tpu.memory_space<hbm>> -> memref<784xf32, #tpu.memory_space<hbm>>
      %dma_start3A_271 = arith.constant 0 : i32
      %dma_start3A_272 = tpu.memref_slice %arg5[%squeeze3A_267, %dma_start3A_271] : memref<20000x784xf32, #tpu.memory_space<hbm>> -> memref<1x784xf32, #tpu.memory_space<hbm>>
      %dma_start3A_273 = tpu.memref_squeeze %dma_start3A_272 : memref<1x784xf32, #tpu.memory_space<hbm>> -> memref<784xf32, #tpu.memory_space<hbm>>
      tpu.enqueue_dma source(%dma_start3A_273 : memref<784xf32, #tpu.memory_space<hbm>>) target(%arg34 : memref<784xf32, #tpu.memory_space<vmem>>) target_semaphore(%arg39 : memref<!tpu.dma_semaphore, #tpu.memory_space<semaphore_mem>>)
      %slice3A_274 = vector.extract_strided_slice %select_n3A_234 {offsets = [5], sizes = [1], strides = [1]} : vector<16xi32> to vector<1xi32>
      %squeeze3A_275 = vector.extract %slice3A_274[0] : i32 from vector<1xi32>
      %dma_start3A_276 = arith.constant 0 : i32
      %dma_start3A_277 = tpu.memref_slice %arg5[%squeeze3A_275, %dma_start3A_276] : memref<20000x784xf32, #tpu.memory_space<hbm>> -> memref<1x784xf32, #tpu.memory_space<hbm>>
      %dma_start3A_278 = tpu.memref_squeeze %dma_start3A_277 : memref<1x784xf32, #tpu.memory_space<hbm>> -> memref<784xf32, #tpu.memory_space<hbm>>
      %dma_start3A_279 = arith.constant 0 : i32
      %dma_start3A_280 = tpu.memref_slice %arg5[%squeeze3A_275, %dma_start3A_279] : memref<20000x784xf32, #tpu.memory_space<hbm>> -> memref<1x784xf32, #tpu.memory_space<hbm>>
      %dma_start3A_281 = tpu.memref_squeeze %dma_start3A_280 : memref<1x784xf32, #tpu.memory_space<hbm>> -> memref<784xf32, #tpu.memory_space<hbm>>
      tpu.enqueue_dma source(%dma_start3A_281 : memref<784xf32, #tpu.memory_space<hbm>>) target(%arg35 : memref<784xf32, #tpu.memory_space<vmem>>) target_semaphore(%arg39 : memref<!tpu.dma_semaphore, #tpu.memory_space<semaphore_mem>>)
      %slice3A_282 = vector.extract_strided_slice %select_n3A_234 {offsets = [6], sizes = [1], strides = [1]} : vector<16xi32> to vector<1xi32>
      %squeeze3A_283 = vector.extract %slice3A_282[0] : i32 from vector<1xi32>
      %dma_start3A_284 = arith.constant 0 : i32
      %dma_start3A_285 = tpu.memref_slice %arg5[%squeeze3A_283, %dma_start3A_284] : memref<20000x784xf32, #tpu.memory_space<hbm>> -> memref<1x784xf32, #tpu.memory_space<hbm>>
      %dma_start3A_286 = tpu.memref_squeeze %dma_start3A_285 : memref<1x784xf32, #tpu.memory_space<hbm>> -> memref<784xf32, #tpu.memory_space<hbm>>
      %dma_start3A_287 = arith.constant 0 : i32
      %dma_start3A_288 = tpu.memref_slice %arg5[%squeeze3A_283, %dma_start3A_287] : memref<20000x784xf32, #tpu.memory_space<hbm>> -> memref<1x784xf32, #tpu.memory_space<hbm>>
      %dma_start3A_289 = tpu.memref_squeeze %dma_start3A_288 : memref<1x784xf32, #tpu.memory_space<hbm>> -> memref<784xf32, #tpu.memory_space<hbm>>
      tpu.enqueue_dma source(%dma_start3A_289 : memref<784xf32, #tpu.memory_space<hbm>>) target(%arg36 : memref<784xf32, #tpu.memory_space<vmem>>) target_semaphore(%arg39 : memref<!tpu.dma_semaphore, #tpu.memory_space<semaphore_mem>>)
      %dma_wait3A = arith.constant 0 : i32
      %dma_wait3A_290 = tpu.memref_slice %arg5[%squeeze3A_236, %dma_wait3A] : memref<20000x784xf32, #tpu.memory_space<hbm>> -> memref<1x784xf32, #tpu.memory_space<hbm>>
      %dma_wait3A_291 = tpu.memref_squeeze %dma_wait3A_290 : memref<1x784xf32, #tpu.memory_space<hbm>> -> memref<784xf32, #tpu.memory_space<hbm>>
      %dma_wait3A_292 = arith.constant 0 : i32
      %dma_wait3A_293 = tpu.memref_slice %arg5[%squeeze3A_236, %dma_wait3A_292] : memref<20000x784xf32, #tpu.memory_space<hbm>> -> memref<1x784xf32, #tpu.memory_space<hbm>>
      %dma_wait3A_294 = tpu.memref_squeeze %dma_wait3A_293 : memref<1x784xf32, #tpu.memory_space<hbm>> -> memref<784xf32, #tpu.memory_space<hbm>>
      tpu.wait_dma2 semaphore(%arg39 : memref<!tpu.dma_semaphore, #tpu.memory_space<semaphore_mem>>) src(%dma_wait3A_294 : memref<784xf32, #tpu.memory_space<hbm>>) dst(%arg30 : memref<784xf32, #tpu.memory_space<vmem>>)
      %dma_wait3A_295 = arith.constant 0 : i32
      %dma_wait3A_296 = tpu.memref_slice %arg5[%squeeze3A_243, %dma_wait3A_295] : memref<20000x784xf32, #tpu.memory_space<hbm>> -> memref<1x784xf32, #tpu.memory_space<hbm>>
      %dma_wait3A_297 = tpu.memref_squeeze %dma_wait3A_296 : memref<1x784xf32, #tpu.memory_space<hbm>> -> memref<784xf32, #tpu.memory_space<hbm>>
      %dma_wait3A_298 = arith.constant 0 : i32
      %dma_wait3A_299 = tpu.memref_slice %arg5[%squeeze3A_243, %dma_wait3A_298] : memref<20000x784xf32, #tpu.memory_space<hbm>> -> memref<1x784xf32, #tpu.memory_space<hbm>>
      %dma_wait3A_300 = tpu.memref_squeeze %dma_wait3A_299 : memref<1x784xf32, #tpu.memory_space<hbm>> -> memref<784xf32, #tpu.memory_space<hbm>>
      tpu.wait_dma2 semaphore(%arg39 : memref<!tpu.dma_semaphore, #tpu.memory_space<semaphore_mem>>) src(%dma_wait3A_300 : memref<784xf32, #tpu.memory_space<hbm>>) dst(%arg31 : memref<784xf32, #tpu.memory_space<vmem>>)
      %dma_wait3A_301 = arith.constant 0 : i32
      %dma_wait3A_302 = tpu.memref_slice %arg5[%squeeze3A_251, %dma_wait3A_301] : memref<20000x784xf32, #tpu.memory_space<hbm>> -> memref<1x784xf32, #tpu.memory_space<hbm>>
      %dma_wait3A_303 = tpu.memref_squeeze %dma_wait3A_302 : memref<1x784xf32, #tpu.memory_space<hbm>> -> memref<784xf32, #tpu.memory_space<hbm>>
      %dma_wait3A_304 = arith.constant 0 : i32
      %dma_wait3A_305 = tpu.memref_slice %arg5[%squeeze3A_251, %dma_wait3A_304] : memref<20000x784xf32, #tpu.memory_space<hbm>> -> memref<1x784xf32, #tpu.memory_space<hbm>>
      %dma_wait3A_306 = tpu.memref_squeeze %dma_wait3A_305 : memref<1x784xf32, #tpu.memory_space<hbm>> -> memref<784xf32, #tpu.memory_space<hbm>>
      tpu.wait_dma2 semaphore(%arg39 : memref<!tpu.dma_semaphore, #tpu.memory_space<semaphore_mem>>) src(%dma_wait3A_306 : memref<784xf32, #tpu.memory_space<hbm>>) dst(%arg32 : memref<784xf32, #tpu.memory_space<vmem>>)
      %dma_wait3A_307 = arith.constant 0 : i32
      %dma_wait3A_308 = tpu.memref_slice %arg5[%squeeze3A_259, %dma_wait3A_307] : memref<20000x784xf32, #tpu.memory_space<hbm>> -> memref<1x784xf32, #tpu.memory_space<hbm>>
      %dma_wait3A_309 = tpu.memref_squeeze %dma_wait3A_308 : memref<1x784xf32, #tpu.memory_space<hbm>> -> memref<784xf32, #tpu.memory_space<hbm>>
      %dma_wait3A_310 = arith.constant 0 : i32
      %dma_wait3A_311 = tpu.memref_slice %arg5[%squeeze3A_259, %dma_wait3A_310] : memref<20000x784xf32, #tpu.memory_space<hbm>> -> memref<1x784xf32, #tpu.memory_space<hbm>>
      %dma_wait3A_312 = tpu.memref_squeeze %dma_wait3A_311 : memref<1x784xf32, #tpu.memory_space<hbm>> -> memref<784xf32, #tpu.memory_space<hbm>>
      tpu.wait_dma2 semaphore(%arg39 : memref<!tpu.dma_semaphore, #tpu.memory_space<semaphore_mem>>) src(%dma_wait3A_312 : memref<784xf32, #tpu.memory_space<hbm>>) dst(%arg33 : memref<784xf32, #tpu.memory_space<vmem>>)
      %dma_wait3A_313 = arith.constant 0 : i32
      %dma_wait3A_314 = tpu.memref_slice %arg5[%squeeze3A_267, %dma_wait3A_313] : memref<20000x784xf32, #tpu.memory_space<hbm>> -> memref<1x784xf32, #tpu.memory_space<hbm>>
      %dma_wait3A_315 = tpu.memref_squeeze %dma_wait3A_314 : memref<1x784xf32, #tpu.memory_space<hbm>> -> memref<784xf32, #tpu.memory_space<hbm>>
      %dma_wait3A_316 = arith.constant 0 : i32
      %dma_wait3A_317 = tpu.memref_slice %arg5[%squeeze3A_267, %dma_wait3A_316] : memref<20000x784xf32, #tpu.memory_space<hbm>> -> memref<1x784xf32, #tpu.memory_space<hbm>>
      %dma_wait3A_318 = tpu.memref_squeeze %dma_wait3A_317 : memref<1x784xf32, #tpu.memory_space<hbm>> -> memref<784xf32, #tpu.memory_space<hbm>>
      tpu.wait_dma2 semaphore(%arg39 : memref<!tpu.dma_semaphore, #tpu.memory_space<semaphore_mem>>) src(%dma_wait3A_318 : memref<784xf32, #tpu.memory_space<hbm>>) dst(%arg34 : memref<784xf32, #tpu.memory_space<vmem>>)
      %dma_wait3A_319 = arith.constant 0 : i32
      %dma_wait3A_320 = tpu.memref_slice %arg5[%squeeze3A_275, %dma_wait3A_319] : memref<20000x784xf32, #tpu.memory_space<hbm>> -> memref<1x784xf32, #tpu.memory_space<hbm>>
      %dma_wait3A_321 = tpu.memref_squeeze %dma_wait3A_320 : memref<1x784xf32, #tpu.memory_space<hbm>> -> memref<784xf32, #tpu.memory_space<hbm>>
      %dma_wait3A_322 = arith.constant 0 : i32
      %dma_wait3A_323 = tpu.memref_slice %arg5[%squeeze3A_275, %dma_wait3A_322] : memref<20000x784xf32, #tpu.memory_space<hbm>> -> memref<1x784xf32, #tpu.memory_space<hbm>>
      %dma_wait3A_324 = tpu.memref_squeeze %dma_wait3A_323 : memref<1x784xf32, #tpu.memory_space<hbm>> -> memref<784xf32, #tpu.memory_space<hbm>>
      tpu.wait_dma2 semaphore(%arg39 : memref<!tpu.dma_semaphore, #tpu.memory_space<semaphore_mem>>) src(%dma_wait3A_324 : memref<784xf32, #tpu.memory_space<hbm>>) dst(%arg35 : memref<784xf32, #tpu.memory_space<vmem>>)
      %dma_wait3A_325 = arith.constant 0 : i32
      %dma_wait3A_326 = tpu.memref_slice %arg5[%squeeze3A_283, %dma_wait3A_325] : memref<20000x784xf32, #tpu.memory_space<hbm>> -> memref<1x784xf32, #tpu.memory_space<hbm>>
      %dma_wait3A_327 = tpu.memref_squeeze %dma_wait3A_326 : memref<1x784xf32, #tpu.memory_space<hbm>> -> memref<784xf32, #tpu.memory_space<hbm>>
      %dma_wait3A_328 = arith.constant 0 : i32
      %dma_wait3A_329 = tpu.memref_slice %arg5[%squeeze3A_283, %dma_wait3A_328] : memref<20000x784xf32, #tpu.memory_space<hbm>> -> memref<1x784xf32, #tpu.memory_space<hbm>>
      %dma_wait3A_330 = tpu.memref_squeeze %dma_wait3A_329 : memref<1x784xf32, #tpu.memory_space<hbm>> -> memref<784xf32, #tpu.memory_space<hbm>>
      tpu.wait_dma2 semaphore(%arg39 : memref<!tpu.dma_semaphore, #tpu.memory_space<semaphore_mem>>) src(%dma_wait3A_330 : memref<784xf32, #tpu.memory_space<hbm>>) dst(%arg36 : memref<784xf32, #tpu.memory_space<vmem>>)
      %add3A_331 = arith.constant 0 : i32
      %add3A_332 = arith.addi %arg1, %add3A_331 : i32
      %slice3A_333 = vector.extract_strided_slice %select_n3A_226 {offsets = [0], sizes = [1], strides = [1]} : vector<16xf32> to vector<1xf32>
      %squeeze3A_334 = vector.extract %slice3A_333[0] : f32 from vector<1xf32>
      %scan3A_335 = arith.constant 0 : i32
      %scan3A_336 = arith.constant 0 : i32
      %scan3A_337 = arith.constant 49 : i32
      %scan3A_338 = arith.addi %scan3A_336, %scan3A_337 : i32
      %scan3A_339 = arith.constant 1 : i32
      %scan3A_340 = scf.for %scan3A_448 = %scan3A_336 to %scan3A_338 step %scan3A_339 iter_args(%scan3A_449 = %scan3A_335) -> (i32)  : i32 {
        %mul3A_450 = arith.constant 16 : i32
        %mul3A_451 = arith.muli %mul3A_450, %scan3A_448 : i32
        %get3A = arith.index_cast %mul3A_451 : i32 to index
        %get3A_452 = tpu.vector_load %arg30[%get3A] {strides = array<i32>} : memref<784xf32, #tpu.memory_space<vmem>>, vector<16xf32>,
        %mul3A_453 = vector.broadcast %squeeze3A_334 : f32 to vector<16xf32>
        %mul3A_454 = arith.mulf %get3A_452, %mul3A_453 : vector<16xf32>
        %mul3A_455 = arith.constant 16 : i32
        %mul3A_456 = arith.muli %mul3A_455, %scan3A_448 : i32
        %swap3A_457 = arith.index_cast %mul3A_456 : i32 to index
        %swap3A_458 = tpu.vector_load %arg37[%swap3A_457] {strides = array<i32>} : memref<784xf32, #tpu.memory_space<vmem>>, vector<16xf32>,
        tpu.vector_store %arg37[%swap3A_457], %mul3A_454 {strides = array<i32>} : memref<784xf32, #tpu.memory_space<vmem>>, vector<16xf32>,
        %scan3A_459 = arith.constant 0 : i32
        scf.yield %scan3A_459 : i32
      }
      %scan3A_341 = arith.constant 49 : i32
      %lt3A_342 = arith.constant 100 : i32
      %lt3A_343 = arith.cmpi slt, %add3A_332, %lt3A_342 : i32
      %convert_element_type3A_344 = arith.extui %lt3A_343 : i1 to i32
      %cond3A_345 = arith.constant 0 : i32
      %cond3A_346 = arith.cmpi ne, %convert_element_type3A_344, %cond3A_345 : i32
      scf.if %cond3A_346 {
        "tpu.region"() ({
          %run_scoped3A_448 = tpu.sem_alloc : memref<!tpu.dma_semaphore, #tpu.memory_space<semaphore_mem>>
          %dma_start3A_449 = arith.constant 0 : i32
          %dma_start3A_450 = tpu.memref_slice %arg9[%add3A_332, %dma_start3A_449] : memref<100x784xf32, #tpu.memory_space<hbm>> -> memref<1x784xf32, #tpu.memory_space<hbm>>
          %dma_start3A_451 = tpu.memref_squeeze %dma_start3A_450 : memref<1x784xf32, #tpu.memory_space<hbm>> -> memref<784xf32, #tpu.memory_space<hbm>>
          %dma_start3A_452 = arith.constant 0 : i32
          %dma_start3A_453 = tpu.memref_slice %arg9[%add3A_332, %dma_start3A_452] : memref<100x784xf32, #tpu.memory_space<hbm>> -> memref<1x784xf32, #tpu.memory_space<hbm>>
          %dma_start3A_454 = tpu.memref_squeeze %dma_start3A_453 : memref<1x784xf32, #tpu.memory_space<hbm>> -> memref<784xf32, #tpu.memory_space<hbm>>
          tpu.enqueue_dma source(%arg37 : memref<784xf32, #tpu.memory_space<vmem>>) target(%dma_start3A_454 : memref<784xf32, #tpu.memory_space<hbm>>) target_semaphore(%run_scoped3A_448 : memref<!tpu.dma_semaphore, #tpu.memory_space<semaphore_mem>>)
          %dma_wait3A_455 = arith.constant 0 : i32
          %dma_wait3A_456 = tpu.memref_slice %arg9[%add3A_332, %dma_wait3A_455] : memref<100x784xf32, #tpu.memory_space<hbm>> -> memref<1x784xf32, #tpu.memory_space<hbm>>
          %dma_wait3A_457 = tpu.memref_squeeze %dma_wait3A_456 : memref<1x784xf32, #tpu.memory_space<hbm>> -> memref<784xf32, #tpu.memory_space<hbm>>
          %dma_wait3A_458 = arith.constant 0 : i32
          %dma_wait3A_459 = tpu.memref_slice %arg9[%add3A_332, %dma_wait3A_458] : memref<100x784xf32, #tpu.memory_space<hbm>> -> memref<1x784xf32, #tpu.memory_space<hbm>>
          %dma_wait3A_460 = tpu.memref_squeeze %dma_wait3A_459 : memref<1x784xf32, #tpu.memory_space<hbm>> -> memref<784xf32, #tpu.memory_space<hbm>>
          tpu.wait_dma2 semaphore(%run_scoped3A_448 : memref<!tpu.dma_semaphore, #tpu.memory_space<semaphore_mem>>) src(%arg37 : memref<784xf32, #tpu.memory_space<vmem>>) dst(%dma_wait3A_460 : memref<784xf32, #tpu.memory_space<hbm>>)
          tpu.yield
        }) : () -> ()
      } else {
      }
      %add3A_347 = arith.constant 16 : i32
      %add3A_348 = arith.addi %arg1, %add3A_347 : i32
      %slice3A_349 = vector.extract_strided_slice %select_n3A_226 {offsets = [1], sizes = [1], strides = [1]} : vector<16xf32> to vector<1xf32>
      %squeeze3A_350 = vector.extract %slice3A_349[0] : f32 from vector<1xf32>
      %scan3A_351 = arith.constant 0 : i32
      %scan3A_352 = arith.constant 0 : i32
      %scan3A_353 = arith.constant 49 : i32
      %scan3A_354 = arith.addi %scan3A_352, %scan3A_353 : i32
      %scan3A_355 = arith.constant 1 : i32
      %scan3A_356 = scf.for %scan3A_448 = %scan3A_352 to %scan3A_354 step %scan3A_355 iter_args(%scan3A_449 = %scan3A_351) -> (i32)  : i32 {
        %mul3A_450 = arith.constant 16 : i32
        %mul3A_451 = arith.muli %mul3A_450, %scan3A_448 : i32
        %get3A = arith.index_cast %mul3A_451 : i32 to index
        %get3A_452 = tpu.vector_load %arg31[%get3A] {strides = array<i32>} : memref<784xf32, #tpu.memory_space<vmem>>, vector<16xf32>,
        %mul3A_453 = vector.broadcast %squeeze3A_350 : f32 to vector<16xf32>
        %mul3A_454 = arith.mulf %get3A_452, %mul3A_453 : vector<16xf32>
        %mul3A_455 = arith.constant 16 : i32
        %mul3A_456 = arith.muli %mul3A_455, %scan3A_448 : i32
        %swap3A_457 = arith.index_cast %mul3A_456 : i32 to index
        %swap3A_458 = tpu.vector_load %arg37[%swap3A_457] {strides = array<i32>} : memref<784xf32, #tpu.memory_space<vmem>>, vector<16xf32>,
        tpu.vector_store %arg37[%swap3A_457], %mul3A_454 {strides = array<i32>} : memref<784xf32, #tpu.memory_space<vmem>>, vector<16xf32>,
        %scan3A_459 = arith.constant 0 : i32
        scf.yield %scan3A_459 : i32
      }
      %scan3A_357 = arith.constant 49 : i32
      %lt3A_358 = arith.constant 100 : i32
      %lt3A_359 = arith.cmpi slt, %add3A_348, %lt3A_358 : i32
      %convert_element_type3A_360 = arith.extui %lt3A_359 : i1 to i32
      %cond3A_361 = arith.constant 0 : i32
      %cond3A_362 = arith.cmpi ne, %convert_element_type3A_360, %cond3A_361 : i32
      scf.if %cond3A_362 {
        "tpu.region"() ({
          %run_scoped3A_448 = tpu.sem_alloc : memref<!tpu.dma_semaphore, #tpu.memory_space<semaphore_mem>>
          %dma_start3A_449 = arith.constant 0 : i32
          %dma_start3A_450 = tpu.memref_slice %arg9[%add3A_348, %dma_start3A_449] : memref<100x784xf32, #tpu.memory_space<hbm>> -> memref<1x784xf32, #tpu.memory_space<hbm>>
          %dma_start3A_451 = tpu.memref_squeeze %dma_start3A_450 : memref<1x784xf32, #tpu.memory_space<hbm>> -> memref<784xf32, #tpu.memory_space<hbm>>
          %dma_start3A_452 = arith.constant 0 : i32
          %dma_start3A_453 = tpu.memref_slice %arg9[%add3A_348, %dma_start3A_452] : memref<100x784xf32, #tpu.memory_space<hbm>> -> memref<1x784xf32, #tpu.memory_space<hbm>>
          %dma_start3A_454 = tpu.memref_squeeze %dma_start3A_453 : memref<1x784xf32, #tpu.memory_space<hbm>> -> memref<784xf32, #tpu.memory_space<hbm>>
          tpu.enqueue_dma source(%arg37 : memref<784xf32, #tpu.memory_space<vmem>>) target(%dma_start3A_454 : memref<784xf32, #tpu.memory_space<hbm>>) target_semaphore(%run_scoped3A_448 : memref<!tpu.dma_semaphore, #tpu.memory_space<semaphore_mem>>)
          %dma_wait3A_455 = arith.constant 0 : i32
          %dma_wait3A_456 = tpu.memref_slice %arg9[%add3A_348, %dma_wait3A_455] : memref<100x784xf32, #tpu.memory_space<hbm>> -> memref<1x784xf32, #tpu.memory_space<hbm>>
          %dma_wait3A_457 = tpu.memref_squeeze %dma_wait3A_456 : memref<1x784xf32, #tpu.memory_space<hbm>> -> memref<784xf32, #tpu.memory_space<hbm>>
          %dma_wait3A_458 = arith.constant 0 : i32
          %dma_wait3A_459 = tpu.memref_slice %arg9[%add3A_348, %dma_wait3A_458] : memref<100x784xf32, #tpu.memory_space<hbm>> -> memref<1x784xf32, #tpu.memory_space<hbm>>
          %dma_wait3A_460 = tpu.memref_squeeze %dma_wait3A_459 : memref<1x784xf32, #tpu.memory_space<hbm>> -> memref<784xf32, #tpu.memory_space<hbm>>
          tpu.wait_dma2 semaphore(%run_scoped3A_448 : memref<!tpu.dma_semaphore, #tpu.memory_space<semaphore_mem>>) src(%arg37 : memref<784xf32, #tpu.memory_space<vmem>>) dst(%dma_wait3A_460 : memref<784xf32, #tpu.memory_space<hbm>>)
          tpu.yield
        }) : () -> ()
      } else {
      }
      %add3A_363 = arith.constant 32 : i32
      %add3A_364 = arith.addi %arg1, %add3A_363 : i32
      %slice3A_365 = vector.extract_strided_slice %select_n3A_226 {offsets = [2], sizes = [1], strides = [1]} : vector<16xf32> to vector<1xf32>
      %squeeze3A_366 = vector.extract %slice3A_365[0] : f32 from vector<1xf32>
      %scan3A_367 = arith.constant 0 : i32
      %scan3A_368 = arith.constant 0 : i32
      %scan3A_369 = arith.constant 49 : i32
      %scan3A_370 = arith.addi %scan3A_368, %scan3A_369 : i32
      %scan3A_371 = arith.constant 1 : i32
      %scan3A_372 = scf.for %scan3A_448 = %scan3A_368 to %scan3A_370 step %scan3A_371 iter_args(%scan3A_449 = %scan3A_367) -> (i32)  : i32 {
        %mul3A_450 = arith.constant 16 : i32
        %mul3A_451 = arith.muli %mul3A_450, %scan3A_448 : i32
        %get3A = arith.index_cast %mul3A_451 : i32 to index
        %get3A_452 = tpu.vector_load %arg32[%get3A] {strides = array<i32>} : memref<784xf32, #tpu.memory_space<vmem>>, vector<16xf32>,
        %mul3A_453 = vector.broadcast %squeeze3A_366 : f32 to vector<16xf32>
        %mul3A_454 = arith.mulf %get3A_452, %mul3A_453 : vector<16xf32>
        %mul3A_455 = arith.constant 16 : i32
        %mul3A_456 = arith.muli %mul3A_455, %scan3A_448 : i32
        %swap3A_457 = arith.index_cast %mul3A_456 : i32 to index
        %swap3A_458 = tpu.vector_load %arg37[%swap3A_457] {strides = array<i32>} : memref<784xf32, #tpu.memory_space<vmem>>, vector<16xf32>,
        tpu.vector_store %arg37[%swap3A_457], %mul3A_454 {strides = array<i32>} : memref<784xf32, #tpu.memory_space<vmem>>, vector<16xf32>,
        %scan3A_459 = arith.constant 0 : i32
        scf.yield %scan3A_459 : i32
      }
      %scan3A_373 = arith.constant 49 : i32
      %lt3A_374 = arith.constant 100 : i32
      %lt3A_375 = arith.cmpi slt, %add3A_364, %lt3A_374 : i32
      %convert_element_type3A_376 = arith.extui %lt3A_375 : i1 to i32
      %cond3A_377 = arith.constant 0 : i32
      %cond3A_378 = arith.cmpi ne, %convert_element_type3A_376, %cond3A_377 : i32
      scf.if %cond3A_378 {
        "tpu.region"() ({
          %run_scoped3A_448 = tpu.sem_alloc : memref<!tpu.dma_semaphore, #tpu.memory_space<semaphore_mem>>
          %dma_start3A_449 = arith.constant 0 : i32
          %dma_start3A_450 = tpu.memref_slice %arg9[%add3A_364, %dma_start3A_449] : memref<100x784xf32, #tpu.memory_space<hbm>> -> memref<1x784xf32, #tpu.memory_space<hbm>>
          %dma_start3A_451 = tpu.memref_squeeze %dma_start3A_450 : memref<1x784xf32, #tpu.memory_space<hbm>> -> memref<784xf32, #tpu.memory_space<hbm>>
          %dma_start3A_452 = arith.constant 0 : i32
          %dma_start3A_453 = tpu.memref_slice %arg9[%add3A_364, %dma_start3A_452] : memref<100x784xf32, #tpu.memory_space<hbm>> -> memref<1x784xf32, #tpu.memory_space<hbm>>
          %dma_start3A_454 = tpu.memref_squeeze %dma_start3A_453 : memref<1x784xf32, #tpu.memory_space<hbm>> -> memref<784xf32, #tpu.memory_space<hbm>>
          tpu.enqueue_dma source(%arg37 : memref<784xf32, #tpu.memory_space<vmem>>) target(%dma_start3A_454 : memref<784xf32, #tpu.memory_space<hbm>>) target_semaphore(%run_scoped3A_448 : memref<!tpu.dma_semaphore, #tpu.memory_space<semaphore_mem>>)
          %dma_wait3A_455 = arith.constant 0 : i32
          %dma_wait3A_456 = tpu.memref_slice %arg9[%add3A_364, %dma_wait3A_455] : memref<100x784xf32, #tpu.memory_space<hbm>> -> memref<1x784xf32, #tpu.memory_space<hbm>>
          %dma_wait3A_457 = tpu.memref_squeeze %dma_wait3A_456 : memref<1x784xf32, #tpu.memory_space<hbm>> -> memref<784xf32, #tpu.memory_space<hbm>>
          %dma_wait3A_458 = arith.constant 0 : i32
          %dma_wait3A_459 = tpu.memref_slice %arg9[%add3A_364, %dma_wait3A_458] : memref<100x784xf32, #tpu.memory_space<hbm>> -> memref<1x784xf32, #tpu.memory_space<hbm>>
          %dma_wait3A_460 = tpu.memref_squeeze %dma_wait3A_459 : memref<1x784xf32, #tpu.memory_space<hbm>> -> memref<784xf32, #tpu.memory_space<hbm>>
          tpu.wait_dma2 semaphore(%run_scoped3A_448 : memref<!tpu.dma_semaphore, #tpu.memory_space<semaphore_mem>>) src(%arg37 : memref<784xf32, #tpu.memory_space<vmem>>) dst(%dma_wait3A_460 : memref<784xf32, #tpu.memory_space<hbm>>)
          tpu.yield
        }) : () -> ()
      } else {
      }
      %add3A_379 = arith.constant 48 : i32
      %add3A_380 = arith.addi %arg1, %add3A_379 : i32
      %slice3A_381 = vector.extract_strided_slice %select_n3A_226 {offsets = [3], sizes = [1], strides = [1]} : vector<16xf32> to vector<1xf32>
      %squeeze3A_382 = vector.extract %slice3A_381[0] : f32 from vector<1xf32>
      %scan3A_383 = arith.constant 0 : i32
      %scan3A_384 = arith.constant 0 : i32
      %scan3A_385 = arith.constant 49 : i32
      %scan3A_386 = arith.addi %scan3A_384, %scan3A_385 : i32
      %scan3A_387 = arith.constant 1 : i32
      %scan3A_388 = scf.for %scan3A_448 = %scan3A_384 to %scan3A_386 step %scan3A_387 iter_args(%scan3A_449 = %scan3A_383) -> (i32)  : i32 {
        %mul3A_450 = arith.constant 16 : i32
        %mul3A_451 = arith.muli %mul3A_450, %scan3A_448 : i32
        %get3A = arith.index_cast %mul3A_451 : i32 to index
        %get3A_452 = tpu.vector_load %arg33[%get3A] {strides = array<i32>} : memref<784xf32, #tpu.memory_space<vmem>>, vector<16xf32>,
        %mul3A_453 = vector.broadcast %squeeze3A_382 : f32 to vector<16xf32>
        %mul3A_454 = arith.mulf %get3A_452, %mul3A_453 : vector<16xf32>
        %mul3A_455 = arith.constant 16 : i32
        %mul3A_456 = arith.muli %mul3A_455, %scan3A_448 : i32
        %swap3A_457 = arith.index_cast %mul3A_456 : i32 to index
        %swap3A_458 = tpu.vector_load %arg37[%swap3A_457] {strides = array<i32>} : memref<784xf32, #tpu.memory_space<vmem>>, vector<16xf32>,
        tpu.vector_store %arg37[%swap3A_457], %mul3A_454 {strides = array<i32>} : memref<784xf32, #tpu.memory_space<vmem>>, vector<16xf32>,
        %scan3A_459 = arith.constant 0 : i32
        scf.yield %scan3A_459 : i32
      }
      %scan3A_389 = arith.constant 49 : i32
      %lt3A_390 = arith.constant 100 : i32
      %lt3A_391 = arith.cmpi slt, %add3A_380, %lt3A_390 : i32
      %convert_element_type3A_392 = arith.extui %lt3A_391 : i1 to i32
      %cond3A_393 = arith.constant 0 : i32
      %cond3A_394 = arith.cmpi ne, %convert_element_type3A_392, %cond3A_393 : i32
      scf.if %cond3A_394 {
        "tpu.region"() ({
          %run_scoped3A_448 = tpu.sem_alloc : memref<!tpu.dma_semaphore, #tpu.memory_space<semaphore_mem>>
          %dma_start3A_449 = arith.constant 0 : i32
          %dma_start3A_450 = tpu.memref_slice %arg9[%add3A_380, %dma_start3A_449] : memref<100x784xf32, #tpu.memory_space<hbm>> -> memref<1x784xf32, #tpu.memory_space<hbm>>
          %dma_start3A_451 = tpu.memref_squeeze %dma_start3A_450 : memref<1x784xf32, #tpu.memory_space<hbm>> -> memref<784xf32, #tpu.memory_space<hbm>>
          %dma_start3A_452 = arith.constant 0 : i32
          %dma_start3A_453 = tpu.memref_slice %arg9[%add3A_380, %dma_start3A_452] : memref<100x784xf32, #tpu.memory_space<hbm>> -> memref<1x784xf32, #tpu.memory_space<hbm>>
          %dma_start3A_454 = tpu.memref_squeeze %dma_start3A_453 : memref<1x784xf32, #tpu.memory_space<hbm>> -> memref<784xf32, #tpu.memory_space<hbm>>
          tpu.enqueue_dma source(%arg37 : memref<784xf32, #tpu.memory_space<vmem>>) target(%dma_start3A_454 : memref<784xf32, #tpu.memory_space<hbm>>) target_semaphore(%run_scoped3A_448 : memref<!tpu.dma_semaphore, #tpu.memory_space<semaphore_mem>>)
          %dma_wait3A_455 = arith.constant 0 : i32
          %dma_wait3A_456 = tpu.memref_slice %arg9[%add3A_380, %dma_wait3A_455] : memref<100x784xf32, #tpu.memory_space<hbm>> -> memref<1x784xf32, #tpu.memory_space<hbm>>
          %dma_wait3A_457 = tpu.memref_squeeze %dma_wait3A_456 : memref<1x784xf32, #tpu.memory_space<hbm>> -> memref<784xf32, #tpu.memory_space<hbm>>
          %dma_wait3A_458 = arith.constant 0 : i32
          %dma_wait3A_459 = tpu.memref_slice %arg9[%add3A_380, %dma_wait3A_458] : memref<100x784xf32, #tpu.memory_space<hbm>> -> memref<1x784xf32, #tpu.memory_space<hbm>>
          %dma_wait3A_460 = tpu.memref_squeeze %dma_wait3A_459 : memref<1x784xf32, #tpu.memory_space<hbm>> -> memref<784xf32, #tpu.memory_space<hbm>>
          tpu.wait_dma2 semaphore(%run_scoped3A_448 : memref<!tpu.dma_semaphore, #tpu.memory_space<semaphore_mem>>) src(%arg37 : memref<784xf32, #tpu.memory_space<vmem>>) dst(%dma_wait3A_460 : memref<784xf32, #tpu.memory_space<hbm>>)
          tpu.yield
        }) : () -> ()
      } else {
      }
      %add3A_395 = arith.constant 64 : i32
      %add3A_396 = arith.addi %arg1, %add3A_395 : i32
      %slice3A_397 = vector.extract_strided_slice %select_n3A_226 {offsets = [4], sizes = [1], strides = [1]} : vector<16xf32> to vector<1xf32>
      %squeeze3A_398 = vector.extract %slice3A_397[0] : f32 from vector<1xf32>
      %scan3A_399 = arith.constant 0 : i32
      %scan3A_400 = arith.constant 0 : i32
      %scan3A_401 = arith.constant 49 : i32
      %scan3A_402 = arith.addi %scan3A_400, %scan3A_401 : i32
      %scan3A_403 = arith.constant 1 : i32
      %scan3A_404 = scf.for %scan3A_448 = %scan3A_400 to %scan3A_402 step %scan3A_403 iter_args(%scan3A_449 = %scan3A_399) -> (i32)  : i32 {
        %mul3A_450 = arith.constant 16 : i32
        %mul3A_451 = arith.muli %mul3A_450, %scan3A_448 : i32
        %get3A = arith.index_cast %mul3A_451 : i32 to index
        %get3A_452 = tpu.vector_load %arg34[%get3A] {strides = array<i32>} : memref<784xf32, #tpu.memory_space<vmem>>, vector<16xf32>,
        %mul3A_453 = vector.broadcast %squeeze3A_398 : f32 to vector<16xf32>
        %mul3A_454 = arith.mulf %get3A_452, %mul3A_453 : vector<16xf32>
        %mul3A_455 = arith.constant 16 : i32
        %mul3A_456 = arith.muli %mul3A_455, %scan3A_448 : i32
        %swap3A_457 = arith.index_cast %mul3A_456 : i32 to index
        %swap3A_458 = tpu.vector_load %arg37[%swap3A_457] {strides = array<i32>} : memref<784xf32, #tpu.memory_space<vmem>>, vector<16xf32>,
        tpu.vector_store %arg37[%swap3A_457], %mul3A_454 {strides = array<i32>} : memref<784xf32, #tpu.memory_space<vmem>>, vector<16xf32>,
        %scan3A_459 = arith.constant 0 : i32
        scf.yield %scan3A_459 : i32
      }
      %scan3A_405 = arith.constant 49 : i32
      %lt3A_406 = arith.constant 100 : i32
      %lt3A_407 = arith.cmpi slt, %add3A_396, %lt3A_406 : i32
      %convert_element_type3A_408 = arith.extui %lt3A_407 : i1 to i32
      %cond3A_409 = arith.constant 0 : i32
      %cond3A_410 = arith.cmpi ne, %convert_element_type3A_408, %cond3A_409 : i32
      scf.if %cond3A_410 {
        "tpu.region"() ({
          %run_scoped3A_448 = tpu.sem_alloc : memref<!tpu.dma_semaphore, #tpu.memory_space<semaphore_mem>>
          %dma_start3A_449 = arith.constant 0 : i32
          %dma_start3A_450 = tpu.memref_slice %arg9[%add3A_396, %dma_start3A_449] : memref<100x784xf32, #tpu.memory_space<hbm>> -> memref<1x784xf32, #tpu.memory_space<hbm>>
          %dma_start3A_451 = tpu.memref_squeeze %dma_start3A_450 : memref<1x784xf32, #tpu.memory_space<hbm>> -> memref<784xf32, #tpu.memory_space<hbm>>
          %dma_start3A_452 = arith.constant 0 : i32
          %dma_start3A_453 = tpu.memref_slice %arg9[%add3A_396, %dma_start3A_452] : memref<100x784xf32, #tpu.memory_space<hbm>> -> memref<1x784xf32, #tpu.memory_space<hbm>>
          %dma_start3A_454 = tpu.memref_squeeze %dma_start3A_453 : memref<1x784xf32, #tpu.memory_space<hbm>> -> memref<784xf32, #tpu.memory_space<hbm>>
          tpu.enqueue_dma source(%arg37 : memref<784xf32, #tpu.memory_space<vmem>>) target(%dma_start3A_454 : memref<784xf32, #tpu.memory_space<hbm>>) target_semaphore(%run_scoped3A_448 : memref<!tpu.dma_semaphore, #tpu.memory_space<semaphore_mem>>)
          %dma_wait3A_455 = arith.constant 0 : i32
          %dma_wait3A_456 = tpu.memref_slice %arg9[%add3A_396, %dma_wait3A_455] : memref<100x784xf32, #tpu.memory_space<hbm>> -> memref<1x784xf32, #tpu.memory_space<hbm>>
          %dma_wait3A_457 = tpu.memref_squeeze %dma_wait3A_456 : memref<1x784xf32, #tpu.memory_space<hbm>> -> memref<784xf32, #tpu.memory_space<hbm>>
          %dma_wait3A_458 = arith.constant 0 : i32
          %dma_wait3A_459 = tpu.memref_slice %arg9[%add3A_396, %dma_wait3A_458] : memref<100x784xf32, #tpu.memory_space<hbm>> -> memref<1x784xf32, #tpu.memory_space<hbm>>
          %dma_wait3A_460 = tpu.memref_squeeze %dma_wait3A_459 : memref<1x784xf32, #tpu.memory_space<hbm>> -> memref<784xf32, #tpu.memory_space<hbm>>
          tpu.wait_dma2 semaphore(%run_scoped3A_448 : memref<!tpu.dma_semaphore, #tpu.memory_space<semaphore_mem>>) src(%arg37 : memref<784xf32, #tpu.memory_space<vmem>>) dst(%dma_wait3A_460 : memref<784xf32, #tpu.memory_space<hbm>>)
          tpu.yield
        }) : () -> ()
      } else {
      }
      %add3A_411 = arith.constant 80 : i32
      %add3A_412 = arith.addi %arg1, %add3A_411 : i32
      %slice3A_413 = vector.extract_strided_slice %select_n3A_226 {offsets = [5], sizes = [1], strides = [1]} : vector<16xf32> to vector<1xf32>
      %squeeze3A_414 = vector.extract %slice3A_413[0] : f32 from vector<1xf32>
      %scan3A_415 = arith.constant 0 : i32
      %scan3A_416 = arith.constant 0 : i32
      %scan3A_417 = arith.constant 49 : i32
      %scan3A_418 = arith.addi %scan3A_416, %scan3A_417 : i32
      %scan3A_419 = arith.constant 1 : i32
      %scan3A_420 = scf.for %scan3A_448 = %scan3A_416 to %scan3A_418 step %scan3A_419 iter_args(%scan3A_449 = %scan3A_415) -> (i32)  : i32 {
        %mul3A_450 = arith.constant 16 : i32
        %mul3A_451 = arith.muli %mul3A_450, %scan3A_448 : i32
        %get3A = arith.index_cast %mul3A_451 : i32 to index
        %get3A_452 = tpu.vector_load %arg35[%get3A] {strides = array<i32>} : memref<784xf32, #tpu.memory_space<vmem>>, vector<16xf32>,
        %mul3A_453 = vector.broadcast %squeeze3A_414 : f32 to vector<16xf32>
        %mul3A_454 = arith.mulf %get3A_452, %mul3A_453 : vector<16xf32>
        %mul3A_455 = arith.constant 16 : i32
        %mul3A_456 = arith.muli %mul3A_455, %scan3A_448 : i32
        %swap3A_457 = arith.index_cast %mul3A_456 : i32 to index
        %swap3A_458 = tpu.vector_load %arg37[%swap3A_457] {strides = array<i32>} : memref<784xf32, #tpu.memory_space<vmem>>, vector<16xf32>,
        tpu.vector_store %arg37[%swap3A_457], %mul3A_454 {strides = array<i32>} : memref<784xf32, #tpu.memory_space<vmem>>, vector<16xf32>,
        %scan3A_459 = arith.constant 0 : i32
        scf.yield %scan3A_459 : i32
      }
      %scan3A_421 = arith.constant 49 : i32
      %lt3A_422 = arith.constant 100 : i32
      %lt3A_423 = arith.cmpi slt, %add3A_412, %lt3A_422 : i32
      %convert_element_type3A_424 = arith.extui %lt3A_423 : i1 to i32
      %cond3A_425 = arith.constant 0 : i32
      %cond3A_426 = arith.cmpi ne, %convert_element_type3A_424, %cond3A_425 : i32
      scf.if %cond3A_426 {
        "tpu.region"() ({
          %run_scoped3A_448 = tpu.sem_alloc : memref<!tpu.dma_semaphore, #tpu.memory_space<semaphore_mem>>
          %dma_start3A_449 = arith.constant 0 : i32
          %dma_start3A_450 = tpu.memref_slice %arg9[%add3A_412, %dma_start3A_449] : memref<100x784xf32, #tpu.memory_space<hbm>> -> memref<1x784xf32, #tpu.memory_space<hbm>>
          %dma_start3A_451 = tpu.memref_squeeze %dma_start3A_450 : memref<1x784xf32, #tpu.memory_space<hbm>> -> memref<784xf32, #tpu.memory_space<hbm>>
          %dma_start3A_452 = arith.constant 0 : i32
          %dma_start3A_453 = tpu.memref_slice %arg9[%add3A_412, %dma_start3A_452] : memref<100x784xf32, #tpu.memory_space<hbm>> -> memref<1x784xf32, #tpu.memory_space<hbm>>
          %dma_start3A_454 = tpu.memref_squeeze %dma_start3A_453 : memref<1x784xf32, #tpu.memory_space<hbm>> -> memref<784xf32, #tpu.memory_space<hbm>>
          tpu.enqueue_dma source(%arg37 : memref<784xf32, #tpu.memory_space<vmem>>) target(%dma_start3A_454 : memref<784xf32, #tpu.memory_space<hbm>>) target_semaphore(%run_scoped3A_448 : memref<!tpu.dma_semaphore, #tpu.memory_space<semaphore_mem>>)
          %dma_wait3A_455 = arith.constant 0 : i32
          %dma_wait3A_456 = tpu.memref_slice %arg9[%add3A_412, %dma_wait3A_455] : memref<100x784xf32, #tpu.memory_space<hbm>> -> memref<1x784xf32, #tpu.memory_space<hbm>>
          %dma_wait3A_457 = tpu.memref_squeeze %dma_wait3A_456 : memref<1x784xf32, #tpu.memory_space<hbm>> -> memref<784xf32, #tpu.memory_space<hbm>>
          %dma_wait3A_458 = arith.constant 0 : i32
          %dma_wait3A_459 = tpu.memref_slice %arg9[%add3A_412, %dma_wait3A_458] : memref<100x784xf32, #tpu.memory_space<hbm>> -> memref<1x784xf32, #tpu.memory_space<hbm>>
          %dma_wait3A_460 = tpu.memref_squeeze %dma_wait3A_459 : memref<1x784xf32, #tpu.memory_space<hbm>> -> memref<784xf32, #tpu.memory_space<hbm>>
          tpu.wait_dma2 semaphore(%run_scoped3A_448 : memref<!tpu.dma_semaphore, #tpu.memory_space<semaphore_mem>>) src(%arg37 : memref<784xf32, #tpu.memory_space<vmem>>) dst(%dma_wait3A_460 : memref<784xf32, #tpu.memory_space<hbm>>)
          tpu.yield
        }) : () -> ()
      } else {
      }
      %add3A_427 = arith.constant 96 : i32
      %add3A_428 = arith.addi %arg1, %add3A_427 : i32
      %slice3A_429 = vector.extract_strided_slice %select_n3A_226 {offsets = [6], sizes = [1], strides = [1]} : vector<16xf32> to vector<1xf32>
      %squeeze3A_430 = vector.extract %slice3A_429[0] : f32 from vector<1xf32>
      %scan3A_431 = arith.constant 0 : i32
      %scan3A_432 = arith.constant 0 : i32
      %scan3A_433 = arith.constant 49 : i32
      %scan3A_434 = arith.addi %scan3A_432, %scan3A_433 : i32
      %scan3A_435 = arith.constant 1 : i32
      %scan3A_436 = scf.for %scan3A_448 = %scan3A_432 to %scan3A_434 step %scan3A_435 iter_args(%scan3A_449 = %scan3A_431) -> (i32)  : i32 {
        %mul3A_450 = arith.constant 16 : i32
        %mul3A_451 = arith.muli %mul3A_450, %scan3A_448 : i32
        %get3A = arith.index_cast %mul3A_451 : i32 to index
        %get3A_452 = tpu.vector_load %arg36[%get3A] {strides = array<i32>} : memref<784xf32, #tpu.memory_space<vmem>>, vector<16xf32>,
        %mul3A_453 = vector.broadcast %squeeze3A_430 : f32 to vector<16xf32>
        %mul3A_454 = arith.mulf %get3A_452, %mul3A_453 : vector<16xf32>
        %mul3A_455 = arith.constant 16 : i32
        %mul3A_456 = arith.muli %mul3A_455, %scan3A_448 : i32
        %swap3A_457 = arith.index_cast %mul3A_456 : i32 to index
        %swap3A_458 = tpu.vector_load %arg37[%swap3A_457] {strides = array<i32>} : memref<784xf32, #tpu.memory_space<vmem>>, vector<16xf32>,
        tpu.vector_store %arg37[%swap3A_457], %mul3A_454 {strides = array<i32>} : memref<784xf32, #tpu.memory_space<vmem>>, vector<16xf32>,
        %scan3A_459 = arith.constant 0 : i32
        scf.yield %scan3A_459 : i32
      }
      %scan3A_437 = arith.constant 49 : i32
      %lt3A_438 = arith.constant 100 : i32
      %lt3A_439 = arith.cmpi slt, %add3A_428, %lt3A_438 : i32
      %convert_element_type3A_440 = arith.extui %lt3A_439 : i1 to i32
      %cond3A_441 = arith.constant 0 : i32
      %cond3A_442 = arith.cmpi ne, %convert_element_type3A_440, %cond3A_441 : i32
      scf.if %cond3A_442 {
        "tpu.region"() ({
          %run_scoped3A_448 = tpu.sem_alloc : memref<!tpu.dma_semaphore, #tpu.memory_space<semaphore_mem>>
          %dma_start3A_449 = arith.constant 0 : i32
          %dma_start3A_450 = tpu.memref_slice %arg9[%add3A_428, %dma_start3A_449] : memref<100x784xf32, #tpu.memory_space<hbm>> -> memref<1x784xf32, #tpu.memory_space<hbm>>
          %dma_start3A_451 = tpu.memref_squeeze %dma_start3A_450 : memref<1x784xf32, #tpu.memory_space<hbm>> -> memref<784xf32, #tpu.memory_space<hbm>>
          %dma_start3A_452 = arith.constant 0 : i32
          %dma_start3A_453 = tpu.memref_slice %arg9[%add3A_428, %dma_start3A_452] : memref<100x784xf32, #tpu.memory_space<hbm>> -> memref<1x784xf32, #tpu.memory_space<hbm>>
          %dma_start3A_454 = tpu.memref_squeeze %dma_start3A_453 : memref<1x784xf32, #tpu.memory_space<hbm>> -> memref<784xf32, #tpu.memory_space<hbm>>
          tpu.enqueue_dma source(%arg37 : memref<784xf32, #tpu.memory_space<vmem>>) target(%dma_start3A_454 : memref<784xf32, #tpu.memory_space<hbm>>) target_semaphore(%run_scoped3A_448 : memref<!tpu.dma_semaphore, #tpu.memory_space<semaphore_mem>>)
          %dma_wait3A_455 = arith.constant 0 : i32
          %dma_wait3A_456 = tpu.memref_slice %arg9[%add3A_428, %dma_wait3A_455] : memref<100x784xf32, #tpu.memory_space<hbm>> -> memref<1x784xf32, #tpu.memory_space<hbm>>
          %dma_wait3A_457 = tpu.memref_squeeze %dma_wait3A_456 : memref<1x784xf32, #tpu.memory_space<hbm>> -> memref<784xf32, #tpu.memory_space<hbm>>
          %dma_wait3A_458 = arith.constant 0 : i32
          %dma_wait3A_459 = tpu.memref_slice %arg9[%add3A_428, %dma_wait3A_458] : memref<100x784xf32, #tpu.memory_space<hbm>> -> memref<1x784xf32, #tpu.memory_space<hbm>>
          %dma_wait3A_460 = tpu.memref_squeeze %dma_wait3A_459 : memref<1x784xf32, #tpu.memory_space<hbm>> -> memref<784xf32, #tpu.memory_space<hbm>>
          tpu.wait_dma2 semaphore(%run_scoped3A_448 : memref<!tpu.dma_semaphore, #tpu.memory_space<semaphore_mem>>) src(%arg37 : memref<784xf32, #tpu.memory_space<vmem>>) dst(%dma_wait3A_460 : memref<784xf32, #tpu.memory_space<hbm>>)
          tpu.yield
        }) : () -> ()
      } else {
      }
      %eq3A_443 = arith.constant 0 : i32
      %eq3A_444 = arith.cmpi eq, %arg1, %eq3A_443 : i32
      %convert_element_type3A_445 = arith.extui %eq3A_444 : i1 to i32
      %cond3A_446 = arith.constant 0 : i32
      %cond3A_447 = arith.cmpi ne, %convert_element_type3A_445, %cond3A_446 : i32
      scf.if %cond3A_447 {
        "tpu.region"() ({
          %run_scoped3A_448 = tpu.sem_alloc : memref<!tpu.dma_semaphore, #tpu.memory_space<semaphore_mem>>
          tpu.enqueue_dma source(%arg27 : memref<112x4xf32, #tpu.memory_space<vmem>>) target(%arg6 : memref<112x4xf32, #tpu.memory_space<hbm>>) target_semaphore(%run_scoped3A_448 : memref<!tpu.dma_semaphore, #tpu.memory_space<semaphore_mem>>)
          tpu.wait_dma2 semaphore(%run_scoped3A_448 : memref<!tpu.dma_semaphore, #tpu.memory_space<semaphore_mem>>) src(%arg27 : memref<112x4xf32, #tpu.memory_space<vmem>>) dst(%arg6 : memref<112x4xf32, #tpu.memory_space<hbm>>)
          tpu.yield
        }) : () -> ()
        "tpu.region"() ({
          %run_scoped3A_448 = tpu.sem_alloc : memref<!tpu.dma_semaphore, #tpu.memory_space<semaphore_mem>>
          tpu.enqueue_dma source(%arg28 : memref<112xf32, #tpu.memory_space<vmem>>) target(%arg7 : memref<112xf32, #tpu.memory_space<hbm>>) target_semaphore(%run_scoped3A_448 : memref<!tpu.dma_semaphore, #tpu.memory_space<semaphore_mem>>)
          tpu.wait_dma2 semaphore(%run_scoped3A_448 : memref<!tpu.dma_semaphore, #tpu.memory_space<semaphore_mem>>) src(%arg28 : memref<112xf32, #tpu.memory_space<vmem>>) dst(%arg7 : memref<112xf32, #tpu.memory_space<hbm>>)
          tpu.yield
        }) : () -> ()
        "tpu.region"() ({
          %run_scoped3A_448 = tpu.sem_alloc : memref<!tpu.dma_semaphore, #tpu.memory_space<semaphore_mem>>
          tpu.enqueue_dma source(%arg29 : memref<112xi32, #tpu.memory_space<vmem>>) target(%arg8 : memref<112xi32, #tpu.memory_space<hbm>>) target_semaphore(%run_scoped3A_448 : memref<!tpu.dma_semaphore, #tpu.memory_space<semaphore_mem>>)
          tpu.wait_dma2 semaphore(%run_scoped3A_448 : memref<!tpu.dma_semaphore, #tpu.memory_space<semaphore_mem>>) src(%arg29 : memref<112xi32, #tpu.memory_space<vmem>>) dst(%arg8 : memref<112xi32, #tpu.memory_space<hbm>>)
          tpu.yield
        }) : () -> ()
      } else {
      }
    } else {
    }
    return
  }
}

</mosaic_0001>

<sc_bundles>
// kernel: kernel.3.cloned.1.call-start
scs
__scs_entry_jumppad:
0x0: {  	(pc) =	sbr.rel $0x88, $3  }
0x1: {  	(tag) =	ssettag $0x0;
	lr =	simm.s32 $0x1  }
0x2: {  	[smem:$0x3F9D] =	sst lr;
	_ =	strace $0xD0000000  }
0x3: {  	_ = 	snop  }
0x4: {  	_ = 	snop  }
0x5: {  	_ = 	snop  }
0x6: {  	_ = 	snop  }
0x7: {  	_ = 	snop  }
__scs_overlays_trampoline_lowered:
0x8: {  	[smem:$0x3FAC] =	sst s0  }
0x9: {  	[smem:$0x3FAD] =	sst s1  }
0xa: {  	[smem:$0x3FAE] =	sst s2  }
0xb: {  	[smem:$0x3FAF] =	sst s3  }
0xc: {  	[smem:$0x3FB0] =	sst s4  }
0xd: {  	[smem:$0x3FB1] =	sst s5  }
0xe: {  	[smem:$0x3FB2] =	sst s6  }
0xf: {  	[smem:$0x3FB3] =	sst s7  }
0x10: {  	[smem:$0x3FB4] =	sst s8  }
0x11: {  	[smem:$0x3FB5] =	sst s9;
	s0 =	simm.s32 @!p0 $0x0  }
0x12: {  	s1 =	sld [smem:$0x3F9B];
	s0 =	simm.s32 @p0 $0x1  }
0x13: {  	[smem:$0x3FB6] =	sst s0;
	s0 =	simm.s32 @!p1 $0x0  }
0x14: {  	s2 =	sld [smem:$0x3F9A];
	s0 =	simm.s32 @p1 $0x1  }
0x15: {  	[smem:$0x3FB7] =	sst s0;
	s0 =	simm.s32 @!p2 $0x0  }
0x16: {  	s3 =	sld [smem:$0x3FDB];
	s0 =	simm.s32 @p2 $0x1  }
0x17: {  	s4 =	simm.s32 $0x1BF5;
	[smem:$0x3FB9] =	sst s0  }
0x18: {  	s0 =	sld [smem:$0x3F9C];
	_ =	swait.ge [sflag:s4], $0x0  }
0x19: {  	s7 =	sld [smem:$0x3F9D]  }
0x1a: {  	s8 =	sadd.s32 $0xFFFFE003, lr  }
0x1b: {  	s9 =	sadd.s32 $0xFFFFFEF7, lr;
	s5 =	simm.s32 $0xFFFFFFFF;
	p2 =	slt.u32 s8, $0xFFFFF086  }
0x1c: {  	p1 =	slt.u32 s9, $0xF7A;
	s5 =	simm.s32 @!p2 $0x0  }
0x1d: {  	s5 =	simm.s32 @p1 $0x1;
	p0 =	seq.s32 s7, s2  }
0x1e: {  	s7 =	smul.u32 @!p0 $0xF7A, s2;
	p2 =	seq.s32 @!p0 s5, $0x0  }
0x1f: {  	s9 =	smul.u32 $0xF7A, s1;
	s8 =	simm.s32 @!p0 $0x1BF5;
	p2 =	por !p2, p0  }
0x20: {  	[sflag:s8] =	ssyncset.s32 @!p0 $0xFFFFF086;
	s6 =	sadd.s32 @!p0 s3, s7;
	s7 =	simm.s32 @!p0 $0x108  }
0x21: {  	s3 =	sadd.s32 s3, s9;
	s6 =	sadd.s32 @!p0 $0x88, s6;
	s7 =	simm.s32 @p2 $0x1082  }
0x22: {  	[simem:s7], [sflag:s8] =	dma.local @!p0 [hbm:s6], $0xF7A  }
0x23: {  	s9 =	sor.u32 $0xD0000000, s2;
	s6 =	simm.s32 $0x108;
	_ =	swait.ge @!p0 [sflag:s8], $0x0  }
0x24: {  	s3 =	sadd.s32 $0x88, s3;
	s6 =	simm.s32 @!p1 $0x1082;
	[sflag:s4] =	ssyncset.s32 $0xFFFFF086  }
0x25: {  	[simem:s6], [sflag:s4] =	dma.local [hbm:s3], $0xF7A  }
0x26: {  	[smem:$0x3F9D] =	sst s1;
	(tag) =	ssettag s2;
	_ =	strace s9  }
0x27: {  	s1 =	sld [smem:$0x3FAD]  }
0x28: {  	s2 =	sld [smem:$0x3FAE]  }
0x29: {  	s4 =	sld [smem:$0x3FB0]  }
0x2a: {  	p0 =	seq.s32 s5, $0x0;
	s5 =	sld [smem:$0x3FB1]  }
0x2b: {  	s6 =	sld [smem:$0x3FB2]  }
0x2c: {  	s7 =	sld [smem:$0x3FB3]  }
0x2d: {  	s3 =	simm.s32 $0x108;
	s8 =	sld [smem:$0x3FB4]  }
0x2e: {  	s3 =	simm.s32 @!p0 $0x1082;
	s9 =	sld [smem:$0x3FB5]  }
0x2f: {  	lr =	sadd.s32 s0, s3;
	s0 =	sld [smem:$0x3FAC]  }
0x30: {  	s3 =	sld [smem:$0x3FAF]  }
0x31: {  	[smem:$0x3FB8] =	sst s10  }
0x32: {  	s10 =	sld [smem:$0x3FB6];
	_ =	sdelay $0x3  }
0x33: {  	p0 =	seq.s32 s10, $0x1;
	s10 =	sld [smem:$0x3FB8];
	_ =	sdelay $0x3  }
0x34: {  	[smem:$0x3FB8] =	sst s10  }
0x35: {  	s10 =	sld [smem:$0x3FB7];
	_ =	sdelay $0x3  }
0x36: {  	p1 =	seq.s32 s10, $0x1;
	s10 =	sld [smem:$0x3FB8];
	_ =	sdelay $0x3  }
0x37: {  	[smem:$0x3FB8] =	sst s10  }
0x38: {  	s10 =	sld [smem:$0x3FB9]  }
0x39: {  	_ = 	snop;
	(pc) =	sbr.ind lr, $3  }
0x3a: {  	_ = 	snop  }
0x3b: {  	_ = 	snop  }
0x3c: {  	p2 =	seq.s32 s10, $0x1;
	s10 =	sld [smem:$0x3FB8]  }
0x3d: {  	_ =	shalt  }
0x3e: {  	_ =	shalt  }
0x3f: {  	_ =	shalt  }
0x40: {  	_ =	shalt  }
0x41: {  	_ =	shalt  }
0x42: {  	_ =	shalt  }
0x43: {  	_ =	shalt  }
0x44: {  	_ =	shalt  }
0x45: {  	_ =	shalt  }
0x46: {  	_ =	shalt  }
0x47: {  	_ =	shalt  }
0x48: {  	_ =	shalt  }
0x49: {  	_ =	shalt  }
0x4a: {  	_ =	shalt  }
0x4b: {  	_ =	shalt  }
0x4c: {  	_ =	shalt  }
0x4d: {  	_ =	shalt  }
0x4e: {  	_ =	shalt  }
0x4f: {  	_ =	shalt  }
0x50: {  	_ =	shalt  }
0x51: {  	_ =	shalt  }
0x52: {  	_ =	shalt  }
0x53: {  	_ =	shalt  }
0x54: {  	_ =	shalt  }
0x55: {  	_ =	shalt  }
0x56: {  	_ =	shalt  }
0x57: {  	_ =	shalt  }
0x58: {  	_ =	shalt  }
0x59: {  	_ =	shalt  }
0x5a: {  	_ =	shalt  }
0x5b: {  	_ =	shalt  }
0x5c: {  	_ =	shalt  }
0x5d: {  	_ =	shalt  }
0x5e: {  	_ =	shalt  }
0x5f: {  	_ =	shalt  }
0x60: {  	_ =	shalt  }
0x61: {  	_ =	shalt  }
0x62: {  	_ =	shalt  }
0x63: {  	_ =	shalt  }
0x64: {  	_ =	shalt  }
0x65: {  	_ =	shalt  }
0x66: {  	_ =	shalt  }
0x67: {  	_ =	shalt  }
0x68: {  	_ =	shalt  }
0x69: {  	_ =	shalt  }
0x6a: {  	_ =	shalt  }
0x6b: {  	_ =	shalt  }
0x6c: {  	_ =	shalt  }
0x6d: {  	_ =	shalt  }
0x6e: {  	_ =	shalt  }
0x6f: {  	_ =	shalt  }
0x70: {  	_ =	shalt  }
0x71: {  	_ =	shalt  }
0x72: {  	_ =	shalt  }
0x73: {  	_ =	shalt  }
0x74: {  	_ =	shalt  }
0x75: {  	_ =	shalt  }
0x76: {  	_ =	shalt  }
0x77: {  	_ =	shalt  }
0x78: {  	_ =	shalt  }
0x79: {  	_ =	shalt  }
0x7a: {  	_ =	shalt  }
0x7b: {  	_ =	shalt  }
0x7c: {  	_ =	shalt  }
0x7d: {  	_ =	shalt  }
0x7e: {  	_ =	shalt  }
0x7f: {  	_ =	shalt  }
0x80: {  	_ =	shalt  }
0x81: {  	_ =	shalt  }
0x82: {  	_ =	shalt  }
0x83: {  	_ =	shalt  }
0x84: {  	_ =	shalt  }
0x85: {  	_ =	shalt  }
0x86: {  	_ =	shalt  }
0x87: {  	_ =	shalt  }
.Lfunc_end0:
.L_simem_size_0:
called_computation.1_lowered:
.L_overlay_start_0:
0x88: {  	s2 =	sld [smem:$0x3FD9]  }
0x89: {  	s3 =	sld [smem:$0x3FFE];
	_ =	sdelay $0x1  }
0x8a: {  	s1 =	srdreg.scid  }
0x8b: {  	s0 =	sand.u32 $0x1, s1  }
0x8c: {  	s14 =	sshll.u32 s0, $0xA;
	s2 =	sadd.s32 s3, s2  }
0x8d: {  	s2 =	sadd.s32 s2, s14  }
0x8e: {  	[smem:$0x3FC4] =	sst s2  }
0x8f: {  	_ = 	snop  }
0x90: {  	s2 =	sld [smem:$0x3FD0];
	_ =	sdelay $0x2  }
0x91: {  	s15 =	simm.s32 $0xA;
	s4 =	simm.s32 $0x10  }
0x92: {  	[smem:s4], [sflag:s15] =	dma.local [hbm:s2], $0x1  }
0x93: {  	_ =	swait.eq [sflag:s15], $0x1  }
0x94: {  	s16 =	sld [smem:$0x11];
	[sflag:s15] =	ssyncset.done $0x0  }
0x95: {  	s17 =	sld [smem:$0x12];
	[sflag:s15] =	ssyncadd.s32 $0xFFFFFFFF  }
0x96: {  	s18 =	sld [smem:$0x13];
	(tm) =	ssettm $0x1  }
0x97: {  	s5 =	sld [smem:$0x3FFB];
	_ =	sdelay $0x3  }
0x98: {  	_ =	strace s5  }
0x99: {  	s5 =	sld [smem:$0x3FFC];
	_ =	sdelay $0x3  }
0x9a: {  	_ =	strace s5  }
0x9b: {  	s5 =	sld [smem:$0x3FFD];
	_ =	sdelay $0x3  }
0x9c: {  	_ =	strace s5  }
0x9d: {  	_ =	strace $0x8FFFFFFF  }
0x9e: {  	s19 =	sld [smem:$0x3FDB];
	_ =	sdelay $0x1  }
0x9f: {  	s6 =	simm.s32 $_scs_section_size  }
0xa0: {  	s7 =	simm.s32 $_size__tile_overlayer_lowered;
	s8 =	simm.s32 $_tile_overlayer_lowered  }
0xa1: {  	s22 =	simm.s32 $0x1BFF;
	s21 =	sshll.u32 s8, $0x1;
	s5 =	sadd.s32 s6, s19  }
0xa2: {  	s9 =	simm.s32 $0x0;
	s20 =	sshll.u32 s7, $0x1;
	s7 =	sadd.s32 s21, s5  }
0xa3: {  	[timem:s9], [sflag:s22] =	dma.local [hbm:s7], s20  }
0xa4: {  	_ =	swait.ge [sflag:s22], s20  }
0xa5: {  	s6 =	ssub.s32 $0x0, s20;
	[sflag:s22] =	ssyncset.done $0x0  }
0xa6: {  	[sflag:s22] =	ssyncadd.s32 s6;
	_ =	sdelay $0x1  }
0xa7: {  	s23 =	simm.s32 $0x1B8B  }
0xa8: {  	_ =	swait.ge [sflag:s23], $0x1  }
0xa9: {  	[sflag:s23] =	ssyncset.done $0x0  }
0xaa: {  	s25 =	simm.s32 $0x1B8E;
	s24 =	sld [smem:$0x3FFE];
	[sflag:s23] =	ssyncadd.s32 $0xFFFFFFFF  }
0xab: {  	s26 =	simm.s32 $execute0_lowered;
	[smem:$0x3FD2] =	sst s25  }
0xac: {  	s7 =	sshll.u32 s26, $0x1;
	_ =	strace $0x80000049;
	[dreg:$0x1] =	wrdreg $0xFFFFFFFF  }
0xad: {  	s28 =	simm.s32 $_size_execute0_lowered;
	s5 =	sadd.s32 s5, s7;
	[dreg:$0x0] =	wrdreg $0x0  }
0xae: {  	s7 =	sshll.u32 s28, $0x1;
	[dreg:$0x2] =	wrdreg s5  }
0xaf: {  	[dreg:$0x3] =	wrdreg s7  }
0xb0: {  	[dreg:$0x4] =	wrdreg $0xC0  }
0xb1: {  	_ =	task [dreg:s9], $0x5FFFF  }
0xb2: {  	[dreg:$0x1] =	wrdreg $0xFFFFFFFF  }
0xb3: {  	[dreg:$0x0] =	wrdreg $0x60  }
0xb4: {  	[dreg:$0x2] =	wrdreg s24  }
0xb5: {  	[dreg:$0x3] =	wrdreg s16  }
0xb6: {  	[dreg:$0x4] =	wrdreg s17  }
0xb7: {  	[dreg:$0x5] =	wrdreg s18  }
0xb8: {  	[dreg:$0x6] =	wrdreg $0xA9800  }
0xb9: {  	[dreg:$0x7] =	wrdreg $0x9  }
0xba: {  	_ =	task.clear_ibuf [dreg:s9], $0x8FFFF;
	_ =	strace $0x90000049  }
0xbb: {  	s29 =	simm.s32 $0x9;
	_ =	strace $0x8000004B  }
0xbc: {  	_ =	swait.ge [sflag:s29], $0x1  }
0xbd: {  	[sflag:s29] =	ssyncadd.s32 $0xFFFFFFFF  }
0xbe: {  	_ =	strace $0x9000004B  }
0xbf: {  	_ =	sfence  }
0xc0: {  	s30 =	sld [smem:$0x0];
	_ =	sdelay $0x2  }
0xc1: {  	s31 =	sshll.u32 s1, $0xD;
	s1 =	sshrl.u32 s1, $0x2  }
0xc2: {  	s3 =	sand.u32 $0x4000, s31;
	s1 =	sadd.s32 s1, s30  }
0xc3: {  	s0 =	sor.u32 s3, s0;
	s1 =	sshll.u32 s1, $0x11  }
0xc4: {  	s0 =	sor.u32 s1, s0  }
0xc5: {  	s0 =	sadd.s32 $0x8F2B, s0  }
0xc6: {  	[sflag:s0] =	ssyncadd.remote.s32 $0x1  }
0xc7: {  	_ =	sfence.sel $0xFFFF  }
0xc8: {  	[dreg:$0x0] =	wrdreg $0xFFFFFFFF;
	(pc) =	sbr.abs _section_cstart, $3  }
0xc9: {  	[dreg:$0x1] =	wrdreg $0xFFFFFFFF  }
0xca: {  	_ =	task.clear_ibuf [dreg:s9], $0x2FFFF;
	_ =	strace $0x9FFFFFFF  }
0xcb: {  	(tm) =	ssettm $0x7FFFFFFF  }
tec
execute0_lowered:
.L_overlay_start_1:
0x0: {  	(tag) =	ssettag $0x1  }
0x1: {  	s1 =	srdreg.scid  }
0x2: {  	s1 =	sand.u32 $0x1, s1  }
0x3: {  	p0 =	seq.s32 s1, $0x1  }
.Ltmp0:
0x4: {  	s3 =	rddreg [dreg:$0x0];
	(pc) =	sbr.rel @p0 .LBB2_26-.Ltmp0, $4  }
0x5: {  	s6 =	rddreg [dreg:$0x3]  }
0x6: {  	s12 =	rddreg [dreg:$0x4];
	s0 =	simm.s32 $0x0  }
0x7: {  	[smem:$0x7FF] =	sst s0  }
0x8: {  	s2 =	rddreg [dreg:$0x5];
	s11 =	stileid.u32;
	_ =	strace $0x8000004A  }
0x9: {  	s1 =	smul.u32 $0x280, s11  }
0xa: {  	s2 =	sadd.s32 $0x407600, s3  }
0xb: {  	s14 =	simm.s32 $0x2;
	s2 =	sadd.s32 s2, s1  }
0xc: {  	[tilespmem:s0], [sflag:$0x2] =	stream.linear.gather [hbm4b:s2+s0], $0x1400, $0x38;
	[tilespmem:$0xA9A0] =	vst v63  }
0xd: {  	s4 =	smul.u32 $0x140, s11;
	_ =	swait.ge [sflag:s14], $0x1400  }
0xe: {  	s5 =	sadd.s32 $0x409E00, s3;
	[sflag:s14] =	ssyncset.done $0x0  }
0xf: {  	s5 =	sadd.s32 s5, s4;
	s4 =	simm.s32 $0x1400;
	[sflag:s14] =	ssyncadd.s32 $0xFFFFEC00  }
0x10: {  	[tilespmem:s4], [sflag:$0x2] =	stream.linear.gather [hbm4b:s5+s0], $0xA00, $0x38;
	[tilespmem:$0xA9A0] =	vst v63  }
0x11: {  	_ =	swait.ge [sflag:s14], $0xA00  }
0x12: {  	s15 =	sadd.s32 $0x404E00, s3;
	[sflag:s14] =	ssyncset.done $0x0  }
0x13: {  	s5 =	sadd.s32 s15, s1;
	s1 =	simm.s32 $0x1E00;
	[sflag:s14] =	ssyncadd.s32 $0xFFFFF600  }
0x14: {  	[tilespmem:s1], [sflag:$0x2] =	stream.linear.gather [hbm4b:s5+s0], $0x1400, $0x38;
	[tilespmem:$0xA9A0] =	vst v63  }
0x15: {  	_ =	swait.ge [sflag:s14], $0x1400  }
0x16: {  	[sflag:s14] =	ssyncset.done $0x0  }
0x17: {  	v0 =	vimm.f32 $0.0e+00;
	[sflag:s14] =	ssyncadd.s32 $0xFFFFEC00  }
0x18: {  	[tilespmem:$0x5000] =	vst v0  }
0x19: {  	[tilespmem:$0x5080] =	vst v0  }
0x1a: {  	[tilespmem:$0x5100] =	vst v0  }
0x1b: {  	[tilespmem:$0x5180] =	vst v0  }
0x1c: {  	[tilespmem:$0x5200] =	vst v0  }
0x1d: {  	[tilespmem:$0x5010] =	vst v0  }
0x1e: {  	[tilespmem:$0x5090] =	vst v0  }
0x1f: {  	[tilespmem:$0x5110] =	vst v0  }
0x20: {  	[tilespmem:$0x5190] =	vst v0  }
0x21: {  	[tilespmem:$0x5210] =	vst v0  }
0x22: {  	[tilespmem:$0x5020] =	vst v0  }
0x23: {  	[tilespmem:$0x50A0] =	vst v0  }
0x24: {  	[tilespmem:$0x5120] =	vst v0  }
0x25: {  	[tilespmem:$0x51A0] =	vst v0  }
0x26: {  	[tilespmem:$0x5220] =	vst v0  }
0x27: {  	[tilespmem:$0x5030] =	vst v0  }
0x28: {  	[tilespmem:$0x50B0] =	vst v0  }
0x29: {  	[tilespmem:$0x5130] =	vst v0  }
0x2a: {  	[tilespmem:$0x51B0] =	vst v0  }
0x2b: {  	[tilespmem:$0x5230] =	vst v0  }
0x2c: {  	[tilespmem:$0x5040] =	vst v0  }
0x2d: {  	[tilespmem:$0x50C0] =	vst v0  }
0x2e: {  	[tilespmem:$0x5140] =	vst v0  }
0x2f: {  	[tilespmem:$0x51C0] =	vst v0  }
0x30: {  	[tilespmem:$0x5240] =	vst v0  }
0x31: {  	[tilespmem:$0x5050] =	vst v0  }
0x32: {  	[tilespmem:$0x50D0] =	vst v0  }
0x33: {  	v2 =	vlaneseq.u32;
	[tilespmem:$0x5150] =	vst v0  }
0x34: {  	v1 =	vor.u32 s0, v2;
	[tilespmem:$0x51D0] =	vst v0  }
0x35: {  	v3 =	vshll.u32 v1, $0x1;
	[tilespmem:$0x5250] =	vst v0  }
0x36: {  	v4 =	vor.u32 $0x1, v3;
	[tilespmem:$0x5060] =	vst v0  }
0x37: {  	v1 =	vshll.u32 v1, $0x2;
	[tilespmem:$0x50E0] =	vst v0  }
0x38: {  	v5 =	vor.u32 $0x2, v1;
	[tilespmem:$0x5160] =	vst v0  }
0x39: {  	v6 =	vor.u32 $0x3, v1;
	[tilespmem:$0x51E0] =	vst v0  }
0x3a: {  	[tilespmem:$0x5260] =	vst v0  }
0x3b: {  	v0 =	vld.idx.msk [tilespmem:v4+s4+$0x0], $0xffff  }
0x3c: {  	v3 =	vld.idx.msk [tilespmem:v3+s4+$0x0], $0xffff  }
0x3d: {  	v4 =	vld.idx.msk [tilespmem:v5+s1+$0x0], $0xffff  }
0x3e: {  	v7 =	vld.idx.msk [tilespmem:v6+s1+$0x0], $0xffff;
	_ =	sdelay $0x1  }
0x3f: {  	v8 =	vor.u32 $0x1, v1;
	_ =	sdelay $0x1  }
0x40: {  	v9 =	vmax.f32 v3, v0;
	v4 =	vmul.f32 $1.442695020e+00, v4  }
0x41: {  	v6 =	vld.idx.msk [tilespmem:v6+s0+$0x0], $0xffff;
	v7 =	vmul.f32 $1.442695020e+00, v7;
	v3 =	vsub.f32 v3, v9  }
0x42: {  	v5 =	vld.idx.msk [tilespmem:v5+s0+$0x0], $0xffff;
	v0 =	vsub.f32 v0, v9;
	(erf) = vpow2.f32 v4  }
0x43: {  	v3 =	vmul.f32 $1.442695020e+00, v3;
	(erf) = vpow2.f32 v7;
	v7 =	vld.idx.msk [tilespmem:v8+s0+$0x0], $0xffff  }
0x44: {  	v4 =	vld.idx.msk [tilespmem:v1+s0+$0x0], $0xffff;
	v0 =	vmul.f32 $1.442695020e+00, v0  }
0x45: {  	(erf) = vpow2.f32 v3  }
0x46: {  	(erf) = vpow2.f32 v0;
	_ =	sdelay $0x1  }
0x47: {  	s16 =	sadd.s32 $0x1E2000, s3;
	s17 =	sadd.s32 $0x1200, s3;
	s18 =	sshrl.u32 s11, $0x3;
	v1 =	vld.idx.msk [tilespmem:v1+s1+$0x0], $0xffff;
	v6 =	vsub.f32 v6, v7  }
0x48: {  	s19 =	sshll.u32 s11, $0x5;
	s20 =	sshll.u32 s11, $0x7;
	s7 =	sshll.u32 s11, $0x4;
	v3 =	vld.idx.msk [tilespmem:v8+s1+$0x0], $0xffff;
	v5 =	vsub.f32 v5, v4  }
0x49: {  	s29 =	simm.s32 $0x3C00;
	s30 =	simm.s32 $0x4100;
	s3 =	sand.u32 $0x100, s19;
	v0 =	vmul.u32 $0x10, v2;
	v9 =	vmul.f32 $5.000000000e-01, v6  }
0x4a: {  	s8 =	sand.u32 $0x70, s7;
	s28 =	sadd.s32 s7, s6;
	s7 =	simm.s32 $0x4B00;
	v8 =	vmul.f32 $5.000000000e-01, v5  }
0x4b: {  	s19 =	simm.s32 $0x4610;
	s3 =	sadd.s32 s3, s12;
	s2 =	smul.u32 $0x1C00, s18;
	v0 =	vor.u32 s11, v0;
	v10 =	vpop (erf)  }
0x4c: {  	s18 =	simm.s32 $0x4B10;
	s15 =	sadd.s32 s8, s3;
	[dreg:$0xe] =	wrdreg s16;
	v11 =	vmul.f32 v1, v5;
	v4 =	vadd.f32 v8, v4;
	v5 =	vmul.f32 v10, v5;
	v1 =	vpop (erf)  }
0x4d: {  	s3 =	sadd.s32 $0x80, s15;
	s5 =	sand.u32 $0x380, s20;
	[dreg:$0x6] =	wrdreg s17;
	v3 =	vmul.f32 v3, v6;
	v8 =	vadd.f32 v9, v7;
	v6 =	vmul.f32 v1, v6;
	v9 =	vpop (erf)  }
0x4e: {  	s2 =	sor.u32 s5, s2;
	s16 =	simm.s32 $0x3200;
	s17 =	simm.s32 $0x3700;
	v1 =	vmin.u32 v0, $0x63;
	v4 =	vadd.f32 v11, v4;
	v5 =	vmul.f32 $5.000000000e-01, v5;
	v7 =	vpop (erf)  }
0x4f: {  	s5 =	sshrl.u32 s2, $0x3;
	s21 =	sadd.s32 $0x3800, s2;
	s22 =	sadd.s32 $0x7000, s2;
	v8 =	vadd.f32 v3, v8;
	v6 =	vmul.f32 $5.000000000e-01, v6;
	v9 =	vadd.f32 v7, v9  }
0x50: {  	s9 =	sadd.s32 $0xA800, s2;
	s2 =	sadd.s32 $0x11800, s2;
	s14 =	smul.u32 $0x500, s11;
	v3 =	vimm.f32 $-3.402823470e+38;
	v10 =	vsub.f32 v4, v5;
	v5 =	vadd.f32 v5, v4  }
0x51: {  	s10 =	sadd.s32 s6, s5;
	s5 =	sshrl.u32 s21, $0x3;
	s23 =	sshrl.u32 s22, $0x3;
	v11 =	vsub.f32 v8, v6;
	v6 =	vadd.f32 v6, v8;
	(erf) = vrcp.f32 v9  }
0x52: {  	s24 =	sshrl.u32 s9, $0x3;
	s5 =	sadd.s32 s6, s5;
	[dreg:$0xd] =	wrdreg s10;
	v4 =	vimm.s32 $0x0;
	v8 =	vmax.f32 v10, $0.0e+00;
	v5 =	vmax.f32 v5, $0.0e+00  }
0x53: {  	s2 =	sshrl.u32 s2, $0x3;
	[dreg:$0xc] =	wrdreg s5;
	s5 =	sadd.s32 s6, s23;
	v8 =	vmin.f32 v8, $6.390000000e+02;
	v9 =	vmax.f32 v11, $0.0e+00;
	v6 =	vmax.f32 v6, $0.0e+00  }
0x54: {  	s25 =	sadd.s32 s6, s24;
	[dreg:$0xb] =	wrdreg s5;
	s5 =	simm.s32 $0x10;
	v11 =	vmin.f32 v5, $6.390000000e+02;
	v9 =	vmin.f32 v9, $3.830000000e+02;
	v13 =	vmin.f32 v6, $3.830000000e+02  }
0x55: {  	s26 =	sadd.s32 $0x1C00, s10;
	[dreg:$0xa] =	wrdreg s25;
	s31 =	sadd.s32 $0x0, s14;
	v6 =	vor.u32 s5, v2;
	[tilespmem:s16+$0x0] =	vst v8;
	v14 =	vsub.f32 v11, v8;
	v12 =	vsub.f32 v13, v9  }
0x56: {  	s20 =	simm.s32 $0x4110;
	s2 =	sadd.s32 s6, s2;
	[dreg:$0x9] =	wrdreg s26;
	v5 =	vshll.u32 v6, $0x2;
	[tilespmem:s17+$0x0] =	vst v9;
	v10 =	vshll.u32 v6, $0x1;
	v9 =	vor.u32 s31, v2  }
0x57: {  	s22 =	simm.s32 $0x3C10;
	[dreg:$0x8] =	wrdreg s2;
	s2 =	sadd.s32 $0x2A00, s28;
	v6 =	vor.u32 $0x2, v5;
	[tilespmem:s29+$0x0] =	vst v11;
	v11 =	vor.u32 $0x1, v10;
	v8 =	vor.u32 $0x3, v5  }
0x58: {  	s6 =	simm.s32 $0x4600;
	[dreg:$0x7] =	wrdreg s2;
	s2 =	simm.s32 $0x20;
	vm0 =	vlt.s32 v9, $0x4E20;
	v12 =	vmax.f32 v12, $0.0e+00;
	[tilespmem:s30+$0x0] =	vst v13;
	v13 =	vmax.f32 v14, $0.0e+00  }
.LBB2_2:
0x59: {  	s16 =	sadd.s32 $0x10, s16  }
0x5a: {  	s17 =	sadd.s32 $0x10, s17;
	v14 =	vpop (erf);
	s9 =	smov.u32 s2;
	s8 =	sadd.s32 $0x10, s2  }
0x5b: {  	p0 =	sne.s32 s2, $0x4F0;
	v7 =	vmul.f32 v14, v7;
	_ =	sdelay $0x1  }
0x5c: {  	v12 =	vmul.f32 v12, v13;
	vm1 =	vge.f32 v7, $5.000000000e-01  }
0x5d: {  	vm0 =	vmand vm0, vm1  }
0x5e: {  	v7 =	vnsel vm0, $0xFF7FFFFF, v7;
	[tilespmem:s6+$0x0] =	vst v12;
	s6 =	smov.u32 s19  }
0x5f: {  	[tilespmem:s7+$0x0] =	vst v7;
	vm0 =	vgt.f32 v7, v3;
	v3 =	vmax.f32 v3, v7;
	s7 =	smov.u32 s18  }
0x60: {  	v7 =	vld.idx.msk [tilespmem:v11+s4+$0x0], $0xffff;
	v4 =	vsel vm0, v9, v4  }
0x61: {  	v9 =	vld.idx.msk [tilespmem:v10+s4+$0x0], $0xffff  }
0x62: {  	v10 =	vld.idx.msk [tilespmem:v6+s1+$0x0], $0xffff  }
0x63: {  	v11 =	vld.idx.msk [tilespmem:v8+s1+$0x0], $0xffff;
	_ =	sdelay $0x2  }
0x64: {  	v12 =	vor.u32 $0x1, v5  }
0x65: {  	v13 =	vmax.f32 v9, v7  }
0x66: {  	v10 =	vmul.f32 $1.442695020e+00, v10;
	v9 =	vsub.f32 v9, v13;
	v7 =	vsub.f32 v7, v13;
	v8 =	vld.idx.msk [tilespmem:v8+s0+$0x0], $0xffff  }
0x67: {  	v11 =	vmul.f32 $1.442695020e+00, v11;
	v6 =	vld.idx.msk [tilespmem:v6+s0+$0x0], $0xffff  }
0x68: {  	v9 =	vmul.f32 $1.442695020e+00, v9;
	v13 =	vld.idx.msk [tilespmem:v5+s0+$0x0], $0xffff;
	(erf) = vpow2.f32 v10  }
0x69: {  	v7 =	vmul.f32 $1.442695020e+00, v7;
	v10 =	vld.idx.msk [tilespmem:v12+s0+$0x0], $0xffff;
	(erf) = vpow2.f32 v11  }
0x6a: {  	(erf) = vpow2.f32 v9  }
0x6b: {  	v9 =	vld.idx.msk [tilespmem:v12+s1+$0x0], $0xffff;
	(erf) = vpow2.f32 v7  }
0x6c: {  	v5 =	vld.idx.msk [tilespmem:v5+s1+$0x0], $0xffff;
	_ =	sdelay $0x1  }
0x6d: {  	v6 =	vsub.f32 v6, v13  }
0x6e: {  	v7 =	vsub.f32 v8, v10  }
0x6f: {  	v8 =	vmul.f32 $5.000000000e-01, v6  }
0x70: {  	v9 =	vmul.f32 v9, v7;
	v11 =	vmul.f32 $5.000000000e-01, v7;
	v12 =	vpop (erf)  }
0x71: {  	v5 =	vmul.f32 v5, v6;
	v8 =	vadd.f32 v8, v13;
	v6 =	vmul.f32 v12, v6;
	v12 =	vpop (erf)  }
0x72: {  	v10 =	vadd.f32 v11, v10;
	v11 =	vmul.f32 v12, v7;
	v12 =	vpop (erf)  }
0x73: {  	v5 =	vadd.f32 v5, v8;
	v6 =	vmul.f32 $5.000000000e-01, v6;
	v7 =	vpop (erf)  }
0x74: {  	v8 =	vadd.f32 v9, v10;
	v9 =	vmul.f32 $5.000000000e-01, v11;
	v10 =	vadd.f32 v7, v12  }
0x75: {  	v11 =	vsub.f32 v5, v6;
	v5 =	vadd.f32 v6, v5  }
0x76: {  	v6 =	vsub.f32 v8, v9;
	v8 =	vadd.f32 v9, v8;
	(erf) = vrcp.f32 v10  }
0x77: {  	v9 =	vmax.f32 v11, $0.0e+00;
	v5 =	vmax.f32 v5, $0.0e+00  }
0x78: {  	v9 =	vmin.f32 v9, $6.390000000e+02;
	v6 =	vmax.f32 v6, $0.0e+00;
	v8 =	vmax.f32 v8, $0.0e+00  }
0x79: {  	v11 =	vmin.f32 v5, $6.390000000e+02;
	v6 =	vmin.f32 v6, $3.830000000e+02;
	v8 =	vmin.f32 v8, $3.830000000e+02;
	[tilespmem:s16+$0x0] =	vst v9  }
.Ltmp1:
0x7a: {  	v10 =	vor.u32 s9, v2;
	v13 =	vsub.f32 v11, v9;
	v9 =	vsub.f32 v8, v6;
	[tilespmem:s17+$0x0] =	vst v6;
	(pc) =	sbr.rel @p0 .LBB2_2-.Ltmp1, $4  }
0x7b: {  	s2 =	sadd.s32 s14, s5;
	s5 =	smov.u32 s9;
	v5 =	vshll.u32 v10, $0x2;
	v10 =	vshll.u32 v10, $0x1;
	[tilespmem:s22+$0x0] =	vst v11  }
0x7c: {  	v6 =	vor.u32 $0x2, v5;
	v11 =	vor.u32 $0x1, v10;
	v12 =	vmax.f32 v9, $0.0e+00;
	[tilespmem:s20+$0x0] =	vst v8  }
0x7d: {  	s19 =	sadd.s32 $0x10, s19;
	s18 =	sadd.s32 $0x10, s18;
	v8 =	vor.u32 $0x3, v5;
	v9 =	vor.u32 s2, v2  }
0x7e: {  	v13 =	vmax.f32 v13, $0.0e+00;
	s22 =	sadd.s32 $0x10, s22;
	s20 =	sadd.s32 $0x10, s20;
	s2 =	smov.u32 s8;
	vm0 =	vlt.s32 v9, $0x4E20  }
0x7f: {  	v14 =	vpop (erf)  }
0x80: {  	v7 =	vmul.f32 v14, v7;
	_ =	sdelay $0x1  }
0x81: {  	v12 =	vmul.f32 v12, v13;
	vm1 =	vge.f32 v7, $5.000000000e-01  }
0x82: {  	vm0 =	vmand vm0, vm1  }
0x83: {  	[tilespmem:s6+$0x0] =	vst v12;
	v7 =	vnsel vm0, $0xFF7FFFFF, v7  }
0x84: {  	[tilespmem:s7+$0x0] =	vst v7  }
0x85: {  	v11 =	vld.idx.msk [tilespmem:v11+s4+$0x0], $0xffff  }
0x86: {  	v10 =	vld.idx.msk [tilespmem:v10+s4+$0x0], $0xffff  }
0x87: {  	v12 =	vld.idx.msk [tilespmem:v6+s1+$0x0], $0xffff  }
0x88: {  	v50 =	vld.idx.msk [tilespmem:v8+s1+$0x0], $0xffff;
	_ =	sdelay $0x2  }
0x89: {  	v51 =	vmax.f32 v10, v11  }
0x8a: {  	v12 =	vmul.f32 $1.442695020e+00, v12;
	v10 =	vsub.f32 v10, v51  }
0x8b: {  	v13 =	vmul.f32 $1.442695020e+00, v50;
	v11 =	vsub.f32 v11, v51  }
0x8c: {  	(erf) = vpow2.f32 v12;
	v10 =	vmul.f32 $1.442695020e+00, v10  }
0x8d: {  	v11 =	vmul.f32 $1.442695020e+00, v11;
	(erf) = vpow2.f32 v13  }
0x8e: {  	(erf) = vpow2.f32 v10  }
0x8f: {  	(erf) = vpow2.f32 v11;
	_ =	sdelay $0x5  }
0x90: {  	v52 =	vpop (erf)  }
0x91: {  	v53 =	vpop (erf)  }
0x92: {  	v54 =	vpop (erf)  }
0x93: {  	v55 =	vpop (erf)  }
0x94: {  	v12 =	vadd.f32 v55, v54;
	_ =	sdelay $0x1  }
0x95: {  	(erf) = vrcp.f32 v12;
	_ =	sdelay $0x8  }
0x96: {  	v12 =	vpop (erf)  }
0x97: {  	s2 =	sadd.s32 s14, s5;
	v12 =	vmul.f32 v12, v55  }
0x98: {  	v2 =	vor.u32 s2, v2  }
0x99: {  	vm0 =	vlt.s32 v2, $0x4E20;
	vm1 =	vge.f32 v12, $5.000000000e-01  }
0x9a: {  	vm0 =	vmand vm0, vm1  }
0x9b: {  	v56 =	vmax.f32 v3, v7;
	v12 =	vnsel vm0, $0xFF7FFFFF, v12  }
0x9c: {  	v57 =	vmax.f32 v56, v12  }
0x9d: {  	(xrf0) =	vmax.scan.msk.f32 $0xffff, v57;
	_ =	sdelay $0x5  }
0x9e: {  	vm0 =	vgt.f32 v7, v3;
	v3, _, _ =	vpop (xrf0)  }
0x9f: {  	v4 =	vsel vm0, v9, v4;
	vm0 =	vgt.f32 v12, v56;
	v7 =	vbroadcast v3, $0xF  }
0xa0: {  	v2 =	vsel vm0, v2, v4  }
0xa1: {  	v2 =	vxor.u32 $0x80000000, v2;
	vm0 =	veq.f32 v57, v7  }
0xa2: {  	v2 =	vnsel vm0, $0xC0000000, v2  }
0xa3: {  	(xrf0) =	vmin.scan.msk.u32 $0xffff, v2  }
0xa4: {  	v2 =	vor.u32 $0x1, v5;
	_ =	sdelay $0x1  }
0xa5: {  	v6 =	vld.idx.msk [tilespmem:v6+s0+$0x0], $0xffff  }
0xa6: {  	v58 =	vld.idx.msk [tilespmem:v5+s0+$0x0], $0xffff  }
0xa7: {  	v4 =	vld.idx.msk [tilespmem:v8+s0+$0x0], $0xffff  }
0xa8: {  	(v2sf) =	vpush v3, $0xF;
	v59 =	vld.idx.msk [tilespmem:v2+s0+$0x0], $0xffff;
	v3, _, _ =	vpop (xrf0)  }
0xa9: {  	(v2sf) =	vpush v3, $0xF;
	_ =	sdelay $0x1  }
0xaa: {  	v3 =	vld.idx.msk [tilespmem:v5+s1+$0x0], $0xffff  }
0xab: {  	v2 =	vld.idx.msk [tilespmem:v2+s1+$0x0], $0xffff;
	v5 =	vsub.f32 v6, v58  }
0xac: {  	v4 =	vsub.f32 v4, v59  }
0xad: {  	v6 =	vmul.f32 $5.000000000e-01, v5  }
0xae: {  	v60 =	vmul.f32 $5.000000000e-01, v4  }
0xaf: {  	v6 =	vadd.f32 v6, v58;
	v3 =	vmul.f32 v3, v5;
	v5 =	vmul.f32 v52, v5  }
0xb0: {  	v2 =	vmul.f32 v2, v4;
	v4 =	vmul.f32 v53, v4;
	v61 =	vadd.f32 v60, v59  }
0xb1: {  	v3 =	vadd.f32 v3, v6;
	v5 =	vmul.f32 $5.000000000e-01, v5  }
0xb2: {  	v4 =	vmul.f32 $5.000000000e-01, v4;
	v2 =	vadd.f32 v2, v61  }
0xb3: {  	v6 =	vsub.f32 v3, v5;
	v3 =	vadd.f32 v5, v3  }
0xb4: {  	v5 =	vsub.f32 v2, v4;
	v2 =	vadd.f32 v4, v2  }
0xb5: {  	v4 =	vmax.f32 v6, $0.0e+00;
	v3 =	vmax.f32 v3, $0.0e+00  }
0xb6: {  	s5 =	spop (v2sf);
	v4 =	vmin.f32 v4, $6.390000000e+02;
	v5 =	vmax.f32 v5, $0.0e+00;
	v2 =	vmax.f32 v2, $0.0e+00  }
0xb7: {  	v3 =	vmin.f32 v3, $6.390000000e+02;
	v5 =	vmin.f32 v5, $3.830000000e+02;
	v2 =	vmin.f32 v2, $3.830000000e+02;
	s13 =	spop (v2sf)  }
0xb8: {  	s16 =	sadd.s32 $0x10, s16;
	v6 =	vsub.f32 v3, v4;
	v62 =	vsub.f32 v2, v5;
	s21 =	sxor.u32 $0x80000000, s13  }
0xb9: {  	s17 =	sadd.s32 $0x10, s17;
	[tilespmem:s16+$0x0] =	vst v4;
	s23 =	ssub.s32 s21, s14  }
0xba: {  	[tilespmem:s17+$0x0] =	vst v5;
	v5 =	vmax.f32 v6, $0.0e+00;
	v4 =	vmax.f32 v62, $0.0e+00;
	v6 =	vmov s23  }
0xbb: {  	[tilespmem:s22+$0x0] =	vst v3;
	v3 =	vmul.f32 v4, v5  }
0xbc: {  	[tilespmem:s20+$0x0] =	vst v2  }
0xbd: {  	[tilespmem:s19+$0x0] =	vst v3  }
0xbe: {  	s16 =	simm.s32 $0x3200;
	[tilespmem:s18+$0x0] =	vst v12  }
0xbf: {  	s17 =	simm.s32 $0x3700;
	v3 =	vld.idx.msk [tilespmem:v6+s16+$0x0], $0xffff  }
0xc0: {  	s18 =	simm.s32 $0x3C00;
	v4 =	vld.idx.msk [tilespmem:v6+s17+$0x0], $0xffff  }
0xc1: {  	s19 =	simm.s32 $0x4100;
	v5 =	vld.idx.msk [tilespmem:v6+s18+$0x0], $0xffff  }
0xc2: {  	s20 =	simm.s32 $0x4600;
	v63 =	vld.idx.msk [tilespmem:v6+s19+$0x0], $0xffff  }
0xc3: {  	v6 =	vld.idx.msk [tilespmem:v6+s20+$0x0], $0xffff  }
0xc4: {  	(v2sf) =	vpush v3, $0x0  }
0xc5: {  	(v2sf) =	vpush v4, $0x0  }
0xc6: {  	(v2sf) =	vpush v5, $0x0  }
0xc7: {  	(v2sf) =	vpush v63, $0x0  }
0xc8: {  	(v2sf) =	vpush v6, $0x0  }
0xc9: {  	vm0 =	vmmov $0x1;
	s24 =	scvt.s32.f32 s21;
	v2 =	vlaneseq.u32  }
0xca: {  	v7 =	vnsel vm0, $0x0, v7;
	vm1 =	veq.s32 v2, $0x1;
	v3 =	vbroadcast v3, $0x0  }
0xcb: {  	v7 =	vsel vm1, s24, v7;
	vm1 =	vcmask $0xB08;
	v4 =	vbroadcast v4, $0x0  }
0xcc: {  	v3 =	vsel vm1, v3, v7;
	vm1 =	vcmask $0xB1C;
	v5 =	vbroadcast v5, $0x0  }
0xcd: {  	v3 =	vsel vm1, v3, v4;
	vm1 =	vcmask $0xF1C;
	v4 =	vbroadcast v63, $0x0  }
0xce: {  	v3 =	vsel vm1, v3, v5;
	vm1 =	vcmask $0x131C;
	v5 =	vbroadcast v6, $0x0  }
0xcf: {  	v3 =	vsel vm1, v3, v4;
	vm1 =	vcmask $0x171C  }
0xd0: {  	v3 =	vsel vm1, v3, v5  }
0xd1: {  	s25 =	simm.s32 $0x5380;
	[tilespmem:$0x5380] =	vst v3  }
0xd2: {  	[spmem:s15] =	stream.linear.scatter [tilespmem:s25], [sflag:$0x2], $0x10, $0x38;
	[tilespmem:$0xA9A0] =	vst v63  }
0xd3: {  	s6 =	spop (v2sf)  }
0xd4: {  	s7 =	spop (v2sf)  }
0xd5: {  	s8 =	spop (v2sf)  }
0xd6: {  	s9 =	spop (v2sf)  }
0xd7: {  	s26 =	simm.s32 $0x2;
	s10 =	spop (v2sf)  }
0xd8: {  	_ =	swait.ge [sflag:s26], $0x10  }
0xd9: {  	p1 =	por $0x0, $0x0;
	p0 =	sne.s32 s11, $0x0;
	[sflag:s26] =	ssyncset.done $0x0  }
0xda: {  	s28 =	simm.s32 $0x5000;
	s29 =	simm.s32 $0x5080;
	[sflag:s26] =	ssyncadd.s32 $0xFFFFFFF0  }
.Ltmp2:
0xdb: {  	s30 =	simm.s32 $0x5100;
	s31 =	simm.s32 $0x5180;
	[tilespmem:$0x5380] =	vst v3;
	(pc) =	sbr.rel .LBB2_4-.Ltmp2, $4  }
0xdc: {  	[spmem:s3] =	stream.linear.scatter [tilespmem:s25], [sflag:$0x2], $0x10, $0x38;
	[tilespmem:$0xA9A0] =	vst v63  }
0xdd: {  	s0 =	simm.s32 $0x4B00;
	s1 =	simm.s32 $0x5200;
	v3 =	vmul.u32 $0x10, v2;
	_ =	swait.ge [sflag:s26], $0x10  }
0xde: {  	s22 =	simm.s32 $0x0;
	s25 =	simm.s32 $0x5280;
	[sflag:s26] =	ssyncset.done $0x0  }
0xdf: {  	vm1 =	vmxor vm1, vm1;
	v5 =	vimm.f32 $0.0e+00;
	s3 =	simm.s32 $0x5400;
	v4 =	vor.u32 $0x1, v3;
	[sflag:s26] =	ssyncadd.s32 $0xFFFFFFF0;
	s26 =	simm.s32 $0x3  }
.LBB2_10:
0xe0: {  	p1 =	por p1, p2  }
0xe1: {  	s2 =	scvt.s32.f32 @p1 s21;
	v6 =	vmov @p1 s5;
	vm2 =	vcmask @p1 $0x300  }
0xe2: {  	v6 =	vnsel @p1 vm2, $0x0, v6;
	vm2 =	vcmask @p1 $0x704  }
0xe3: {  	v6 =	vsel @p1 vm2, s2, v6;
	vm2 =	vcmask @p1 $0xB08  }
0xe4: {  	v6 =	vsel @p1 vm2, s6, v6;
	vm2 =	vcmask @p1 $0xF0C  }
0xe5: {  	v6 =	vsel @p1 vm2, s7, v6;
	vm2 =	vcmask @p1 $0x1310  }
0xe6: {  	v6 =	vsel @p1 vm2, s8, v6;
	vm2 =	vcmask @p1 $0x1714  }
0xe7: {  	v6 =	vsel @p1 vm2, s9, v6;
	vm2 =	vcmask @p1 $0x1B18  }
0xe8: {  	s22 =	sadd.s32 $0x1, s22;
	s2 =	sxor.u32 @p1 $0x80, s4;
	v6 =	vsel @p1 vm2, s10, v6  }
0xe9: {  	p3 =	sne.s32 s22, $0x64;
	s4 =	simm.s32 @p1 $0x5380;
	s2 =	sadd.s32 @p1 s2, s15;
	[tilespmem:$0x5380] =	vst @p1 v6  }
0xea: {  	[spmem:s2] =	stream.linear.scatter @p1 [tilespmem:s4], [sflag:$0x2], $0x10, $0x38;
	[tilespmem:$0xA9A0] =	vst v63  }
.Ltmp3:
0xeb: {  	_ = 	snop;
	(pc) =	sbr.rel @!p3 .LBB2_11-.Ltmp3, $4  }
0xec: {  	s2 =	simm.s32 @p1 $0x2  }
0xed: {  	_ =	swait.ge @p1 [sflag:s2], $0x10  }
0xee: {  	[sflag:s2] =	ssyncset.done @p1 $0x0  }
0xef: {  	s12 =	smov.u32 s24;
	[sflag:s2] =	ssyncadd.s32 @p1 $0xFFFFFFF0;
	p1 =	por p2, p2  }
.LBB2_4:
0xf0: {  	s2 =	sshll.u32 s22, $0x7  }
0xf1: {  	[bflag:$0x0] =	sbarrier.arrive $0xFFFF;
	s4 =	sand.u32 $0x80, s2  }
0xf2: {  	s11 =	simm.s32 $0x80;
	s13 =	simm.s32 $0x100;
	s2 =	sadd.s32 s4, s12  }
0xf3: {  	[tilespmem:s25], [sflag:$0x3] =	stream.strided.gather [spmem:s2], $0x100, s13, s11, $0x38;
	[tilespmem:$0xA9A0] =	vst v63  }
0xf4: {  	_ =	swait.ge [sflag:s26], $0x100  }
0xf5: {  	[sflag:s26] =	ssyncset.done $0x0  }
0xf6: {  	[sflag:s26] =	ssyncadd.s32 $0xFFFFFF00  }
0xf7: {  	v6 =	vld.idx.msk [tilespmem:v3+s25+$0x0], $0xffff;
	_ =	sdelay $0x4  }
0xf8: {  	(xrf0) =	vmax.scan.msk.f32 $0xffff, v6  }
0xf9: {  	v7 =	vld.idx.msk [tilespmem:v4+s25+$0x0], $0xffff;
	_ =	sdelay $0x4  }
0xfa: {  	v7 =	vtrunc.f32 v7;
	v8, _, _ =	vpop (xrf0)  }
0xfb: {  	v7 =	vcvt.f32.s32 v7;
	v9 =	vbroadcast v8, $0xF;
	_ =	sdelay $0x1  }
0xfc: {  	vm2 =	veq.f32 v6, v9;
	v6 =	vxor.u32 $0x80000000, v7  }
0xfd: {  	v6 =	vnsel vm2, $0xC0000000, v6  }
0xfe: {  	(xrf0) =	vmin.scan.msk.u32 $0xffff, v6;
	_ =	sdelay $0x5  }
0xff: {  	(v2sf) =	vpush v8, $0xF;
	v6, _, _ =	vpop (xrf0)  }
0x100: {  	(v2sf) =	vpush v6, $0xF;
	_ =	sdelay $0xd  }
0x101: {  	s11 =	spop (v2sf)  }
0x102: {  	s2 =	spop (v2sf)  }
0x103: {  	s13 =	sxor.u32 $0x80000000, s2  }
0x104: {  	s24 =	smov.u32 s12;
	s12 =	smulhi.u32 $0x66666667, s13;
	s23 =	sshra.s32 s13, $0x1F  }
0x105: {  	s23 =	smul.u32 $0x66666667, s23;
	_ =	sdelay $0x1  }
0x106: {  	s12 =	sadd.s32 s23, s12  }
0x107: {  	s23 =	sshrl.u32 s12, $0x1F;
	s12 =	sshra.s32 s12, $0x9  }
0x108: {  	s12 =	sadd.s32 s23, s12  }
0x109: {  	s23 =	smul.u32 $0xFFFFFB00, s12  }
0x10a: {  	p3 =	sgt.s32 s2, $0xFFFFFFFF;
	p2 =	slt.s32 s13, $0x1;
	s2 =	ssub.s32 $0x0, s13  }
0x10b: {  	p2 =	por p3, p2;
	p5 =	sne.s32 s23, s2  }
0x10c: {  	p2 =	por !p2, !p5  }
0x10d: {  	s2 =	simm.s32 $0x1;
	p2 =	por !p2, !p2  }
0x10e: {  	s2 =	simm.s32 @!p2 $0x0  }
0x10f: {  	s2 =	ssub.s32 s12, s2  }
0x110: {  	s2 =	sshll.u32 s2, $0x4  }
0x111: {  	v6 =	vld [tilespmem:s2+$0x5280];
	_ =	sdelay $0x4  }
0x112: {  	v7 =	vbroadcast v6, $0x2;
	v8 =	vbroadcast v6, $0x3  }
0x113: {  	v59 =	vbroadcast v6, $0x4;
	v10 =	vbroadcast v6, $0x5  }
0x114: {  	v11 =	vmax.f32 v7, s6  }
0x115: {  	v12 =	vmax.f32 v8, s7;
	v13 =	vmin.f32 v59, s8;
	v14 =	vmin.f32 v10, s9  }
0x116: {  	v11 =	vsub.f32 v13, v11;
	v12 =	vsub.f32 v14, v12  }
0x117: {  	v13 =	vbroadcast v6, $0x6  }
0x118: {  	v6 =	vmax.f32 v11, $0.0e+00;
	v60 =	vmax.f32 v12, $0.0e+00  }
0x119: {  	v61 =	vadd.f32 s10, v13;
	v6 =	vmul.f32 v60, v6;
	_ =	sdelay $0x1  }
0x11a: {  	v11 =	vsub.f32 v61, v6;
	_ =	sdelay $0x1  }
0x11b: {  	v11 =	vadd.f32 $9.999999930e-09, v11;
	_ =	sdelay $0x1  }
0x11c: {  	(erf) = vrcp.f32 v11;
	_ =	sdelay $0x8  }
0x11d: {  	v11 =	vpop (erf)  }
0x11e: {  	v6 =	vmul.f32 v11, v6;
	_ =	sdelay $0x1  }
0x11f: {  	(v2sf) =	vpush v6, $0x0;
	_ =	sdelay $0x3  }
0x120: {  	p2 =	sge.f32 s11, $5.000000000e-01  }
0x121: {  	vm2 =	vmmov vm1  }
0x122: {  	vm2 =	vmneg @p2 vm2  }
0x123: {  	vm2 =	vmand vm2, vm0  }
0x124: {  	v6 =	vmov s22;
	_ =	sdelay $0x4  }
0x125: {  	s2 =	sor.u32 @!p0 $0x2, s2;
	[tilespmem:v6+s28+$0x0] =	vst.idx.msk vm2, v7;
	v7 =	vlaneseq.u32 @!p0  }
0x126: {  	[tilespmem:v6+s29+$0x0] =	vst.idx.msk vm2, v8;
	v8 =	vadd.s32 @!p0 s2, v7  }
0x127: {  	s2 =	smov.u32 s13;
	[tilespmem:v6+s30+$0x0] =	vst.idx.msk vm2, v59;
	s23 =	spop (v2sf)  }
0x128: {  	s2 =	simm.s32 @!p2 $0xFFFFFFFF;
	[tilespmem:v6+s31+$0x0] =	vst.idx.msk vm2, v10;
	p6 =	sgt.f32 s23, $5.000000000e-01  }
0x129: {  	p4 =	seq.s32 s21, s13;
	v62 =	vmov s2;
	[tilespmem:v6+s1+$0x0] =	vst.idx.msk vm2, v13  }
0x12a: {  	s2 =	simm.s32 @!p0 $0x5280;
	[tilespmem:v6+s3+$0x0] =	vst.idx.msk $0x1, v62;
	p3 =	por p4, p6  }
0x12b: {  	v9 =	vshll.u32 @!p0 v6, $0x7;
	v8 =	vld.idx.msk @!p0 [tilespmem:v8+s2+$0x0], $0xffff;
	p2 =	por !p2, !p3  }
0x12c: {  	v7 =	vor.u32 @!p0 v7, v9;
	vm2 =	vmmov vm1;
	p2 =	por !p2, !p2  }
0x12d: {  	p3 =	sge.f32 @!p0 s11, $5.000000000e-01;
	vm2 =	vmneg @p2 vm2  }
0x12e: {  	s23 =	ssub.s32 s21, s14;
	vm2 =	vmand vm2, vm0  }
0x12f: {  	s12 =	simm.s32 @!p0 $0x1;
	v63 =	vmov s23;
	p3 =	por !p3, p0  }
.Ltmp4:
0x130: {  	s2 =	simm.s32 @!p0 $0x5480;
	v8 =	vpsel p3, $0x0, v8;
	s11 =	simm.s32 @p3 $0x0;
	(pc) =	sbr.rel @!p2 .LBB2_10-.Ltmp4, $4  }
0x131: {  	s12 =	simm.s32 @p3 $0x0;
	[tilespmem:v7+s2+$0x0] =	vst.idx.msk @!p0 $0xf, v8;
	v7 =	vmov @!p0 s11;
	s2 =	simm.s32 @!p0 $0x8C80  }
0x132: {  	[tilespmem:v6+s2+$0x0] =	vst.idx.msk @!p0 $0x1, v7;
	v7 =	vmov @!p0 s12;
	s2 =	simm.s32 @!p0 $0x8D00  }
0x133: {  	v14 =	vimm.f32 $-3.402823470e+38;
	[tilespmem:v6+s2+$0x0] =	vst.idx.msk @!p0 $0x1, v7  }
0x134: {  	v12 =	vimm.s32 $0x0;
	s2 =	simm.s32 $0x0;
	[tilespmem:v63+s0+$0x0] =	vst.idx.msk vm2, v14  }
.LBB2_5:
0x135: {  	s5 =	sshll.u32 s2, $0x4  }
0x136: {  	s2 =	sadd.s32 $0x1, s2;
	v7 =	vld [tilespmem:s5+$0x4B00]  }
0x137: {  	p3 =	sne.s32 s2, $0x50  }
.Ltmp5:
0x138: {  	_ = 	snop;
	(pc) =	sbr.rel @p3 .LBB2_5-.Ltmp5, $4  }
0x139: {  	_ = 	snop  }
0x13a: {  	s5 =	sadd.s32 s14, s5  }
0x13b: {  	v8 =	vor.u32 s5, v2;
	vm2 =	vgt.f32 v7, v14  }
0x13c: {  	v14 =	vmax.f32 v14, v7;
	v12 =	vsel vm2, v8, v12  }
0x13d: {  	(xrf0) =	vmax.scan.msk.f32 $0xffff, v14;
	_ =	sdelay $0x5  }
0x13e: {  	v7, _, _ =	vpop (xrf0)  }
0x13f: {  	v8 =	vbroadcast v7, $0xF;
	_ =	sdelay $0x1  }
0x140: {  	vm2 =	veq.f32 v14, v8;
	v8 =	vxor.u32 $0x80000000, v12  }
0x141: {  	v8 =	vnsel vm2, $0xC0000000, v8  }
0x142: {  	(xrf0) =	vmin.scan.msk.u32 $0xffff, v8;
	_ =	sdelay $0x5  }
0x143: {  	v8, _, _ =	vpop (xrf0)  }
0x144: {  	(v2sf) =	vpush v8, $0xF;
	_ =	sdelay $0xe  }
0x145: {  	s2 =	spop (v2sf)  }
0x146: {  	s21 =	sxor.u32 $0x80000000, s2  }
0x147: {  	s2 =	ssub.s32 s21, s14  }
0x148: {  	v12 =	vmov s2;
	_ =	sdelay $0x1  }
0x149: {  	s23 =	simm.s32 $0x5000  }
0x14a: {  	s5 =	simm.s32 $0x5080;
	v18 =	vld [tilespmem:s23+$0x0]  }
0x14b: {  	v19 =	vld [tilespmem:s5+$0x0]  }
0x14c: {  	v8 =	vld.idx.msk [tilespmem:v12+s16+$0x0], $0xffff  }
0x14d: {  	v9 =	vld.idx.msk [tilespmem:v12+s17+$0x0], $0xffff  }
0x14e: {  	v10 =	vld.idx.msk [tilespmem:v12+s18+$0x0], $0xffff  }
0x14f: {  	s6 =	simm.s32 $0x5100;
	v11 =	vld.idx.msk [tilespmem:v12+s19+$0x0], $0xffff  }
0x150: {  	s7 =	simm.s32 $0x5180;
	v20 =	vld [tilespmem:s6+$0x0]  }
0x151: {  	v21 =	vld [tilespmem:s7+$0x0];
	_ =	sdelay $0x1  }
0x152: {  	v13 =	vld.idx.msk [tilespmem:v12+s20+$0x0], $0xffff;
	v17 =	vbroadcast v8, $0x0;
	v14 =	vbroadcast v9, $0x0  }
0x153: {  	s8 =	simm.s32 $0x5200;
	v15 =	vbroadcast v10, $0x0;
	v16 =	vbroadcast v11, $0x0  }
0x154: {  	v22 =	vld [tilespmem:s8+$0x0];
	v18 =	vmax.f32 v18, v17  }
0x155: {  	s10 =	simm.s32 $0x5090;
	v19 =	vmax.f32 v19, v14;
	v20 =	vmin.f32 v20, v15;
	v21 =	vmin.f32 v21, v16  }
0x156: {  	s11 =	simm.s32 $0x5110;
	v23 =	vld [tilespmem:s10+$0x0];
	v20 =	vsub.f32 v20, v18;
	v19 =	vsub.f32 v21, v19  }
0x157: {  	s9 =	simm.s32 $0x5010;
	v24 =	vld [tilespmem:s11+$0x0];
	v18 =	vbroadcast v13, $0x0  }
0x158: {  	s12 =	simm.s32 $0x5190;
	v21 =	vld [tilespmem:s9+$0x0];
	v20 =	vmax.f32 v20, $0.0e+00;
	v19 =	vmax.f32 v19, $0.0e+00  }
0x159: {  	v19 =	vmul.f32 v19, v20;
	v20 =	vadd.f32 v22, v18;
	v22 =	vld [tilespmem:s12+$0x0];
	_ =	sdelay $0x2  }
0x15a: {  	s13 =	simm.s32 $0x5210  }
0x15b: {  	v25 =	vld [tilespmem:s13+$0x0];
	v24 =	vmin.f32 v24, v15;
	v20 =	vsub.f32 v20, v19;
	v21 =	vmax.f32 v21, v17  }
0x15c: {  	v23 =	vmax.f32 v23, v14;
	v21 =	vsub.f32 v24, v21;
	v22 =	vmin.f32 v22, v16  }
0x15d: {  	v20 =	vadd.f32 $9.999999930e-09, v20;
	v22 =	vsub.f32 v22, v23;
	_ =	sdelay $0x1  }
0x15e: {  	(erf) = vrcp.f32 v20;
	v20 =	vmax.f32 v21, $0.0e+00;
	v21 =	vmax.f32 v22, $0.0e+00  }
0x15f: {  	v20 =	vmul.f32 v21, v20;
	v21 =	vadd.f32 v25, v18;
	_ =	sdelay $0x1  }
0x160: {  	s6 =	simm.s32 $0x5120;
	v21 =	vsub.f32 v21, v20  }
0x161: {  	s23 =	simm.s32 $0x5020;
	v24 =	vld [tilespmem:s6+$0x0]  }
0x162: {  	s5 =	simm.s32 $0x50A0;
	v22 =	vld [tilespmem:s23+$0x0];
	v21 =	vadd.f32 $9.999999930e-09, v21  }
0x163: {  	s7 =	simm.s32 $0x51A0;
	v23 =	vld [tilespmem:s5+$0x0]  }
0x164: {  	v25 =	vld [tilespmem:s7+$0x0];
	(erf) = vrcp.f32 v21;
	_ =	sdelay $0x1  }
0x165: {  	s8 =	simm.s32 $0x5220  }
0x166: {  	s10 =	simm.s32 $0x50B0;
	s11 =	simm.s32 $0x0;
	v26 =	vld [tilespmem:s8+$0x0];
	v24 =	vmin.f32 v24, v15;
	v22 =	vmax.f32 v22, v17  }
0x167: {  	s13 =	simm.s32 $0x51B0;
	v27 =	vld [tilespmem:s10+$0x0];
	v23 =	vmax.f32 v23, v14;
	v22 =	vsub.f32 v24, v22;
	v24 =	vor.u32 s11, v2;
	v21 =	vpop (erf)  }
0x168: {  	s12 =	simm.s32 $0x5130;
	v25 =	vmin.f32 v25, v16;
	vm2 =	vle.u32 v24, v6;
	v24 =	vld [tilespmem:s13+$0x0];
	v19 =	vmul.f32 v21, v19  }
0x169: {  	s9 =	simm.s32 $0x5030;
	v23 =	vsub.f32 v25, v23;
	v25 =	vld [tilespmem:s12+$0x0]  }
0x16a: {  	v21 =	vld [tilespmem:s9+$0x0];
	vm3 =	vgt.f32 v19, $5.000000000e-01  }
0x16b: {  	v19 =	vmax.f32 v22, $0.0e+00;
	v22 =	vmax.f32 v23, $0.0e+00;
	vm2 =	vmand vm2, vm3  }
0x16c: {  	v19 =	vmul.f32 v22, v19;
	v22 =	vadd.f32 v26, v18;
	v23 =	vsel vm2, $0x3F800000, v5;
	v26 =	vpop (erf)  }
0x16d: {  	v24 =	vmin.f32 v24, v16;
	(xrf0) =	vmax.scan.msk.f32 $0xffff, v23;
	v20 =	vmul.f32 v26, v20;
	v26 =	vmax.f32 v27, v14  }
0x16e: {  	v24 =	vsub.f32 v24, v26  }
0x16f: {  	v25 =	vmin.f32 v25, v15;
	v21 =	vmax.f32 v21, v17  }
0x170: {  	v22 =	vsub.f32 v22, v19;
	v25 =	vsub.f32 v25, v21;
	v24 =	vmax.f32 v24, $0.0e+00;
	_ =	sdelay $0x1  }
0x171: {  	v26 =	vadd.f32 $9.999999930e-09, v22;
	vm3 =	vgt.f32 v20, $5.000000000e-01;
	v20 =	vmax.f32 v25, $0.0e+00  }
0x172: {  	s5 =	simm.s32 $0x5230;
	s23 =	simm.s32 $0x10;
	v20 =	vmul.f32 v24, v20;
	v24, _, _ =	vpop (xrf0)  }
0x173: {  	v23 =	vld [tilespmem:s5+$0x0];
	v27 =	vor.u32 s23, v2;
	(erf) = vrcp.f32 v26;
	(v2sf) =	vpush v24, $0xF  }
0x174: {  	vm2 =	vle.u32 v27, v6  }
0x175: {  	vm2 =	vmand vm2, vm3  }
0x176: {  	s9 =	simm.s32 $0x5040;
	v27 =	vsel vm2, $0x3F800000, v5  }
0x177: {  	s10 =	simm.s32 $0x50C0;
	v21 =	vld [tilespmem:s9+$0x0];
	(xrf0) =	vmax.scan.msk.f32 $0xffff, v27  }
0x178: {  	s11 =	simm.s32 $0x5140;
	v22 =	vld [tilespmem:s10+$0x0];
	v25 =	vadd.f32 v23, v18  }
0x179: {  	p3 =	por $0x0, $0x0;
	s8 =	simm.s32 $0x20;
	s2 =	simm.s32 $0x51C0;
	v23 =	vld [tilespmem:s11+$0x0]  }
0x17a: {  	s6 =	simm.s32 $0x40;
	s7 =	simm.s32 $0x30;
	s13 =	simm.s32 $0x50;
	v25 =	vsub.f32 v25, v20;
	v24 =	vld [tilespmem:s2+$0x0]  }
.LBB2_7:
0x17b: {  	p4 =	sne.s32 s13, $0x60  }
0x17c: {  	v26 =	vor.u32 s8, v2;
	s8 =	smov.u32 s7;
	s7 =	smov.u32 s6;
	s6 =	smov.u32 s13;
	v25 =	vadd.f32 $9.999999930e-09, v25;
	v27 =	vpop (erf)  }
0x17d: {  	s5 =	sadd.s32 $0x10, s5;
	v21 =	vmax.f32 v21, v17;
	vm2 =	vle.u32 v26, v6;
	v27 =	vmul.f32 v27, v19;
	v19, _, _ =	vpop (xrf0)  }
0x17e: {  	v22 =	vmax.f32 v22, v14;
	v26 =	vld [tilespmem:s5+$0x0];
	(erf) = vrcp.f32 v25;
	(v2sf) =	vpush v19, $0xF;
	v19 =	vmovc v20  }
0x17f: {  	v20 =	vmin.f32 v23, v15;
	v23 =	vmin.f32 v24, v16;
	vm3 =	vgt.f32 v27, $5.000000000e-01  }
0x180: {  	v20 =	vsub.f32 v20, v21;
	v22 =	vsub.f32 v23, v22;
	vm2 =	vmand vm2, vm3  }
.Ltmp6:
0x181: {  	s9 =	sadd.s32 $0x10, s9;
	v23 =	vsel vm2, $0x3F800000, v5;
	(pc) =	sbr.rel @p4 .LBB2_7-.Ltmp6, $4  }
0x182: {  	s10 =	sadd.s32 $0x10, s10;
	v20 =	vmax.f32 v20, $0.0e+00;
	v21 =	vld [tilespmem:s9+$0x0];
	v24 =	vmax.f32 v22, $0.0e+00;
	(xrf0) =	vmax.scan.msk.f32 $0xffff, v23;
	s12 =	spop (v2sf)  }
0x183: {  	s11 =	sadd.s32 $0x10, s11;
	v22 =	vld [tilespmem:s10+$0x0];
	v20 =	vmul.f32 v24, v20;
	v25 =	vadd.f32 v26, v18;
	p5 =	sgt.f32 s12, $0.0e+00  }
0x184: {  	s2 =	sadd.s32 $0x10, s2;
	v23 =	vld [tilespmem:s11+$0x0]  }
0x185: {  	s13 =	sadd.s32 $0x10, s13;
	v24 =	vld [tilespmem:s2+$0x0];
	v25 =	vsub.f32 v25, v20;
	p3 =	por p3, p5  }
0x186: {  	_ =	sdelay $0x1  }
0x187: {  	s2 =	sadd.s32 $0x10, s5  }
0x188: {  	v17 =	vmax.f32 v21, v17;
	v57 =	vld [tilespmem:s2+$0x0]  }
0x189: {  	v14 =	vmax.f32 v22, v14;
	v15 =	vmin.f32 v23, v15;
	v16 =	vmin.f32 v24, v16  }
0x18a: {  	v15 =	vsub.f32 v15, v17;
	v14 =	vsub.f32 v16, v14;
	_ =	sdelay $0x1  }
0x18b: {  	v15 =	vmax.f32 v15, $0.0e+00;
	v14 =	vmax.f32 v14, $0.0e+00  }
0x18c: {  	v14 =	vmul.f32 v14, v15;
	v15 =	vadd.f32 v57, v18;
	_ =	sdelay $0x1  }
0x18d: {  	v15 =	vsub.f32 v15, v14  }
0x18e: {  	v58 =	vadd.f32 $9.999999930e-09, v25  }
0x18f: {  	v15 =	vadd.f32 $9.999999930e-09, v15  }
0x190: {  	(erf) = vrcp.f32 v58  }
0x191: {  	(erf) = vrcp.f32 v15;
	_ =	sdelay $0x4  }
0x192: {  	v15 =	vpop (erf)  }
0x193: {  	v15 =	vmul.f32 v15, v19  }
0x194: {  	v59 =	vor.u32 s8, v2  }
0x195: {  	vm2 =	vle.u32 v59, v6;
	v60 =	vpop (erf);
	vm3 =	vgt.f32 v15, $5.000000000e-01  }
0x196: {  	v15 =	vmul.f32 v60, v20;
	vm2 =	vmand vm2, vm3;
	v61 =	vpop (erf)  }
0x197: {  	v63 =	vor.u32 s7, v2;
	v62 =	vsel vm2, $0x3F800000, v5;
	v14 =	vmul.f32 v61, v14  }
0x198: {  	vm2 =	vle.u32 v63, v6;
	vm3 =	vgt.f32 v15, $5.000000000e-01;
	v15 =	vor.u32 s6, v2  }
0x199: {  	vm2 =	vmand vm2, vm3;
	vm3 =	vle.u32 v15, v6;
	vm4 =	vgt.f32 v14, $5.000000000e-01  }
0x19a: {  	(xrf0) =	vmax.scan.msk.f32 $0xffff, v62;
	v14 =	vsel vm2, $0x3F800000, v5;
	vm2 =	vmand vm3, vm4  }
0x19b: {  	(xrf0) =	vmax.scan.msk.f32 $0xffff, v14;
	v14 =	vsel vm2, $0x3F800000, v5  }
0x19c: {  	(xrf0) =	vmax.scan.msk.f32 $0xffff, v14;
	_ =	sdelay $0x2  }
0x19d: {  	v14, _, _ =	vpop (xrf0)  }
0x19e: {  	v15, _, _ =	vpop (xrf0);
	(v2sf) =	vpush v14, $0xF  }
0x19f: {  	v14, _, _ =	vpop (xrf0);
	(v2sf) =	vpush v15, $0xF  }
0x1a0: {  	(v2sf) =	vpush v14, $0xF;
	v14, _, _ =	vpop (xrf0)  }
0x1a1: {  	(v2sf) =	vpush v14, $0xF;
	_ =	sdelay $0xa  }
0x1a2: {  	s10 =	spop (v2sf)  }
0x1a3: {  	p4 =	sgt.f32 s10, $0.0e+00;
	s11 =	spop (v2sf)  }
0x1a4: {  	s12 =	spop (v2sf);
	p5 =	sgt.f32 s11, $0.0e+00  }
0x1a5: {  	p3 =	por p3, p4;
	p6 =	sgt.f32 s12, $0.0e+00;
	s13 =	spop (v2sf)  }
0x1a6: {  	p3 =	por p3, p5;
	p5 =	sgt.f32 s13, $0.0e+00;
	s23 =	spop (v2sf)  }
0x1a7: {  	p3 =	por p3, p6;
	p6 =	sgt.f32 s23, $0.0e+00  }
0x1a8: {  	p3 =	por p3, p5  }
0x1a9: {  	vm2 =	vmmov vm1;
	p3 =	por p3, p6  }
0x1aa: {  	vm2 =	vmneg @p3 vm2  }
0x1ab: {  	vm2 =	vmand vm2, vm0;
	_ =	sdelay $0x1  }
.Ltmp7:
0x1ac: {  	_ = 	snop;
	(pc) =	sbr.rel @p3 .LBB2_5-.Ltmp7, $3  }
0x1ad: {  	_ =	sdelay $0x1  }
0x1ae: {  	v14 =	vimm.f32 $-3.402823470e+38  }
0x1af: {  	s2 =	simm.s32 $0x0;
	[tilespmem:v12+s0+$0x0] =	vst.idx.msk vm2, v14;
	v12 =	vimm.s32 $0x0  }
0x1b0: {  	(v2sf) =	vpush v7, $0xF  }
0x1b1: {  	(v2sf) =	vpush v8, $0x0  }
0x1b2: {  	(v2sf) =	vpush v9, $0x0  }
0x1b3: {  	(v2sf) =	vpush v10, $0x0  }
0x1b4: {  	(v2sf) =	vpush v11, $0x0  }
0x1b5: {  	(v2sf) =	vpush v13, $0x0;
	_ =	sdelay $0x9  }
0x1b6: {  	s5 =	spop (v2sf)  }
.Ltmp8:
0x1b7: {  	s6 =	spop (v2sf);
	(pc) =	sbr.rel .LBB2_10-.Ltmp8, $4  }
0x1b8: {  	s7 =	spop (v2sf)  }
0x1b9: {  	s8 =	spop (v2sf)  }
0x1ba: {  	s9 =	spop (v2sf)  }
0x1bb: {  	s10 =	spop (v2sf)  }
.LBB2_11:
0x1bc: {  	_ =	sdelay $0x2  }
0x1bd: {  	s0 =	simm.s32 $0x5400  }
0x1be: {  	v1 =	vld.idx.msk [tilespmem:v1+s0+$0x0], $0xffff;
	_ =	sdelay $0x4  }
0x1bf: {  	vm0 =	vgt.s32 v1, $0x0  }
0x1c0: {  	v2 =	vnsel vm0, $0x0, v1  }
0x1c1: {  	vm15 =	vlt.u32 v0, $0x64;
	v0 =	vmin.u32 v2, $0x4E1F  }
0x1c2: {  	v0 =	vnsel vm15, $0x0, v0  }
0x1c3: {  	(v2sf) =	vpush v0, $0x0;
	_ =	sdelay $0x5  }
0x1c4: {  	(v2sf) =	vpush v0, $0x1;
	_ =	sdelay $0x8  }
0x1c5: {  	s9 =	spop (v2sf);
	(v2sf) =	vpush v0, $0x2;
	_ =	sdelay $0x5  }
0x1c6: {  	s1 =	sshrl.u32 s9, $0x3;
	s12 =	spop (v2sf);
	(v2sf) =	vpush v0, $0x3  }
0x1c7: {  	s0 =	sshll.u32 s9, $0x7;
	s1 =	smul.u32 $0x1C00, s1  }
0x1c8: {  	s0 =	sand.u32 $0x380, s0  }
0x1c9: {  	s4 =	rddreg [dreg:$0xe];
	s0 =	sor.u32 s0, s1  }
0x1ca: {  	s10 =	simm.s32 $0x80;
	s11 =	simm.s32 $0x400;
	s0 =	sshrl.u32 s0, $0x3  }
0x1cb: {  	s3 =	simm.s32 $0x8D80;
	s13 =	sshrl.u32 s12, $0x3;
	s2 =	sadd.s32 s4, s0  }
0x1cc: {  	[tilespmem:s3], [sflag:$0x1] =	stream.strided.gather [hbm4b:s2+s10], $0x380, s11, s10, $0x38;
	[tilespmem:$0xA9A0] =	vst v63  }
0x1cd: {  	s3 =	smul.u32 $0x1C00, s13;
	s2 =	sshll.u32 s12, $0x7  }
0x1ce: {  	s2 =	sand.u32 $0x380, s2  }
0x1cf: {  	s2 =	sor.u32 s2, s3;
	s15 =	spop (v2sf);
	(v2sf) =	vpush v0, $0x4  }
0x1d0: {  	s2 =	sshrl.u32 s2, $0x3  }
0x1d1: {  	s14 =	simm.s32 $0x9100;
	s2 =	sadd.s32 s4, s2  }
0x1d2: {  	[tilespmem:s14], [sflag:$0x1] =	stream.strided.gather [hbm4b:s2+s10], $0x380, s11, s10, $0x38;
	[tilespmem:$0xA9A0] =	vst v63  }
0x1d3: {  	s16 =	sshrl.u32 s15, $0x3  }
0x1d4: {  	s2 =	sshll.u32 s15, $0x7;
	s3 =	smul.u32 $0x1C00, s16  }
0x1d5: {  	s18 =	spop (v2sf);
	(v2sf) =	vpush v0, $0x5;
	s2 =	sand.u32 $0x380, s2  }
0x1d6: {  	s2 =	sor.u32 s2, s3  }
0x1d7: {  	s2 =	sshrl.u32 s2, $0x3  }
0x1d8: {  	s17 =	simm.s32 $0x9480;
	s19 =	sshrl.u32 s18, $0x3;
	s2 =	sadd.s32 s4, s2  }
0x1d9: {  	[tilespmem:s17], [sflag:$0x1] =	stream.strided.gather [hbm4b:s2+s10], $0x380, s11, s10, $0x38;
	[tilespmem:$0xA9A0] =	vst v63  }
0x1da: {  	s3 =	smul.u32 $0x1C00, s19;
	s2 =	sshll.u32 s18, $0x7  }
0x1db: {  	s2 =	sand.u32 $0x380, s2  }
0x1dc: {  	s2 =	sor.u32 s2, s3  }
0x1dd: {  	s2 =	sshrl.u32 s2, $0x3  }
0x1de: {  	s20 =	simm.s32 $0x9800;
	s2 =	sadd.s32 s4, s2;
	s21 =	spop (v2sf);
	(v2sf) =	vpush v0, $0x6  }
0x1df: {  	[tilespmem:s20], [sflag:$0x1] =	stream.strided.gather [hbm4b:s2+s10], $0x380, s11, s10, $0x38;
	[tilespmem:$0xA9A0] =	vst v63  }
0x1e0: {  	s22 =	sshrl.u32 s21, $0x3  }
0x1e1: {  	s2 =	sshll.u32 s21, $0x7;
	s3 =	smul.u32 $0x1C00, s22  }
0x1e2: {  	s2 =	sand.u32 $0x380, s2  }
0x1e3: {  	s2 =	sor.u32 s2, s3  }
0x1e4: {  	s24 =	spop (v2sf);
	s2 =	sshrl.u32 s2, $0x3  }
0x1e5: {  	s23 =	simm.s32 $0x9B80;
	s25 =	sshrl.u32 s24, $0x3;
	s2 =	sadd.s32 s4, s2  }
0x1e6: {  	[tilespmem:s23], [sflag:$0x1] =	stream.strided.gather [hbm4b:s2+s10], $0x380, s11, s10, $0x38;
	[tilespmem:$0xA9A0] =	vst v63  }
0x1e7: {  	s3 =	smul.u32 $0x1C00, s25;
	s2 =	sshll.u32 s24, $0x7  }
0x1e8: {  	s2 =	sand.u32 $0x380, s2  }
0x1e9: {  	s2 =	sor.u32 s2, s3  }
0x1ea: {  	s2 =	sshrl.u32 s2, $0x3  }
0x1eb: {  	s26 =	simm.s32 $0x9F00;
	s2 =	sadd.s32 s4, s2  }
0x1ec: {  	[tilespmem:s26], [sflag:$0x1] =	stream.strided.gather [hbm4b:s2+s10], $0x380, s11, s10, $0x38;
	[tilespmem:$0xA9A0] =	vst v63  }
0x1ed: {  	s28 =	spop (v2sf)  }
0x1ee: {  	s29 =	sshrl.u32 s28, $0x3  }
0x1ef: {  	s2 =	sshll.u32 s28, $0x7;
	s3 =	smul.u32 $0x1C00, s29  }
0x1f0: {  	s2 =	sand.u32 $0x380, s2  }
0x1f1: {  	s2 =	sor.u32 s2, s3  }
0x1f2: {  	s2 =	sshrl.u32 s2, $0x3  }
0x1f3: {  	s30 =	simm.s32 $0xA280;
	s31 =	simm.s32 $0x1;
	s2 =	sadd.s32 s4, s2  }
0x1f4: {  	[tilespmem:s30], [sflag:$0x1] =	stream.strided.gather [hbm4b:s2+s10], $0x380, s11, s10, $0x38;
	[tilespmem:$0xA9A0] =	vst v63  }
0x1f5: {  	_ =	swait.ge [sflag:s31], $0x380  }
0x1f6: {  	[sflag:s31] =	ssyncset.done $0x0  }
0x1f7: {  	[sflag:s31] =	ssyncadd.s32 $0xFFFFFC80  }
0x1f8: {  	_ =	swait.ge [sflag:s31], $0x380  }
0x1f9: {  	[sflag:s31] =	ssyncset.done $0x0  }
0x1fa: {  	[sflag:s31] =	ssyncadd.s32 $0xFFFFFC80  }
0x1fb: {  	_ =	swait.ge [sflag:s31], $0x380  }
0x1fc: {  	[sflag:s31] =	ssyncset.done $0x0  }
0x1fd: {  	[sflag:s31] =	ssyncadd.s32 $0xFFFFFC80  }
0x1fe: {  	_ =	swait.ge [sflag:s31], $0x380  }
0x1ff: {  	[sflag:s31] =	ssyncset.done $0x0  }
0x200: {  	[sflag:s31] =	ssyncadd.s32 $0xFFFFFC80  }
0x201: {  	_ =	swait.ge [sflag:s31], $0x380  }
0x202: {  	[sflag:s31] =	ssyncset.done $0x0  }
0x203: {  	[sflag:s31] =	ssyncadd.s32 $0xFFFFFC80  }
0x204: {  	_ =	swait.ge [sflag:s31], $0x380  }
0x205: {  	[sflag:s31] =	ssyncset.done $0x0  }
0x206: {  	[sflag:s31] =	ssyncadd.s32 $0xFFFFFC80  }
0x207: {  	_ =	swait.ge [sflag:s31], $0x380  }
0x208: {  	vm1 =	vgt.s32 v1, $0xFFFFFFFF;
	[sflag:s31] =	ssyncset.done $0x0  }
0x209: {  	vm0 =	vmand vm15, vm1;
	s0 =	simm.s32 $0x0;
	v0 =	vimm.f32 $0.0e+00;
	[sflag:s31] =	ssyncadd.s32 $0xFFFFFC80  }
0x20a: {  	v0 =	vsel vm0, $0x3F800000, v0;
	v2 =	vld [tilespmem:s0+$0x8D80]  }
0x20b: {  	s1 =	simm.s32 $0x40;
	v1 =	vbroadcast v0, $0x0  }
.LBB2_12:
0x20c: {  	p0 =	sne.s32 s1, $0xC00  }
.Ltmp9:
0x20d: {  	_ = 	snop;
	(pc) =	sbr.rel @p0 .LBB2_12-.Ltmp9, $4  }
0x20e: {  	_ = 	snop  }
0x20f: {  	s2 =	sshra.s32 s1, $0x2;
	s1 =	sadd.s32 $0x40, s1;
	v3 =	vmul.f32 v2, v1  }
0x210: {  	v2 =	vld [tilespmem:s2+$0x8D80]  }
0x211: {  	[tilespmem:s0+$0xA600] =	vst v3;
	s0 =	smov.u32 s2  }
0x212: {  	_ =	sdelay $0x2  }
0x213: {  	v1 =	vmul.f32 v2, v1  }
0x214: {  	s30 =	simm.s32 $0x80;
	s1 =	simm.s32 $0x400  }
0x215: {  	s2 =	simm.s32 $0xA600;
	s3 =	rddreg [dreg:$0xd];
	s31 =	simm.s32 $0x2;
	[tilespmem:s0+$0xA600] =	vst v1  }
0x216: {  	[hbm4b:s3+s30] =	stream.strided.scatter [tilespmem:s2], [sflag:$0x2], $0x380, s1, s30, $0x38;
	[tilespmem:$0xA9A0] =	vst v63  }
0x217: {  	_ =	swait.ge [sflag:s31], $0x380  }
0x218: {  	[sflag:s31] =	ssyncset.done $0x0  }
0x219: {  	s0 =	simm.s32 $0x0;
	[sflag:s31] =	ssyncadd.s32 $0xFFFFFC80  }
0x21a: {  	v2 =	vld [tilespmem:s0+$0x9100];
	s3 =	rddreg [dreg:$0x2]  }
0x21b: {  	v1 =	vbroadcast v0, $0x1;
	s1 =	simm.s32 $0x40;
	s4 =	rddreg [dreg:$0x1]  }
.LBB2_14:
0x21c: {  	p0 =	sne.s32 s1, $0xC00  }
.Ltmp10:
0x21d: {  	_ = 	snop;
	(pc) =	sbr.rel @p0 .LBB2_14-.Ltmp10, $4  }
0x21e: {  	_ = 	snop  }
0x21f: {  	s2 =	sshra.s32 s1, $0x2;
	s1 =	sadd.s32 $0x40, s1;
	v3 =	vmul.f32 v2, v1  }
0x220: {  	v2 =	vld [tilespmem:s2+$0x9100]  }
0x221: {  	[tilespmem:s0+$0xA600] =	vst v3;
	s0 =	smov.u32 s2  }
0x222: {  	_ =	sdelay $0x2  }
0x223: {  	v1 =	vmul.f32 v2, v1  }
0x224: {  	s30 =	simm.s32 $0x80;
	s1 =	simm.s32 $0x400  }
0x225: {  	s2 =	simm.s32 $0xA600;
	s5 =	rddreg [dreg:$0xc];
	s31 =	simm.s32 $0x2;
	[tilespmem:s0+$0xA600] =	vst v1  }
0x226: {  	[hbm4b:s5+s30] =	stream.strided.scatter [tilespmem:s2], [sflag:$0x2], $0x380, s1, s30, $0x38;
	[tilespmem:$0xA9A0] =	vst v63  }
0x227: {  	_ =	swait.ge [sflag:s31], $0x380  }
0x228: {  	[sflag:s31] =	ssyncset.done $0x0  }
0x229: {  	s0 =	simm.s32 $0x0;
	[sflag:s31] =	ssyncadd.s32 $0xFFFFFC80  }
0x22a: {  	v2 =	vld [tilespmem:s0+$0x9480]  }
0x22b: {  	v1 =	vbroadcast v0, $0x2;
	s1 =	simm.s32 $0x40  }
.LBB2_16:
0x22c: {  	p0 =	sne.s32 s1, $0xC00  }
.Ltmp11:
0x22d: {  	_ = 	snop;
	(pc) =	sbr.rel @p0 .LBB2_16-.Ltmp11, $4  }
0x22e: {  	_ = 	snop  }
0x22f: {  	s2 =	sshra.s32 s1, $0x2;
	s1 =	sadd.s32 $0x40, s1;
	v3 =	vmul.f32 v2, v1  }
0x230: {  	v2 =	vld [tilespmem:s2+$0x9480]  }
0x231: {  	[tilespmem:s0+$0xA600] =	vst v3;
	s0 =	smov.u32 s2  }
0x232: {  	_ =	sdelay $0x2  }
0x233: {  	v1 =	vmul.f32 v2, v1  }
0x234: {  	s30 =	simm.s32 $0x80;
	s1 =	simm.s32 $0x400  }
0x235: {  	s2 =	simm.s32 $0xA600;
	s5 =	rddreg [dreg:$0xb];
	s31 =	simm.s32 $0x2;
	[tilespmem:s0+$0xA600] =	vst v1  }
0x236: {  	[hbm4b:s5+s30] =	stream.strided.scatter [tilespmem:s2], [sflag:$0x2], $0x380, s1, s30, $0x38;
	[tilespmem:$0xA9A0] =	vst v63  }
0x237: {  	_ =	swait.ge [sflag:s31], $0x380  }
0x238: {  	[sflag:s31] =	ssyncset.done $0x0  }
0x239: {  	s0 =	simm.s32 $0x0;
	[sflag:s31] =	ssyncadd.s32 $0xFFFFFC80  }
0x23a: {  	v2 =	vld [tilespmem:s0+$0x9800]  }
0x23b: {  	s11 =	stileid.u32;
	v1 =	vbroadcast v0, $0x3;
	s1 =	simm.s32 $0x40  }
.LBB2_18:
0x23c: {  	p0 =	sne.s32 s1, $0xC00  }
.Ltmp12:
0x23d: {  	_ = 	snop;
	(pc) =	sbr.rel @p0 .LBB2_18-.Ltmp12, $4  }
0x23e: {  	_ = 	snop  }
0x23f: {  	s2 =	sshra.s32 s1, $0x2;
	s1 =	sadd.s32 $0x40, s1;
	v3 =	vmul.f32 v2, v1  }
0x240: {  	v2 =	vld [tilespmem:s2+$0x9800]  }
0x241: {  	[tilespmem:s0+$0xA600] =	vst v3;
	s0 =	smov.u32 s2  }
0x242: {  	_ =	sdelay $0x2  }
0x243: {  	v1 =	vmul.f32 v2, v1  }
0x244: {  	s30 =	simm.s32 $0x80;
	s1 =	simm.s32 $0x400  }
0x245: {  	s2 =	simm.s32 $0xA600;
	s5 =	rddreg [dreg:$0xa];
	s31 =	simm.s32 $0x2;
	[tilespmem:s0+$0xA600] =	vst v1  }
0x246: {  	[hbm4b:s5+s30] =	stream.strided.scatter [tilespmem:s2], [sflag:$0x2], $0x380, s1, s30, $0x38;
	[tilespmem:$0xA9A0] =	vst v63  }
0x247: {  	_ =	swait.ge [sflag:s31], $0x380  }
0x248: {  	[sflag:s31] =	ssyncset.done $0x0  }
0x249: {  	s0 =	simm.s32 $0x0;
	[sflag:s31] =	ssyncadd.s32 $0xFFFFFC80  }
0x24a: {  	v2 =	vld [tilespmem:s0+$0x9B80]  }
0x24b: {  	v1 =	vbroadcast v0, $0x4;
	s1 =	simm.s32 $0x40  }
.LBB2_20:
0x24c: {  	p0 =	sne.s32 s1, $0xC00  }
.Ltmp13:
0x24d: {  	_ = 	snop;
	(pc) =	sbr.rel @p0 .LBB2_20-.Ltmp13, $4  }
0x24e: {  	_ = 	snop  }
0x24f: {  	s2 =	sshra.s32 s1, $0x2;
	s1 =	sadd.s32 $0x40, s1;
	v3 =	vmul.f32 v2, v1  }
0x250: {  	v2 =	vld [tilespmem:s2+$0x9B80]  }
0x251: {  	[tilespmem:s0+$0xA600] =	vst v3;
	s0 =	smov.u32 s2  }
0x252: {  	_ =	sdelay $0x2  }
0x253: {  	v1 =	vmul.f32 v2, v1  }
0x254: {  	s30 =	simm.s32 $0x80;
	s1 =	simm.s32 $0x400  }
0x255: {  	s2 =	simm.s32 $0xA600;
	s5 =	rddreg [dreg:$0x9];
	s31 =	simm.s32 $0x2;
	[tilespmem:s0+$0xA600] =	vst v1  }
0x256: {  	[hbm4b:s5+s30] =	stream.strided.scatter [tilespmem:s2], [sflag:$0x2], $0x380, s1, s30, $0x38;
	[tilespmem:$0xA9A0] =	vst v63  }
0x257: {  	_ =	swait.ge [sflag:s31], $0x380  }
0x258: {  	[sflag:s31] =	ssyncset.done $0x0  }
0x259: {  	s0 =	simm.s32 $0x0;
	[sflag:s31] =	ssyncadd.s32 $0xFFFFFC80  }
0x25a: {  	v2 =	vld [tilespmem:s0+$0x9F00]  }
0x25b: {  	v1 =	vbroadcast v0, $0x5;
	s1 =	simm.s32 $0x40  }
.LBB2_22:
0x25c: {  	p0 =	sne.s32 s1, $0xC00  }
.Ltmp14:
0x25d: {  	_ = 	snop;
	(pc) =	sbr.rel @p0 .LBB2_22-.Ltmp14, $4  }
0x25e: {  	_ = 	snop  }
0x25f: {  	s2 =	sshra.s32 s1, $0x2;
	s1 =	sadd.s32 $0x40, s1;
	v3 =	vmul.f32 v2, v1  }
0x260: {  	v2 =	vld [tilespmem:s2+$0x9F00]  }
0x261: {  	[tilespmem:s0+$0xA600] =	vst v3;
	s0 =	smov.u32 s2  }
0x262: {  	_ =	sdelay $0x2  }
0x263: {  	v1 =	vmul.f32 v2, v1  }
0x264: {  	s30 =	simm.s32 $0x80;
	s1 =	simm.s32 $0x400  }
0x265: {  	s2 =	simm.s32 $0xA600;
	s5 =	rddreg [dreg:$0x8];
	s31 =	simm.s32 $0x2;
	[tilespmem:s0+$0xA600] =	vst v1  }
0x266: {  	[hbm4b:s5+s30] =	stream.strided.scatter [tilespmem:s2], [sflag:$0x2], $0x380, s1, s30, $0x38;
	[tilespmem:$0xA9A0] =	vst v63  }
0x267: {  	_ =	swait.ge [sflag:s31], $0x380  }
0x268: {  	[sflag:s31] =	ssyncset.done $0x0  }
0x269: {  	s0 =	simm.s32 $0x0;
	[sflag:s31] =	ssyncadd.s32 $0xFFFFFC80  }
0x26a: {  	v1 =	vld [tilespmem:s0+$0xA280]  }
0x26b: {  	v0 =	vbroadcast v0, $0x6;
	s1 =	simm.s32 $0x40  }
.LBB2_24:
0x26c: {  	p0 =	sne.s32 s1, $0xC00  }
.Ltmp15:
0x26d: {  	_ = 	snop;
	(pc) =	sbr.rel @p0 .LBB2_24-.Ltmp15, $4  }
0x26e: {  	_ = 	snop  }
0x26f: {  	s2 =	sshra.s32 s1, $0x2;
	s1 =	sadd.s32 $0x40, s1;
	v2 =	vmul.f32 v1, v0  }
0x270: {  	v1 =	vld [tilespmem:s2+$0xA280]  }
0x271: {  	[tilespmem:s0+$0xA600] =	vst v2;
	s0 =	smov.u32 s2  }
0x272: {  	_ =	sdelay $0x2  }
0x273: {  	v0 =	vmul.f32 v1, v0  }
0x274: {  	p1 =	sgt.u32 s11, $0x3;
	s5 =	rddreg [dreg:$0x7]  }
0x275: {  	s1 =	simm.s32 @!p1 $0x400;
	s2 =	simm.s32 @!p1 $0xA600;
	[tilespmem:s0+$0xA600] =	vst v0;
	s0 =	simm.s32 @!p1 $0x80  }
0x276: {  	[hbm4b:s5+s0] =	stream.strided.scatter @!p1 [tilespmem:s2], [sflag:$0x2], $0x380, s1, s0, $0x38;
	[tilespmem:$0xA9A0] =	vst v63  }
0x277: {  	p0 =	sne.s32 @!p1 s11, $0x0;
	s0 =	simm.s32 @!p1 $0x2  }
0x278: {  	p0 =	por p0, p1;
	_ =	swait.ge @!p1 [sflag:s0], $0x380  }
0x279: {  	s1 =	simm.s32 @!p0 $0x5480;
	[sflag:s0] =	ssyncset.done @!p1 $0x0  }
0x27a: {  	s2 =	rddreg [dreg:$0x6];
	[sflag:s0] =	ssyncadd.s32 @!p1 $0xFFFFFC80;
	s0 =	simm.s32 @!p0 $0x0  }
0x27b: {  	[hbm4b:s2+s0] =	stream.linear.scatter @!p0 [tilespmem:s1], [sflag:$0x2], $0x3800, $0x38;
	[tilespmem:$0xA9A0] =	vst v63  }
0x27c: {  	s1 =	simm.s32 @!p0 $0x2  }
0x27d: {  	_ =	swait.ge @!p0 [sflag:s1], $0x3800  }
0x27e: {  	[sflag:s1] =	ssyncset.done @!p0 $0x0  }
0x27f: {  	s2 =	simm.s32 @!p0 $0x8C80;
	[sflag:s1] =	ssyncadd.s32 @!p0 $0xFFFFC800  }
0x280: {  	[hbm4b:s4+s0] =	stream.linear.scatter @!p0 [tilespmem:s2], [sflag:$0x2], $0x80, $0x38;
	[tilespmem:$0xA9A0] =	vst v63  }
0x281: {  	_ =	swait.ge @!p0 [sflag:s1], $0x80  }
0x282: {  	[sflag:s1] =	ssyncset.done @!p0 $0x0  }
0x283: {  	s2 =	simm.s32 @!p0 $0x8D00;
	[sflag:s1] =	ssyncadd.s32 @!p0 $0xFFFFFF80  }
0x284: {  	[hbm4b:s3+s0] =	stream.linear.scatter @!p0 [tilespmem:s2], [sflag:$0x2], $0x80, $0x38;
	[tilespmem:$0xA9A0] =	vst v63  }
0x285: {  	_ =	swait.ge @!p0 [sflag:s1], $0x80  }
0x286: {  	[sflag:s1] =	ssyncset.done @!p0 $0x0  }
0x287: {  	[sflag:s1] =	ssyncadd.s32 @!p0 $0xFFFFFF80  }
0x288: {  	s2 =	rddreg [dreg:$0x5]  }
.LBB2_26:
0x289: {  	_ =	sfence.sel $0x180000  }
0x28a: {  	[bflag:$0x0] =	sbarrier.arrive $0xFFFF  }
0x28b: {  	p0 =	sne.s32 s11, $0x0;
	_ =	strace $0x9000004A  }
0x28c: {  	s0 =	sadd.s32 @!p0 $0x100000, s2;
	[bflag:$0x2] =	sbarrier.arrive $0xFFFF  }
0x28d: {  	[sflag:s0] =	ssyncadd.tile.s32 @!p0 $0x1;
	_ =	shalt  }
.Lfunc_end2:
_tile_overlayer_lowered:
.L_overlay_start_2:
0x28e: {  	(tag) =	ssettag $0x2  }
0x28f: {  	s0 =	rddreg [dreg:$0x0];
	s2 =	stileid.u32  }
0x290: {  	s1 =	rddreg [dreg:$0x1];
	p0 =	sne.s32 s2, $0x0  }
0x291: {  	s3 =	rddreg [dreg:$0x2];
	[bflag:$0x3] =	sbarrier.arrive $0xFFFF;
	s2 =	simm.s32 @!p0 $0x1C02  }
0x292: {  	[timem:s3], [sflag:s2] =	dma.local @!p0 [hbm:s0], s1  }
0x293: {  	s0 =	simm.s32 @!p0 $0x2  }
0x294: {  	_ =	swait.ge @!p0 [sflag:s0], s1  }
0x295: {  	s1 =	ssub.s32 @!p0 $0x0, s1;
	[sflag:s0] =	ssyncset.done @!p0 $0x0  }
0x296: {  	[sflag:s0] =	ssyncadd.s32 @!p0 s1  }
0x297: {  	[bflag:$0x3] =	sbarrier.arrive $0xFFFF  }
0x298: {  	_ =	shalt  }

// kernel: sparse-core-data-format-call.cloned.1.call-start
scs
called_computation_lowered:
.L_overlay_start_0:
0x0: {  	s1 =	sld [smem:$0x3FD9]  }
0x1: {  	s2 =	sld [smem:$0x3FFE];
	_ =	sdelay $0x1  }
0x2: {  	s3 =	srdreg.scid  }
0x3: {  	s0 =	sand.u32 $0x1, s3  }
0x4: {  	s17 =	sshll.u32 s0, $0xA;
	s1 =	sadd.s32 s2, s1  }
0x5: {  	s1 =	sadd.s32 s1, s17  }
0x6: {  	[smem:$0x3FC4] =	sst s1  }
0x7: {  	_ = 	snop  }
0x8: {  	(tm) =	ssettm $0x1  }
0x9: {  	s18 =	sld [smem:$0x3FFB];
	_ =	sdelay $0x3  }
0xa: {  	_ =	strace s18  }
0xb: {  	s1 =	sld [smem:$0x3FFC];
	_ =	sdelay $0x3  }
0xc: {  	_ =	strace s1  }
0xd: {  	s1 =	sld [smem:$0x3FFD];
	_ =	sdelay $0x3  }
0xe: {  	_ =	strace s1  }
0xf: {  	_ =	strace $0x8FFFFFFF  }
0x10: {  	s19 =	sld [smem:$0x3FDB];
	_ =	sdelay $0x1  }
0x11: {  	s20 =	simm.s32 $_scs_section_size  }
0x12: {  	s4 =	simm.s32 $_size__tile_overlayer_lowered;
	s5 =	simm.s32 $_tile_overlayer_lowered  }
0x13: {  	s23 =	simm.s32 $0x1BFF;
	s22 =	sshll.u32 s5, $0x1;
	s1 =	sadd.s32 s20, s19  }
0x14: {  	s6 =	simm.s32 $0x0;
	s21 =	sshll.u32 s4, $0x1;
	s4 =	sadd.s32 s22, s1  }
0x15: {  	[timem:s6], [sflag:s23] =	dma.local [hbm:s4], s21  }
0x16: {  	_ =	swait.ge [sflag:s23], s21  }
0x17: {  	s2 =	ssub.s32 $0x0, s21;
	[sflag:s23] =	ssyncset.done $0x0  }
0x18: {  	[sflag:s23] =	ssyncadd.s32 s2;
	_ =	sdelay $0x1  }
0x19: {  	s24 =	simm.s32 $0x1B8B  }
0x1a: {  	_ =	swait.ge [sflag:s24], $0x1  }
0x1b: {  	[sflag:s24] =	ssyncset.done $0x0  }
0x1c: {  	s26 =	simm.s32 $0x1B8E;
	s25 =	sld [smem:$0x3FFE];
	[sflag:s24] =	ssyncadd.s32 $0xFFFFFFFF  }
0x1d: {  	s27 =	simm.s32 $execute0_lowered;
	[smem:$0x3FD2] =	sst s26  }
0x1e: {  	s4 =	sshll.u32 s27, $0x1;
	_ =	strace $0x80000046;
	[dreg:$0x1] =	wrdreg $0xFFFFFFFF  }
0x1f: {  	s28 =	simm.s32 $_size_execute0_lowered;
	s1 =	sadd.s32 s1, s4;
	[dreg:$0x0] =	wrdreg $0x0  }
0x20: {  	s4 =	sshll.u32 s28, $0x1;
	[dreg:$0x2] =	wrdreg s1  }
0x21: {  	[dreg:$0x3] =	wrdreg s4  }
0x22: {  	[dreg:$0x4] =	wrdreg $0xC0  }
0x23: {  	_ =	task [dreg:s6], $0x5FFFF  }
0x24: {  	[dreg:$0x1] =	wrdreg $0xFFFFFFFF  }
0x25: {  	[dreg:$0x0] =	wrdreg $0x60  }
0x26: {  	[dreg:$0x2] =	wrdreg s25  }
0x27: {  	[dreg:$0x3] =	wrdreg $0x9  }
0x28: {  	_ =	task.clear_ibuf [dreg:s6], $0x4FFFF;
	_ =	strace $0x90000046  }
0x29: {  	s29 =	simm.s32 $0x9;
	_ =	strace $0x80000048  }
0x2a: {  	_ =	swait.ge [sflag:s29], $0x1  }
0x2b: {  	[sflag:s29] =	ssyncadd.s32 $0xFFFFFFFF  }
0x2c: {  	_ =	strace $0x90000048  }
0x2d: {  	_ =	sfence  }
0x2e: {  	s30 =	sld [smem:$0x0];
	_ =	sdelay $0x2  }
0x2f: {  	s31 =	sshll.u32 s3, $0xD;
	s3 =	sshrl.u32 s3, $0x2  }
0x30: {  	s2 =	sand.u32 $0x4000, s31;
	s1 =	sadd.s32 s3, s30  }
0x31: {  	s0 =	sor.u32 s2, s0;
	s1 =	sshll.u32 s1, $0x11  }
0x32: {  	s0 =	sor.u32 s1, s0  }
0x33: {  	s0 =	sadd.s32 $0x8F2B, s0  }
0x34: {  	[sflag:s0] =	ssyncadd.remote.s32 $0x1  }
0x35: {  	_ =	sfence.sel $0xFFFF  }
0x36: {  	[dreg:$0x0] =	wrdreg $0xFFFFFFFF;
	(pc) =	sbr.abs _section_cstart, $3  }
0x37: {  	[dreg:$0x1] =	wrdreg $0xFFFFFFFF  }
0x38: {  	_ =	task.clear_ibuf [dreg:s6], $0x2FFFF;
	_ =	strace $0x9FFFFFFF  }
0x39: {  	(tm) =	ssettm $0x7FFFFFFF  }
tec
execute0_lowered:
.L_overlay_start_1:
0x0: {  	(tag) =	ssettag $0x1  }
0x1: {  	s0 =	srdreg.scid;
	s1 =	stileid.u32  }
0x2: {  	s30 =	rddreg [dreg:$0x0];
	_ =	strace $0x80000047;
	s0 =	sshll.u32 s0, $0x4  }
0x3: {  	s3 =	simm.s32 $0x1;
	s5 =	simm.s32 $0x2;
	s0 =	sand.u32 $0x10, s0  }
0x4: {  	s15 =	simm.s32 $0x0;
	s14 =	simm.s32 $0x0;
	s0 =	sor.u32 s1, s0  }
0x5: {  	s9 =	simm.s32 $0x0;
	s11 =	simm.s32 $0x0;
	s2 =	sshll.u32 s0, $0x7  }
.Ltmp0:
0x6: {  	s12 =	simm.s32 $0x0;
	s0 =	ssub.s32 $0x4E00, s2;
	(pc) =	sbr.rel .LBB1_1-.Ltmp0, $4  }
0x7: {  	[sflag:s3] =	ssyncpa.u1 $0x0;
	s31 =	sadd.s32 $0x1200, s30;
	s0 =	sshrl.u32 s0, $0xC  }
0x8: {  	[dreg:$0x2] =	wrdreg s31;
	s1 =	sadd.s32 $0x1E2000, s30;
	s0 =	smul.u32 $0x7, s0  }
0x9: {  	s13 =	simm.s32 $0x0;
	[sflag:s5] =	ssyncpa.u1 $0x0;
	[dreg:$0x3] =	wrdreg s1  }
0xa: {  	s10 =	smov.u32 s2;
	s6 =	sadd.s32 $0x7, s0;
	s7 =	sadd.s32 $0x8, s0  }
.LBB1_11:
0xb: {  	s0 =	sshrl.u32 s9, $0x3  }
0xc: {  	s1 =	sshll.u32 s11, $0x3;
	s0 =	smul.u32 $0x1C00, s0  }
0xd: {  	s3 =	sshll.u32 s9, $0x7;
	s1 =	sand.u32 $0xFFFFFC00, s1  }
0xe: {  	s25 =	sand.u32 $0x380, s3;
	s0 =	sadd.s32 s1, s0  }
0xf: {  	p0 =	sgt.s32 s9, $0x4DA0;
	s0 =	sor.u32 s25, s0  }
0x10: {  	s4 =	smov.u32 s11;
	s3 =	smov.u32 s9;
	s1 =	sshrl.u32 s0, $0x7  }
0x11: {  	s26 =	sand.u32 $0x7F, s11;
	s3 =	simm.s32 @!p0 $0x4DA0;
	s1 =	smulhi.u32 $0x24924925, s1  }
0x12: {  	s30 =	rddreg [dreg:$0x3];
	p0 =	sgt.s32 s11, $0x300;
	s3 =	sadd.s32 s18, s3  }
0x13: {  	s4 =	simm.s32 @!p0 $0x300;
	s8 =	sadd.s32 $0xFFFFB260, s3;
	s5 =	smulhi.u32 $0x1A36E3, s1  }
0x14: {  	s4 =	sadd.s32 s16, s4;
	s3 =	ssub.s32 $0x4E20, s3;
	p0 =	sgt.s32 s8, $0x7F  }
0x15: {  	s27 =	sadd.s32 $0xFFFFFD00, s4;
	s28 =	smul.u32 $0x380, s1;
	s5 =	sshrl.u32 s5, $0x3  }
0x16: {  	s4 =	ssub.s32 $0x380, s4;
	p1 =	sgt.s32 s27, $0x7F;
	s5 =	smul.u32 $0x4E20, s5  }
0x17: {  	s0 =	sor.u32 s26, s0;
	s3 =	simm.s32 @p0 $0x0;
	s4 =	simm.s32 @p1 $0x0  }
0x18: {  	s3 =	smul.u32 s4, s3;
	s0 =	ssub.s32 s0, s28;
	s1 =	ssub.s32 s1, s5  }
0x19: {  	s29 =	sshrl.u32 s0, $0x3;
	s0 =	sand.u32 $0x7, s0;
	s1 =	smul.u32 $0x70, s1  }
0x1a: {  	s31 =	simm.s32 $0x1C00;
	s4 =	sadd.s32 s30, s29;
	s0 =	sshll.u32 s0, $0x12  }
0x1b: {  	s3 =	sand.u32 $0x3FFFFFFF, s3;
	s0 =	sor.u32 $0x400, s0;
	s1 =	sadd.s32 s1, s4  }
0x1c: {  	[hbm4b:s1+s0] =	stream.strided.scatter [tilespmem:s17], [sflag:$0x2], s3, s31, s0, $0x20;
	[tilespmem:$0x10100] =	vst v63  }
.LBB1_12:
0x1d: {  	p0 =	slt.u32 s13, $0x2  }
0x1e: {  	s1 =	smov.u32 s15;
	s3 =	smov.u32 s14;
	p1 =	sgt.s32 @!p0 s15, $0x4DA0  }
0x1f: {  	s0 =	sshra.s32 @!p0 s15, $0x1F;
	p2 =	sgt.s32 @!p0 s14, $0x300;
	s4 =	sshra.s32 @!p0 s14, $0x1F  }
0x20: {  	p1 =	por !p1, p0;
	s0 =	sand.u32 @!p0 s0, s15;
	p2 =	por !p2, p0  }
0x21: {  	s4 =	sand.u32 @!p0 s4, s14;
	s1 =	simm.s32 @p1 $0x4DA0;
	s3 =	simm.s32 @p2 $0x300  }
0x22: {  	s0 =	ssub.s32 @!p0 s1, s0;
	s1 =	ssub.s32 @!p0 s3, s4  }
0x23: {  	s3 =	sadd.s32 @!p0 $0xFFFFB260, s0;
	s4 =	sadd.s32 @!p0 $0xFFFFFD00, s1  }
0x24: {  	s0 =	ssub.s32 @!p0 $0x4E20, s0;
	p1 =	sgt.s32 @!p0 s3, $0x7F;
	p2 =	sgt.s32 @!p0 s4, $0x7F  }
0x25: {  	s1 =	ssub.s32 @!p0 $0x380, s1;
	p1 =	por !p1, p0;
	p2 =	por !p2, p0  }
0x26: {  	s0 =	simm.s32 @!p1 $0x0;
	s1 =	simm.s32 @!p2 $0x0  }
0x27: {  	s0 =	smul.u32 @!p0 s1, s0;
	s1 =	sadd.s32 $0x1000, s10  }
0x28: {  	s5 =	smov.u32 s12;
	s4 =	sadd.s32 $0x80, s12;
	p1 =	sgt.s32 s1, $0x4E1F  }
0x29: {  	s5 =	smov.u32 @p1 s4  }
0x2a: {  	s1 =	smov.u32 @p1 s2;
	p1 =	sgt.s32 s5, $0x30F  }
0x2b: {  	s5 =	simm.s32 @p1 $0x0;
	p1 =	sne.s32 s13, s7  }
.Ltmp1:
0x2c: {  	s15 =	smov.u32 s9;
	(pc) =	sbr.rel @!p1 .LBB1_13-.Ltmp1, $4  }
0x2d: {  	s14 =	smov.u32 s11;
	s3 =	simm.s32 @!p0 $0x2;
	s0 =	sand.u32 @!p0 $0x3FFFFFFF, s0  }
0x2e: {  	s9 =	smov.u32 s10;
	s11 =	smov.u32 s12;
	_ =	swait.ge @!p0 [sflag:s3], s0  }
0x2f: {  	s0 =	ssub.s32 @!p0 $0x0, s0;
	s10 =	smov.u32 s1;
	[sflag:s3] =	ssyncset.done @!p0 $0x0  }
0x30: {  	s13 =	sadd.s32 $0x1, s13;
	[sflag:s3] =	ssyncadd.s32 @!p0 s0;
	s12 =	smov.u32 s5  }
.LBB1_1:
0x31: {  	p0 =	sge.u32 s13, s6  }
0x32: {  	s0 =	smov.u32 s12;
	p1 =	sgt.s32 @!p0 s12, $0x290  }
0x33: {  	s1 =	sshra.s32 @!p0 s12, $0x1F;
	s5 =	sshra.s32 @!p0 s10, $0x1F;
	p1 =	por !p1, p0  }
0x34: {  	s1 =	sand.u32 @!p0 s1, s12;
	s0 =	simm.s32 @p1 $0x290;
	p1 =	sgt.s32 @!p0 s10, $0x4E00  }
0x35: {  	s0 =	ssub.s32 @!p0 s0, s1;
	p1 =	por !p1, p0;
	s1 =	smov.u32 s10  }
0x36: {  	s5 =	sand.u32 @!p0 s5, s10;
	s8 =	sadd.s32 @!p0 $0xFFFFFD70, s0;
	s1 =	simm.s32 @p1 $0x4E00  }
0x37: {  	s16 =	smulhi.u32 @!p0 $0x342DA7F3, s10;
	p1 =	sgt.s32 @!p0 s8, $0x7F;
	s1 =	ssub.s32 @!p0 s1, s5  }
0x38: {  	s0 =	ssub.s32 @!p0 $0x310, s0;
	p1 =	por !p1, p0;
	s5 =	sadd.s32 @!p0 $0xFFFFB200, s1  }
0x39: {  	s0 =	simm.s32 @!p1 $0x0;
	p1 =	sgt.s32 @!p0 s5, $0x7F  }
0x3a: {  	s1 =	ssub.s32 @!p0 $0x4E80, s1;
	s5 =	sshrl.u32 @!p0 s16, $0xC;
	p1 =	por !p1, p0  }
0x3b: {  	s5 =	smul.u32 @!p0 $0x4E80, s5;
	s1 =	simm.s32 @!p1 $0x0  }
0x3c: {  	s3 =	rddreg [dreg:$0x2];
	s8 =	sxor.u32 @!p0 $0xFFFFFFFF, s13;
	s0 =	smul.u32 @!p0 s0, s1  }
0x3d: {  	s1 =	sshll.u32 @!p0 s8, $0xE;
	s5 =	ssub.s32 @!p0 s10, s5;
	s8 =	smul.u32 @!p0 $0x9D0, s12  }
0x3e: {  	s1 =	sand.u32 @!p0 $0x4000, s1;
	s16 =	sand.u32 @!p0 $0x7, s5;
	s5 =	sshrl.u32 @!p0 s5, $0x3  }
0x3f: {  	s0 =	sand.u32 @!p0 $0x3FFFFFFF, s0;
	s8 =	sadd.s32 @!p0 s3, s8;
	s16 =	sshll.u32 @!p0 s16, $0x12  }
0x40: {  	s5 =	sadd.s32 @!p0 s5, s8;
	s8 =	sor.u32 @!p0 $0x80, s16;
	s16 =	simm.s32 @!p0 $0x4E80  }
0x41: {  	[tilespmem:s1], [sflag:$0x1] =	stream.strided.gather @!p0 [hbm4b:s5+s8], s0, s16, s8, $0x38;
	[tilespmem:$0x10100] =	vst v63  }
0x42: {  	p0 =	seq.s32 s13, $0x0  }
0x43: {  	p1 =	sge.u32 @!p0 s13, s7  }
0x44: {  	p0 =	por p0, p1  }
.Ltmp2:
0x45: {  	_ = 	snop;
	(pc) =	sbr.rel @p0 .LBB1_12-.Ltmp2, $1  }
0x46: {  	_ =	sdelay $0x3  }
0x47: {  	s0 =	ssub.s32 $0x0, s11;
	s1 =	sshra.s32 s11, $0x1F;
	p0 =	sgt.s32 s11, $0x290  }
0x48: {  	s5 =	smov.u32 s11;
	s26 =	ssub.s32 $0x0, s9;
	s27 =	sshra.s32 s9, $0x1F  }
0x49: {  	s8 =	smov.u32 s9;
	s5 =	simm.s32 @!p0 $0x290;
	p0 =	sgt.s32 s9, $0x4E00  }
0x4a: {  	s16 =	sand.u32 s0, s1;
	s18 =	sand.u32 s26, s27;
	s8 =	simm.s32 @!p0 $0x4E00  }
0x4b: {  	s5 =	sadd.s32 s16, s5;
	s1 =	sadd.s32 s18, s8  }
0x4c: {  	s28 =	sadd.s32 $0xFFFFFD70, s5;
	s5 =	ssub.s32 $0x310, s5;
	s29 =	sadd.s32 $0xFFFFB200, s1  }
0x4d: {  	p0 =	sgt.s32 s28, $0x7F;
	s0 =	ssub.s32 $0x4E80, s1;
	p1 =	sgt.s32 s29, $0x7F  }
0x4e: {  	s5 =	simm.s32 @p0 $0x0;
	s0 =	simm.s32 @p1 $0x0  }
0x4f: {  	s30 =	smul.u32 s5, s0;
	s5 =	sadd.s32 $0x80, s11  }
0x50: {  	p0 =	slt.s32 s5, $0x310  }
0x51: {  	s5 =	simm.s32 @!p0 $0x310  }
0x52: {  	s19 =	ssub.s32 s5, s11  }
0x53: {  	p0 =	slt.s32 s19, $0x1  }
.Ltmp3:
0x54: {  	_ = 	snop;
	(pc) =	sbr.rel @p0 .LBB1_11-.Ltmp3, $4  }
0x55: {  	s3 =	simm.s32 $0x1;
	s0 =	sand.u32 $0x1, s13;
	s1 =	sand.u32 $0x3FFFFFFF, s30  }
0x56: {  	s31 =	smul.u32 $0x4080, s0;
	_ =	swait.ge [sflag:s3], s1  }
0x57: {  	s1 =	ssub.s32 $0x0, s1;
	[sflag:s3] =	ssyncset.done $0x0  }
0x58: {  	s17 =	sor.u32 $0x8000, s31;
	[sflag:s3] =	ssyncadd.s32 s1  }
0x59: {  	s1 =	sadd.s32 $0x80, s9  }
0x5a: {  	p0 =	slt.s32 s1, $0x4E20  }
.Ltmp4:
0x5b: {  	s1 =	simm.s32 @!p0 $0x4E20;
	(pc) =	sbr.rel .LBB1_4-.Ltmp4, $4  }
0x5c: {  	s1 =	ssub.s32 s1, s9  }
0x5d: {  	s1 =	sadd.s32 $0xF, s1  }
0x5e: {  	s22 =	sshll.u32 s0, $0xE;
	s20 =	sand.u32 $0xFFFFFFF0, s1;
	s21 =	sand.u32 $0xFFFFFF00, s1  }
0x5f: {  	s23 =	simm.s32 $0x0;
	p0 =	slt.s32 s1, $0x100;
	p1 =	sge.s32 s21, s20  }
.LBB1_10:
0x60: {  	s23 =	sadd.s32 $0x1, s23  }
0x61: {  	p2 =	sne.s32 s23, s19  }
.Ltmp5:
0x62: {  	_ = 	snop;
	(pc) =	sbr.rel @!p2 .LBB1_11-.Ltmp5, $1  }
0x63: {  	_ =	sdelay $0x3  }
.LBB1_4:
.Ltmp6:
0x64: {  	(pc) =	sbr.rel @p0 .LBB1_8-.Ltmp6, $4  }
0x65: {  	_ = 	snop  }
0x66: {  	s0 =	sshll.u32 s23, $0x9  }
0x67: {  	s1 =	sand.u32 $0x7F, s23;
	s0 =	sshra.s32 s0, $0x2  }
0x68: {  	s24 =	sshrl.u32 s23, $0x4;
	s26 =	sadd.s32 s1, s17;
	s25 =	sadd.s32 s0, s22  }
0x69: {  	s0 =	sshll.u32 s23, $0x3  }
0x6a: {  	s1 =	sand.u32 $0x78, s24;
	s5 =	sadd.s32 $0x800, s0  }
0x6b: {  	s8 =	smul.u32 $0x204, s1;
	s28 =	sadd.s32 $0x1000, s0;
	s1 =	sxor.u32 $0x40, s1  }
0x6c: {  	s30 =	sadd.s32 $0x3000, s0;
	s5 =	sshrl.u32 s5, $0x7;
	s3 =	sshrl.u32 s28, $0x7  }
0x6d: {  	v7 =	vld [tilespmem:s25+$0x0];
	s28 =	sadd.s32 $0x1800, s0;
	s1 =	smul.u32 $0x204, s1;
	s30 =	sshrl.u32 s30, $0x7  }
0x6e: {  	s5 =	sand.u32 $0x78, s5;
	s8 =	sshrl.u32 s8, $0x2;
	s29 =	sshrl.u32 s28, $0x7  }
0x6f: {  	v2 =	vld [tilespmem:s25+$0x40];
	s5 =	smul.u32 $0x204, s5;
	s27 =	sadd.s32 s8, s26;
	s8 =	sand.u32 $0x78, s3  }
0x70: {  	v6 =	vld [tilespmem:s25+$0x10];
	s4 =	sand.u32 $0x78, s29;
	s29 =	sadd.s32 $0x2800, s0;
	s0 =	sadd.s32 $0x3800, s0  }
0x71: {  	s1 =	sshrl.u32 s1, $0x2;
	s29 =	sshrl.u32 s29, $0x7;
	s5 =	sshrl.u32 s5, $0x2  }
0x72: {  	v1 =	vld [tilespmem:s25+$0x50];
	[tilespmem:s27+$0x0 ss:$0x81] =	vst.msk $0xffff, v7;
	s29 =	sand.u32 $0x78, s29;
	s28 =	sadd.s32 s5, s26;
	s5 =	smul.u32 $0x204, s8  }
0x73: {  	v4 =	vld [tilespmem:s25+$0x30];
	[tilespmem:s27+$0x0 ss:$0x81] =	vst.msk $0xffff, v7;
	s3 =	smul.u32 $0x204, s29;
	s29 =	sand.u32 $0x78, s30;
	s30 =	sadd.s32 s1, s26  }
0x74: {  	v5 =	vld [tilespmem:s25+$0x20];
	s0 =	sshrl.u32 s0, $0x7;
	s8 =	smul.u32 $0x204, s4;
	[tilespmem:s30+$0x0 ss:$0x81] =	vst.msk $0xffff, v2  }
0x75: {  	p2 =	sgt.s32 s21, $0x100;
	s0 =	sand.u32 $0x78, s0;
	[tilespmem:s28+$0x0 ss:$0x81] =	vst.msk $0xffff, v6;
	s3 =	sshrl.u32 s3, $0x2  }
0x76: {  	v0 =	vld [tilespmem:s25+$0x70];
	s0 =	smul.u32 $0x204, s0;
	[tilespmem:s28+$0x0 ss:$0x81] =	vst.msk $0xffff, v6;
	s8 =	sshrl.u32 s8, $0x2;
	s1 =	sadd.s32 s3, s26  }
0x77: {  	v3 =	vld [tilespmem:s25+$0x60];
	s4 =	smul.u32 $0x204, s29;
	s5 =	sshrl.u32 s5, $0x2;
	s29 =	sadd.s32 s8, s26;
	[tilespmem:s1+$0x0 ss:$0x81] =	vst.msk $0xffff, v1  }
.Ltmp7:
0x78: {  	s31 =	sadd.s32 s5, s26;
	[tilespmem:s29+$0x0 ss:$0x81] =	vst.msk $0xffff, v4;
	(pc) =	sbr.rel @!p2 .LBB1_7-.Ltmp7, $4  }
0x79: {  	s8 =	sshrl.u32 s0, $0x2;
	[tilespmem:s31+$0x0 ss:$0x81] =	vst.msk $0xffff, v5  }
0x7a: {  	s5 =	sshrl.u32 s4, $0x2;
	s8 =	sadd.s32 s8, s26;
	[tilespmem:s31+$0x0 ss:$0x81] =	vst.msk $0xffff, v5  }
0x7b: {  	s0 =	sadd.s32 s5, s26;
	[tilespmem:s8+$0x0 ss:$0x81] =	vst.msk $0xffff, v0  }
0x7c: {  	s5 =	simm.s32 $0x100;
	[tilespmem:s0+$0x0 ss:$0x81] =	vst.msk $0xffff, v3  }
.LBB1_6:
0x7d: {  	v5 =	vld [tilespmem:s25+$0x70];
	[tilespmem:s29+$0x0 ss:$0x81] =	vst.msk $0xffff, v4  }
0x7e: {  	v6 =	vld [tilespmem:s25+$0x60];
	[tilespmem:s30+$0x0 ss:$0x81] =	vst.msk $0xffff, v2  }
0x7f: {  	[tilespmem:s1+$0x0 ss:$0x81] =	vst.msk $0xffff, v1;
	v1 =	vld [tilespmem:s25+$0x50]  }
0x80: {  	v2 =	vld [tilespmem:s25+$0x40];
	[tilespmem:s0+$0x0 ss:$0x81] =	vst.msk $0xffff, v3  }
0x81: {  	v4 =	vld [tilespmem:s25+$0x30];
	[tilespmem:s8+$0x0 ss:$0x81] =	vst.msk $0xffff, v0  }
0x82: {  	v7 =	vld [tilespmem:s25+$0x20];
	[tilespmem:s8+$0x0 ss:$0x81] =	vst.msk $0xffff, v5;
	v0 =	vmov v5  }
0x83: {  	v5 =	vld [tilespmem:s25+$0x10];
	[tilespmem:s0+$0x0 ss:$0x81] =	vst.msk $0xffff, v6;
	v3 =	vmov v6  }
0x84: {  	s5 =	sadd.s32 $0x100, s5;
	v6 =	vld [tilespmem:s25+$0x0];
	[tilespmem:s1+$0x0 ss:$0x81] =	vst.msk $0xffff, v1  }
0x85: {  	p2 =	slt.s32 s5, s21;
	[tilespmem:s30+$0x0 ss:$0x81] =	vst.msk $0xffff, v2  }
0x86: {  	[tilespmem:s29+$0x0 ss:$0x81] =	vst.msk $0xffff, v4  }
0x87: {  	[tilespmem:s31+$0x0 ss:$0x81] =	vst.msk $0xffff, v7  }
.Ltmp8:
0x88: {  	[tilespmem:s28+$0x0 ss:$0x81] =	vst.msk $0xffff, v5;
	(pc) =	sbr.rel @p2 .LBB1_6-.Ltmp8, $4  }
0x89: {  	[tilespmem:s27+$0x0 ss:$0x81] =	vst.msk $0xffff, v6  }
0x8a: {  	[tilespmem:s27+$0x0 ss:$0x81] =	vst.msk $0xffff, v6  }
0x8b: {  	[tilespmem:s28+$0x0 ss:$0x81] =	vst.msk $0xffff, v5  }
0x8c: {  	[tilespmem:s31+$0x0 ss:$0x81] =	vst.msk $0xffff, v7  }
.LBB1_7:
0x8d: {  	[tilespmem:s29+$0x0 ss:$0x81] =	vst.msk $0xffff, v4  }
0x8e: {  	[tilespmem:s30+$0x0 ss:$0x81] =	vst.msk $0xffff, v2  }
0x8f: {  	[tilespmem:s1+$0x0 ss:$0x81] =	vst.msk $0xffff, v1  }
0x90: {  	[tilespmem:s0+$0x0 ss:$0x81] =	vst.msk $0xffff, v3  }
0x91: {  	[tilespmem:s8+$0x0 ss:$0x81] =	vst.msk $0xffff, v0  }
.LBB1_8:
.Ltmp9:
0x92: {  	(pc) =	sbr.rel @p1 .LBB1_10-.Ltmp9, $2  }
0x93: {  	_ =	sdelay $0x2  }
0x94: {  	s0 =	smov.u32 s21  }
.LBB1_9:
0x95: {  	s1 =	sand.u32 $0x70, s0;
	s3 =	sadd.s32 s0, s24  }
0x96: {  	s0 =	sadd.s32 $0x10, s0;
	s1 =	sadd.s32 s1, s25;
	s31 =	sand.u32 $0x78, s3  }
0x97: {  	p2 =	slt.s32 s0, s20;
	v0 =	vld [tilespmem:s1+$0x0];
	s1 =	smul.u32 $0x204, s31  }
.Ltmp10:
0x98: {  	_ = 	snop;
	(pc) =	sbr.rel @p2 .LBB1_9-.Ltmp10, $4  }
0x99: {  	_ = 	snop  }
0x9a: {  	s1 =	sshrl.u32 s1, $0x2  }
0x9b: {  	s1 =	sadd.s32 s1, s26  }
0x9c: {  	[tilespmem:s1+$0x0 ss:$0x81] =	vst.msk $0xffff, v0  }
.Ltmp11:
0x9d: {  	_ = 	snop;
	(pc) =	sbr.rel .LBB1_10-.Ltmp11, $1  }
0x9e: {  	_ =	sdelay $0x3  }
.LBB1_13:
0x9f: {  	_ =	sfence.sel $0x180000  }
0xa0: {  	s0 =	simm.s32 $0x1;
	[bflag:$0x0] =	sbarrier.arrive $0xFFFF  }
0xa1: {  	s30 =	simm.s32 $0x2;
	[sflag:s0] =	ssyncpa.u1 $0x1  }
0xa2: {  	[sflag:s30] =	ssyncpa.u1 $0x1  }
0xa3: {  	_ =	strace $0x90000047  }
0xa4: {  	s31 =	stileid.u32;
	[bflag:$0x2] =	sbarrier.arrive $0xFFFF  }
0xa5: {  	p0 =	sne.s32 s31, $0x0;
	s0 =	rddreg [dreg:$0x1]  }
0xa6: {  	s0 =	sadd.s32 @!p0 $0x100000, s0  }
0xa7: {  	[sflag:s0] =	ssyncadd.tile.s32 @!p0 $0x1;
	_ =	shalt  }
.Lfunc_end1:
_tile_overlayer_lowered:
.L_overlay_start_2:
0xa8: {  	(tag) =	ssettag $0x2  }
0xa9: {  	s0 =	rddreg [dreg:$0x0];
	s2 =	stileid.u32  }
0xaa: {  	s1 =	rddreg [dreg:$0x1];
	p0 =	sne.s32 s2, $0x0  }
0xab: {  	s3 =	rddreg [dreg:$0x2];
	[bflag:$0x3] =	sbarrier.arrive $0xFFFF;
	s2 =	simm.s32 @!p0 $0x1C01  }
0xac: {  	[timem:s3], [sflag:s2] =	dma.local @!p0 [hbm:s0], s1  }
0xad: {  	s0 =	simm.s32 @!p0 $0x1  }
0xae: {  	_ =	swait.ge @!p0 [sflag:s0], s1  }
0xaf: {  	s1 =	ssub.s32 @!p0 $0x0, s1;
	[sflag:s0] =	ssyncset.done @!p0 $0x0  }
0xb0: {  	[sflag:s0] =	ssyncadd.s32 @!p0 s1  }
0xb1: {  	[bflag:$0x3] =	sbarrier.arrive $0xFFFF  }
0xb2: {  	_ =	shalt  }

</sc_bundles>
